<compile_context>
chip_gen: v7x
topology: tpu7x:2x2x1
jax: 0.10.2.dev20260603
libtpu: 0.0.44.dev20260713+nightly
codegen_flags: <defaults>
</compile_context>

<pallas_src>
import functools

import jax
import jax.numpy as jnp
from jax import lax
from jax.experimental import pallas as pl
from jax.experimental.pallas import tpu as pltpu
from jax.experimental.pallas import tpu_sc as plsc

NNODES = 10000
NEDGES = 320000
D = 128
NGRAPHS = 256

NC, NS = 2, 16
NW = NC * NS
ROWS = 10016
RPT = ROWS // NS
EPAD = 327680
CHUNK = 128
NCHUNK = EPAD // (NW * CHUNK)
DCHUNK = 128
NDCHUNK = EPAD // (NW * DCHUNK)
DEGR = 640
RBLK = 2504

_mesh = plsc.VectorSubcoreMesh(
    core_axis_name="c", subcore_axis_name="s", num_cores=NC, num_subcores=NS)


def _deg_body(dst_hbm, ones_hbm, zero_hbm, out_hbm, dstix, ones_v, shared):
    c = lax.axis_index("c")
    s = lax.axis_index("s")
    wid = s * NC + c
    seg = DEGR * 16 // NS
    pltpu.sync_copy(dst_hbm.at[wid], dstix)
    pltpu.sync_copy(ones_hbm, ones_v)
    pltpu.sync_copy(zero_hbm, shared.at[pl.ds(s * seg, seg)])
    plsc.subcore_barrier()

    def chunk(j, carry):
        pltpu.sync_copy(ones_v, shared.at[dstix.at[j]], add=True)
        return carry

    lax.fori_loop(0, NDCHUNK, chunk, 0)
    plsc.subcore_barrier()
    pltpu.sync_copy(shared.at[pl.ds(s * seg, seg)], out_hbm.at[c, s])


def _deg_call(dst3, onesA, zerosA):
    f = pl.kernel(
        _deg_body,
        out_type=jax.ShapeDtypeStruct((NC, NS, DEGR * 16 // NS, D),
                                      jnp.float32),
        mesh=_mesh,
        scratch_types=[
            pltpu.VMEM((NDCHUNK, DCHUNK), jnp.int32),
            pltpu.VMEM((DCHUNK, D), jnp.float32),
            pltpu.VMEM_SHARED((DEGR * 16, D), jnp.float32),
        ],
    )
    return f(dst3, onesA, zerosA)


def _scat_body(y_hbm, src_hbm, dst_hbm, zero_hbm, out_hbm,
               srcix, dstix, rowbuf, accum, *sems):
    c = lax.axis_index("c")
    s = lax.axis_index("s")
    wid = s * NC + c
    rsems = sems[0:2]
    isems = sems[2:6]
    pltpu.sync_copy(zero_hbm, accum.at[pl.ds(s * RPT, RPT)])
    plsc.subcore_barrier()

    def issue_idx(j, k):
        pltpu.async_copy(src_hbm.at[wid, j], srcix.at[k], isems[k])
        pltpu.async_copy(dst_hbm.at[wid, j], dstix.at[k], isems[k])

    def wait_idx(k):
        pltpu.make_async_copy(src_hbm.at[0, 0], srcix.at[k], isems[k]).wait()
        pltpu.make_async_copy(dst_hbm.at[0, 0], dstix.at[k], isems[k]).wait()

    for k in range(4):
        issue_idx(k, k)
    for b in range(2):
        wait_idx(b)
        pltpu.async_copy(y_hbm.at[srcix.at[b]], rowbuf.at[b], rsems[b])

    def outer(t, carry):
        for b in range(4):
            j = 4 * t + b
            rb = b % 2
            pltpu.make_async_copy(
                y_hbm.at[srcix.at[0]], rowbuf.at[rb], rsems[rb]).wait()
            pltpu.sync_copy(rowbuf.at[rb], accum.at[dstix.at[b]], add=True)
            issue_idx(jnp.minimum(j + 4, NCHUNK - 1), b)
            k2 = (b + 2) % 4
            wait_idx(k2)
            pltpu.async_copy(y_hbm.at[srcix.at[k2]], rowbuf.at[rb],
                             rsems[rb])
        return carry

    lax.fori_loop(0, NCHUNK // 4, outer, 0)
    for k in (2, 3):
        wait_idx(k)
    for b in range(2):
        pltpu.make_async_copy(
            y_hbm.at[srcix.at[0]], rowbuf.at[b], rsems[b]).wait()
    plsc.subcore_barrier()
    pltpu.sync_copy(accum.at[pl.ds(s * RPT, RPT)], out_hbm.at[c, s])


def _scat_call(y, src3, dst3, zerosC):
    f = pl.kernel(
        _scat_body,
        out_type=jax.ShapeDtypeStruct((NC, NS, RPT, D), jnp.float32),
        mesh=_mesh,
        scratch_types=[
            pltpu.VMEM((4, CHUNK), jnp.int32),
            pltpu.VMEM((4, CHUNK), jnp.int32),
            pltpu.VMEM((2, CHUNK, D), jnp.float32),
            pltpu.VMEM_SHARED((ROWS, D), jnp.float32),
        ] + [pltpu.SemaphoreType.DMA] * 6,
    )
    return f(y, src3, dst3, zerosC).reshape(NC, ROWS, D)


def _b_body(deg_ref, x_ref, w1_ref, y_ref, dinv_ref):
    deg = deg_ref[0] + deg_ref[1] + 1.0
    dinv = lax.rsqrt(deg)
    xw = jnp.dot(x_ref[...], w1_ref[...], preferred_element_type=jnp.float32)
    y_ref[...] = xw * dinv
    dinv_ref[...] = dinv


def _b_call(degp, x_p, W1):
    return pl.pallas_call(
        _b_body,
        grid=(ROWS // RBLK,),
        in_specs=[
            pl.BlockSpec((NC, RBLK, 1), lambda i: (0, i, 0)),
            pl.BlockSpec((RBLK, D), lambda i: (i, 0)),
            pl.BlockSpec((D, D), lambda i: (0, 0)),
        ],
        out_specs=[
            pl.BlockSpec((RBLK, D), lambda i: (i, 0)),
            pl.BlockSpec((RBLK, 1), lambda i: (i, 0)),
        ],
        out_shape=[
            jax.ShapeDtypeStruct((ROWS, D), jnp.float32),
            jax.ShapeDtypeStruct((ROWS, 1), jnp.float32),
        ],
    )(degp, x_p, W1)


def _d_body(sp_ref, y1_ref, dinv_ref, b1_ref, w2_ref, y2_ref):
    stot = sp_ref[0] + sp_ref[1] + y1_ref[...]
    dinv = dinv_ref[...]
    h = jnp.maximum(stot * dinv + b1_ref[...], 0.0)
    y2_ref[...] = jnp.dot(h, w2_ref[...],
                          preferred_element_type=jnp.float32) * dinv


def _d_call(s1, y1, dinv, b1, W2):
    return pl.pallas_call(
        _d_body,
        grid=(ROWS // RBLK,),
        in_specs=[
            pl.BlockSpec((NC, RBLK, D), lambda i: (0, i, 0)),
            pl.BlockSpec((RBLK, D), lambda i: (i, 0)),
            pl.BlockSpec((RBLK, 1), lambda i: (i, 0)),
            pl.BlockSpec((1, D), lambda i: (0, 0)),
            pl.BlockSpec((D, D), lambda i: (0, 0)),
        ],
        out_specs=pl.BlockSpec((RBLK, D), lambda i: (i, 0)),
        out_shape=jax.ShapeDtypeStruct((ROWS, D), jnp.float32),
    )(s1, y1, dinv, b1, W2)


def _e_body(sp_ref, y2_ref, dinv_ref, b2_ref, batch_ref, wfc_ref, bfc_ref,
            out_ref, sums, counts):
    i = pl.program_id(0)

    @pl.when(i == 0)
    def _():
        sums[...] = jnp.zeros_like(sums)
        counts[...] = jnp.zeros_like(counts)

    stot = sp_ref[0] + sp_ref[1] + y2_ref[...]
    h = jnp.maximum(stot * dinv_ref[...] + b2_ref[...], 0.0)
    ids = batch_ref[0]
    mask = (lax.broadcasted_iota(jnp.int32, (NGRAPHS, RBLK), 0)
            == ids).astype(jnp.float32)
    sums[...] += jnp.dot(mask, h, preferred_element_type=jnp.float32)
    counts[...] += jnp.sum(mask, axis=1, keepdims=True)

    @pl.when(i == ROWS // RBLK - 1)
    def _():
        g = sums[...] / jnp.maximum(counts[...], 1.0)
        z = jnp.dot(g, wfc_ref[...],
                    preferred_element_type=jnp.float32) + bfc_ref[...]
        out_ref[...] = jax.nn.sigmoid(z)


def _e_call(s2, y2, dinv, b2, batch_p, Wfc, bfc):
    return pl.pallas_call(
        _e_body,
        grid=(ROWS // RBLK,),
        in_specs=[
            pl.BlockSpec((NC, RBLK, D), lambda i: (0, i, 0)),
            pl.BlockSpec((RBLK, D), lambda i: (i, 0)),
            pl.BlockSpec((RBLK, 1), lambda i: (i, 0)),
            pl.BlockSpec((1, D), lambda i: (0, 0)),
            pl.BlockSpec((1, 1, RBLK), lambda i: (i, 0, 0)),
            pl.BlockSpec((D, 1), lambda i: (0, 0)),
            pl.BlockSpec((1, 1), lambda i: (0, 0)),
        ],
        out_specs=pl.BlockSpec((NGRAPHS, 1), lambda i: (0, 0)),
        out_shape=jax.ShapeDtypeStruct((NGRAPHS, 1), jnp.float32),
        scratch_shapes=[
            pltpu.VMEM((NGRAPHS, D), jnp.float32),
            pltpu.VMEM((NGRAPHS, 1), jnp.float32),
        ],
    )(s2, y2, dinv, b2, batch_p, Wfc, bfc)


def kernel(x, edge_index, batch, W1, b1, W2, b2, Wfc, bfc):
    npad = EPAD - NEDGES
    spread = jnp.arange(npad, dtype=jnp.int32) % 16
    src_p = jnp.concatenate([edge_index[0], spread])
    dst_p = jnp.concatenate([edge_index[1], NNODES + spread])
    src3 = src_p.reshape(NW, NCHUNK, CHUNK)
    dst3 = dst_p.reshape(NW, NCHUNK, CHUNK)
    dst3d = dst_p.reshape(NW, NDCHUNK, DCHUNK)
    x_p = jnp.concatenate([x, jnp.zeros((ROWS - NNODES, D), x.dtype)])
    batch_p = jnp.concatenate(
        [batch, jnp.full((ROWS - NNODES,), NGRAPHS, jnp.int32)]
    ).reshape(ROWS // RBLK, 1, RBLK)
    zerosA = jnp.zeros((DEGR * 16 // NS, D), jnp.float32)
    onesA = jnp.ones((DCHUNK, D), jnp.float32)
    zerosC = jnp.zeros((RPT, D), jnp.float32)

    deg_parts = _deg_call(dst3d, onesA, zerosA)
    degp = deg_parts.reshape(NC, DEGR * 16, D)[:, :ROWS, :1]
    y1, dinv = _b_call(degp, x_p, W1)
    s1 = _scat_call(y1, src3, dst3, zerosC)
    y2 = _d_call(s1, y1, dinv, b1.reshape(1, D), W2)
    s2 = _scat_call(y2, src3, dst3, zerosC)
    out = _e_call(s2, y2, dinv, b2.reshape(1, D), batch_p, Wfc,
                  bfc.reshape(1, 1))
    return out

# --- scband reference (transcript-rebuilt; emitter-appended) ---
"""Pipeline reference for scband-drug-discovery-gnn-24988119728496 (READ-ONLY COPY).

The authoritative reference and input builder live on the scoring server;
editing this copy changes nothing except your own understanding.
"""

import jax, jax.numpy as jnp
import numpy as np

N_NODES = 10000
N_EDGES = 320000
D_IN = 128
D_HID = 128
D_OUT = 1
N_GRAPHS = 256


def _gcn_conv(x, edge_index, W, b, num_nodes):
    # PyG-style GCNConv: linear transform, add self-loops, sym-normalized scatter-add
    xw = x @ W
    loop = jnp.arange(num_nodes, dtype=edge_index.dtype)
    src = jnp.concatenate([edge_index[0], loop])
    dst = jnp.concatenate([edge_index[1], loop])
    deg = jnp.zeros((num_nodes,), dtype=xw.dtype).at[dst].add(1.0)
    deg_inv_sqrt = jnp.where(deg > 0, deg ** -0.5, 0.0)
    norm = deg_inv_sqrt[src] * deg_inv_sqrt[dst]
    msg = xw[src] * norm[:, None]
    out = jnp.zeros((num_nodes, xw.shape[1]), dtype=xw.dtype).at[dst].add(msg)
    return out + b


def _global_mean_pool(x, batch, num_graphs):
    sums = jax.ops.segment_sum(x, batch, num_segments=num_graphs)
    counts = jax.ops.segment_sum(jnp.ones((x.shape[0],), dtype=x.dtype), batch, num_segments=num_graphs)
    return sums / jnp.maximum(counts, 1.0)[:, None]


def setup_inputs(seed: int = 0) -> dict:
    key = jax.random.key(seed)
    ks = jax.random.split(key, 10)
    x = jax.random.normal(ks[0], (N_NODES, D_IN), dtype=jnp.float32)
    edge_index = jax.random.randint(ks[1], (2, N_EDGES), 0, N_NODES, dtype=jnp.int64 if jax.config.jax_enable_x64 else jnp.int32).astype(jnp.int32)
    batch = jnp.sort(jax.random.randint(ks[2], (N_NODES,), 0, N_GRAPHS).astype(jnp.int32))
    s1 = 1.0 / np.sqrt(D_IN)
    s2 = 1.0 / np.sqrt(D_HID)
    W1 = jax.random.uniform(ks[3], (D_IN, D_HID), minval=-s1, maxval=s1, dtype=jnp.float32)
    b1 = jnp.zeros((D_HID,), dtype=jnp.float32)
    W2 = jax.random.uniform(ks[4], (D_HID, D_HID), minval=-s2, maxval=s2, dtype=jnp.float32)
    b2 = jnp.zeros((D_HID,), dtype=jnp.float32)
    Wfc = jax.random.uniform(ks[5], (D_HID, D_OUT), minval=-s2, maxval=s2, dtype=jnp.float32)
    bfc = jnp.zeros((D_OUT,), dtype=jnp.float32)
    return {"x": x, "edge_index": edge_index, "batch": batch, "W1": W1, "b1": b1, "W2": W2, "b2": b2, "Wfc": Wfc, "bfc": bfc}


def reference(x, edge_index, batch, W1, b1, W2, b2, Wfc, bfc):
    h = _gcn_conv(x, edge_index, W1, b1, N_NODES)
    h = jax.nn.relu(h)
    h = _gcn_conv(h, edge_index, W2, b2, N_NODES)
    h = jax.nn.relu(h)
    g = _global_mean_pool(h, batch, N_GRAPHS)
    # dropout is identity in eval mode (training=False)
    out = g @ Wfc + bfc
    return jax.nn.sigmoid(out)

if __name__ == "__main__":
    import jax
    _d = setup_inputs()
    print(jax.jit(kernel)(*tuple(_d.values())))

</pallas_src>

<mosaic_0001>
#map = affine_map<(d0, d1) -> (0, 0, 0)>
#map1 = affine_map<(d0, d1) -> (0, 0)>
#map2 = affine_map<(d0, d1) -> (0, 0, 0, 0)>
module attributes {stable_mosaic.version = 14 : i64} {
  func.func @_deg_body(%arg0: i32, %arg1: i32, %arg2: memref<32x80x128xi32, #tpu.memory_space<hbm>>, %arg3: memref<128x128xf32, #tpu.memory_space<hbm>>, %arg4: memref<640x128xf32, #tpu.memory_space<hbm>>, %arg5: memref<2x16x640x128xf32, #tpu.memory_space<hbm>>, %arg6: memref<80x128xi32, #tpu.memory_space<vmem>>, %arg7: memref<128x128xf32, #tpu.memory_space<vmem>>, %arg8: memref<10240x128xf32, #tpu.memory_space<vmem_shared>>) attributes {dimension_semantics = [#tpu.dimension_semantics<core_parallel>, #tpu.dimension_semantics<subcore_parallel>], iteration_bounds = array<i64: 2, 16>, scalar_prefetch = 0 : i64, scratch_operands = 3 : i64, tpu.core_type = #tpu.core_type<sc_vector_subcore>, window_params = [{transform_indices = #map}, {transform_indices = #map1}, {transform_indices = #map1}, {transform_indices = #map2}]} {
    %mul3A = arith.constant 2 : i32
    %mul3A_0 = arith.muli %arg1, %mul3A : i32
    %add3A = arith.addi %mul3A_0, %arg0 : i32
    "tpu.region"() ({
      %run_scoped3A = tpu.sem_alloc : memref<!tpu.dma_semaphore, #tpu.memory_space<semaphore_mem>>
      %dma_start3A = arith.constant 0 : i32
      %dma_start3A_11 = arith.constant 0 : i32
      %dma_start3A_12 = tpu.memref_slice %arg2[%add3A, %dma_start3A, %dma_start3A_11] : memref<32x80x128xi32, #tpu.memory_space<hbm>> -> memref<1x80x128xi32, #tpu.memory_space<hbm>>
      %dma_start3A_13 = tpu.memref_squeeze %dma_start3A_12 : memref<1x80x128xi32, #tpu.memory_space<hbm>> -> memref<80x128xi32, #tpu.memory_space<hbm>>
      %dma_start3A_14 = arith.constant 0 : i32
      %dma_start3A_15 = arith.constant 0 : i32
      %dma_start3A_16 = tpu.memref_slice %arg2[%add3A, %dma_start3A_14, %dma_start3A_15] : memref<32x80x128xi32, #tpu.memory_space<hbm>> -> memref<1x80x128xi32, #tpu.memory_space<hbm>>
      %dma_start3A_17 = tpu.memref_squeeze %dma_start3A_16 : memref<1x80x128xi32, #tpu.memory_space<hbm>> -> memref<80x128xi32, #tpu.memory_space<hbm>>
      tpu.enqueue_dma source(%dma_start3A_17 : memref<80x128xi32, #tpu.memory_space<hbm>>) target(%arg6 : memref<80x128xi32, #tpu.memory_space<vmem>>) target_semaphore(%run_scoped3A : memref<!tpu.dma_semaphore, #tpu.memory_space<semaphore_mem>>)
      %dma_wait3A = arith.constant 0 : i32
      %dma_wait3A_18 = arith.constant 0 : i32
      %dma_wait3A_19 = tpu.memref_slice %arg2[%add3A, %dma_wait3A, %dma_wait3A_18] : memref<32x80x128xi32, #tpu.memory_space<hbm>> -> memref<1x80x128xi32, #tpu.memory_space<hbm>>
      %dma_wait3A_20 = tpu.memref_squeeze %dma_wait3A_19 : memref<1x80x128xi32, #tpu.memory_space<hbm>> -> memref<80x128xi32, #tpu.memory_space<hbm>>
      %dma_wait3A_21 = arith.constant 0 : i32
      %dma_wait3A_22 = arith.constant 0 : i32
      %dma_wait3A_23 = tpu.memref_slice %arg2[%add3A, %dma_wait3A_21, %dma_wait3A_22] : memref<32x80x128xi32, #tpu.memory_space<hbm>> -> memref<1x80x128xi32, #tpu.memory_space<hbm>>
      %dma_wait3A_24 = tpu.memref_squeeze %dma_wait3A_23 : memref<1x80x128xi32, #tpu.memory_space<hbm>> -> memref<80x128xi32, #tpu.memory_space<hbm>>
      tpu.wait_dma2 semaphore(%run_scoped3A : memref<!tpu.dma_semaphore, #tpu.memory_space<semaphore_mem>>) src(%dma_wait3A_24 : memref<80x128xi32, #tpu.memory_space<hbm>>) dst(%arg6 : memref<80x128xi32, #tpu.memory_space<vmem>>)
      tpu.yield
    }) : () -> ()
    "tpu.region"() ({
      %run_scoped3A = tpu.sem_alloc : memref<!tpu.dma_semaphore, #tpu.memory_space<semaphore_mem>>
      tpu.enqueue_dma source(%arg3 : memref<128x128xf32, #tpu.memory_space<hbm>>) target(%arg7 : memref<128x128xf32, #tpu.memory_space<vmem>>) target_semaphore(%run_scoped3A : memref<!tpu.dma_semaphore, #tpu.memory_space<semaphore_mem>>)
      tpu.wait_dma2 semaphore(%run_scoped3A : memref<!tpu.dma_semaphore, #tpu.memory_space<semaphore_mem>>) src(%arg3 : memref<128x128xf32, #tpu.memory_space<hbm>>) dst(%arg7 : memref<128x128xf32, #tpu.memory_space<vmem>>)
      tpu.yield
    }) : () -> ()
    %mul3A_1 = arith.constant 640 : i32
    %mul3A_2 = arith.muli %arg1, %mul3A_1 : i32
    "tpu.region"() ({
      %run_scoped3A = tpu.sem_alloc : memref<!tpu.dma_semaphore, #tpu.memory_space<semaphore_mem>>
      %dma_start3A = arith.constant 0 : i32
      %dma_start3A_11 = tpu.memref_slice %arg8[%mul3A_2, %dma_start3A] : memref<10240x128xf32, #tpu.memory_space<vmem_shared>> -> memref<640x128xf32, #tpu.memory_space<vmem_shared>>
      tpu.enqueue_dma source(%arg4 : memref<640x128xf32, #tpu.memory_space<hbm>>) target(%dma_start3A_11 : memref<640x128xf32, #tpu.memory_space<vmem_shared>>) target_semaphore(%run_scoped3A : memref<!tpu.dma_semaphore, #tpu.memory_space<semaphore_mem>>)
      %dma_wait3A = arith.constant 0 : i32
      %dma_wait3A_12 = tpu.memref_slice %arg8[%mul3A_2, %dma_wait3A] : memref<10240x128xf32, #tpu.memory_space<vmem_shared>> -> memref<640x128xf32, #tpu.memory_space<vmem_shared>>
      tpu.wait_dma2 semaphore(%run_scoped3A : memref<!tpu.dma_semaphore, #tpu.memory_space<semaphore_mem>>) src(%arg4 : memref<640x128xf32, #tpu.memory_space<hbm>>) dst(%dma_wait3A_12 : memref<640x128xf32, #tpu.memory_space<vmem_shared>>)
      tpu.yield
    }) : () -> ()
    %barrier3A = arith.constant 0 : index
    tpu.barrier barrier_id(%barrier3A)
    %scan3A = arith.constant 0 : i32
    %scan3A_3 = arith.constant 0 : i32
    %scan3A_4 = arith.constant 80 : i32
    %scan3A_5 = arith.addi %scan3A_3, %scan3A_4 : i32
    %scan3A_6 = arith.constant 1 : i32
    scf.for %scan3A_11 = %scan3A_3 to %scan3A_5 step %scan3A_6  : i32 {
      "tpu.region"() ({
        %run_scoped3A = tpu.sem_alloc : memref<!tpu.dma_semaphore, #tpu.memory_space<semaphore_mem>>
        %dma_start3A = arith.constant 0 : i32
        %dma_start3A_12 = tpu.memref_slice %arg6[%scan3A_11, %dma_start3A] : memref<80x128xi32, #tpu.memory_space<vmem>> -> memref<1x128xi32, #tpu.memory_space<vmem>>
        %dma_start3A_13 = tpu.memref_squeeze %dma_start3A_12 : memref<1x128xi32, #tpu.memory_space<vmem>> -> memref<128xi32, #tpu.memory_space<vmem>>
        %dma_start3A_14 = arith.constant 0 : i32
        %dma_start3A_15 = arith.constant 0 : i32
        %dma_start3A_16 = tpu.memref_slice %arg8[%dma_start3A_14, %dma_start3A_15] : memref<10240x128xf32, #tpu.memory_space<vmem_shared>> -> memref<10240x128xf32, #tpu.memory_space<vmem_shared>>
        tpu.enqueue_indirect_dma source(%arg7 : memref<128x128xf32, #tpu.memory_space<vmem>>) target(%dma_start3A_16 : memref<10240x128xf32, #tpu.memory_space<vmem_shared>>) offsets(%dma_start3A_13 : memref<128xi32, #tpu.memory_space<vmem>>) semaphore(%run_scoped3A : memref<!tpu.dma_semaphore, #tpu.memory_space<semaphore_mem>>) {add = true}
        %dma_wait3A = arith.constant 0 : i32
        %dma_wait3A_17 = tpu.memref_slice %arg6[%scan3A_11, %dma_wait3A] : memref<80x128xi32, #tpu.memory_space<vmem>> -> memref<1x128xi32, #tpu.memory_space<vmem>>
        %dma_wait3A_18 = tpu.memref_squeeze %dma_wait3A_17 : memref<1x128xi32, #tpu.memory_space<vmem>> -> memref<128xi32, #tpu.memory_space<vmem>>
        %dma_wait3A_19 = arith.constant 0 : i32
        %dma_wait3A_20 = arith.constant 0 : i32
        %dma_wait3A_21 = tpu.memref_slice %arg8[%dma_wait3A_19, %dma_wait3A_20] : memref<10240x128xf32, #tpu.memory_space<vmem_shared>> -> memref<10240x128xf32, #tpu.memory_space<vmem_shared>>
        tpu.wait_indirect_dma semaphore(%run_scoped3A : memref<!tpu.dma_semaphore, #tpu.memory_space<semaphore_mem>>) src(%arg7 : memref<128x128xf32, #tpu.memory_space<vmem>>) dst(%dma_wait3A_21 : memref<10240x128xf32, #tpu.memory_space<vmem_shared>>)
        tpu.yield
      }) : () -> ()
    }
    %scan3A_7 = arith.constant 80 : i32
    %barrier3A_8 = arith.constant 0 : index
    tpu.barrier barrier_id(%barrier3A_8)
    %mul3A_9 = arith.constant 640 : i32
    %mul3A_10 = arith.muli %arg1, %mul3A_9 : i32
    "tpu.region"() ({
      %run_scoped3A = tpu.sem_alloc : memref<!tpu.dma_semaphore, #tpu.memory_space<semaphore_mem>>
      %dma_start3A = arith.constant 0 : i32
      %dma_start3A_11 = arith.constant 0 : i32
      %dma_start3A_12 = tpu.memref_slice %arg5[%arg0, %arg1, %dma_start3A, %dma_start3A_11] : memref<2x16x640x128xf32, #tpu.memory_space<hbm>> -> memref<1x1x640x128xf32, #tpu.memory_space<hbm>>
      %dma_start3A_13 = tpu.memref_squeeze %dma_start3A_12 : memref<1x1x640x128xf32, #tpu.memory_space<hbm>> -> memref<640x128xf32, #tpu.memory_space<hbm>>
      %dma_start3A_14 = arith.constant 0 : i32
      %dma_start3A_15 = tpu.memref_slice %arg8[%mul3A_10, %dma_start3A_14] : memref<10240x128xf32, #tpu.memory_space<vmem_shared>> -> memref<640x128xf32, #tpu.memory_space<vmem_shared>>
      tpu.enqueue_dma source(%dma_start3A_15 : memref<640x128xf32, #tpu.memory_space<vmem_shared>>) target(%dma_start3A_13 : memref<640x128xf32, #tpu.memory_space<hbm>>) target_semaphore(%run_scoped3A : memref<!tpu.dma_semaphore, #tpu.memory_space<semaphore_mem>>)
      %dma_wait3A = arith.constant 0 : i32
      %dma_wait3A_16 = arith.constant 0 : i32
      %dma_wait3A_17 = tpu.memref_slice %arg5[%arg0, %arg1, %dma_wait3A, %dma_wait3A_16] : memref<2x16x640x128xf32, #tpu.memory_space<hbm>> -> memref<1x1x640x128xf32, #tpu.memory_space<hbm>>
      %dma_wait3A_18 = tpu.memref_squeeze %dma_wait3A_17 : memref<1x1x640x128xf32, #tpu.memory_space<hbm>> -> memref<640x128xf32, #tpu.memory_space<hbm>>
      %dma_wait3A_19 = arith.constant 0 : i32
      %dma_wait3A_20 = tpu.memref_slice %arg8[%mul3A_10, %dma_wait3A_19] : memref<10240x128xf32, #tpu.memory_space<vmem_shared>> -> memref<640x128xf32, #tpu.memory_space<vmem_shared>>
      tpu.wait_dma2 semaphore(%run_scoped3A : memref<!tpu.dma_semaphore, #tpu.memory_space<semaphore_mem>>) src(%dma_wait3A_20 : memref<640x128xf32, #tpu.memory_space<vmem_shared>>) dst(%dma_wait3A_18 : memref<640x128xf32, #tpu.memory_space<hbm>>)
      tpu.yield
    }) : () -> ()
    return
  }
}

#map = affine_map<(d0, d1) -> (0, 0)>
#map1 = affine_map<(d0, d1) -> (0, 0, 0)>
#map2 = affine_map<(d0, d1) -> (0, 0, 0, 0)>
module attributes {stable_mosaic.version = 14 : i64} {
  func.func @_scat_body(%arg0: i32, %arg1: i32, %arg2: memref<10016x128xf32, #tpu.memory_space<hbm>>, %arg3: memref<32x80x128xi32, #tpu.memory_space<hbm>>, %arg4: memref<32x80x128xi32, #tpu.memory_space<hbm>>, %arg5: memref<626x128xf32, #tpu.memory_space<hbm>>, %arg6: memref<2x16x626x128xf32, #tpu.memory_space<hbm>>, %arg7: memref<4x128xi32, #tpu.memory_space<vmem>>, %arg8: memref<4x128xi32, #tpu.memory_space<vmem>>, %arg9: memref<2x128x128xf32, #tpu.memory_space<vmem>>, %arg10: memref<10016x128xf32, #tpu.memory_space<vmem_shared>>, %arg11: memref<!tpu.dma_semaphore, #tpu.memory_space<semaphore_mem>>, %arg12: memref<!tpu.dma_semaphore, #tpu.memory_space<semaphore_mem>>, %arg13: memref<!tpu.dma_semaphore, #tpu.memory_space<semaphore_mem>>, %arg14: memref<!tpu.dma_semaphore, #tpu.memory_space<semaphore_mem>>, %arg15: memref<!tpu.dma_semaphore, #tpu.memory_space<semaphore_mem>>, %arg16: memref<!tpu.dma_semaphore, #tpu.memory_space<semaphore_mem>>) attributes {dimension_semantics = [#tpu.dimension_semantics<core_parallel>, #tpu.dimension_semantics<subcore_parallel>], iteration_bounds = array<i64: 2, 16>, scalar_prefetch = 0 : i64, scratch_operands = 10 : i64, tpu.core_type = #tpu.core_type<sc_vector_subcore>, window_params = [{transform_indices = #map}, {transform_indices = #map1}, {transform_indices = #map1}, {transform_indices = #map}, {transform_indices = #map2}]} {
    %mul3A = arith.constant 2 : i32
    %mul3A_0 = arith.muli %arg1, %mul3A : i32
    %add3A = arith.addi %mul3A_0, %arg0 : i32
    %mul3A_1 = arith.constant 626 : i32
    %mul3A_2 = arith.muli %arg1, %mul3A_1 : i32
    "tpu.region"() ({
      %run_scoped3A = tpu.sem_alloc : memref<!tpu.dma_semaphore, #tpu.memory_space<semaphore_mem>>
      %dma_start3A_289 = arith.constant 0 : i32
      %dma_start3A_290 = tpu.memref_slice %arg10[%mul3A_2, %dma_start3A_289] : memref<10016x128xf32, #tpu.memory_space<vmem_shared>> -> memref<626x128xf32, #tpu.memory_space<vmem_shared>>
      tpu.enqueue_dma source(%arg5 : memref<626x128xf32, #tpu.memory_space<hbm>>) target(%dma_start3A_290 : memref<626x128xf32, #tpu.memory_space<vmem_shared>>) target_semaphore(%run_scoped3A : memref<!tpu.dma_semaphore, #tpu.memory_space<semaphore_mem>>)
      %dma_wait3A_291 = arith.constant 0 : i32
      %dma_wait3A_292 = tpu.memref_slice %arg10[%mul3A_2, %dma_wait3A_291] : memref<10016x128xf32, #tpu.memory_space<vmem_shared>> -> memref<626x128xf32, #tpu.memory_space<vmem_shared>>
      tpu.wait_dma2 semaphore(%run_scoped3A : memref<!tpu.dma_semaphore, #tpu.memory_space<semaphore_mem>>) src(%arg5 : memref<626x128xf32, #tpu.memory_space<hbm>>) dst(%dma_wait3A_292 : memref<626x128xf32, #tpu.memory_space<vmem_shared>>)
      tpu.yield
    }) : () -> ()
    %barrier3A = arith.constant 0 : index
    tpu.barrier barrier_id(%barrier3A)
    %dma_start3A = arith.constant 0 : i32
    %dma_start3A_3 = arith.constant 0 : i32
    %dma_start3A_4 = arith.constant 0 : i32
    %dma_start3A_5 = tpu.memref_slice %arg7[%dma_start3A_3, %dma_start3A_4] : memref<4x128xi32, #tpu.memory_space<vmem>> -> memref<1x128xi32, #tpu.memory_space<vmem>>
    %dma_start3A_6 = tpu.memref_squeeze %dma_start3A_5 : memref<1x128xi32, #tpu.memory_space<vmem>> -> memref<128xi32, #tpu.memory_space<vmem>>
    %dma_start3A_7 = arith.constant 0 : i32
    %dma_start3A_8 = tpu.memref_slice %arg3[%add3A, %dma_start3A, %dma_start3A_7] : memref<32x80x128xi32, #tpu.memory_space<hbm>> -> memref<1x1x128xi32, #tpu.memory_space<hbm>>
    %dma_start3A_9 = tpu.memref_squeeze %dma_start3A_8 : memref<1x1x128xi32, #tpu.memory_space<hbm>> -> memref<128xi32, #tpu.memory_space<hbm>>
    %dma_start3A_10 = arith.constant 0 : i32
    %dma_start3A_11 = tpu.memref_slice %arg7[%dma_start3A_3, %dma_start3A_10] : memref<4x128xi32, #tpu.memory_space<vmem>> -> memref<1x128xi32, #tpu.memory_space<vmem>>
    %dma_start3A_12 = tpu.memref_squeeze %dma_start3A_11 : memref<1x128xi32, #tpu.memory_space<vmem>> -> memref<128xi32, #tpu.memory_space<vmem>>
    %dma_start3A_13 = arith.constant 0 : i32
    %dma_start3A_14 = tpu.memref_slice %arg3[%add3A, %dma_start3A, %dma_start3A_13] : memref<32x80x128xi32, #tpu.memory_space<hbm>> -> memref<1x1x128xi32, #tpu.memory_space<hbm>>
    %dma_start3A_15 = tpu.memref_squeeze %dma_start3A_14 : memref<1x1x128xi32, #tpu.memory_space<hbm>> -> memref<128xi32, #tpu.memory_space<hbm>>
    tpu.enqueue_dma source(%dma_start3A_15 : memref<128xi32, #tpu.memory_space<hbm>>) target(%dma_start3A_12 : memref<128xi32, #tpu.memory_space<vmem>>) target_semaphore(%arg13 : memref<!tpu.dma_semaphore, #tpu.memory_space<semaphore_mem>>)
    %dma_start3A_16 = arith.constant 0 : i32
    %dma_start3A_17 = arith.constant 0 : i32
    %dma_start3A_18 = arith.constant 0 : i32
    %dma_start3A_19 = tpu.memref_slice %arg8[%dma_start3A_17, %dma_start3A_18] : memref<4x128xi32, #tpu.memory_space<vmem>> -> memref<1x128xi32, #tpu.memory_space<vmem>>
    %dma_start3A_20 = tpu.memref_squeeze %dma_start3A_19 : memref<1x128xi32, #tpu.memory_space<vmem>> -> memref<128xi32, #tpu.memory_space<vmem>>
    %dma_start3A_21 = arith.constant 0 : i32
    %dma_start3A_22 = tpu.memref_slice %arg4[%add3A, %dma_start3A_16, %dma_start3A_21] : memref<32x80x128xi32, #tpu.memory_space<hbm>> -> memref<1x1x128xi32, #tpu.memory_space<hbm>>
    %dma_start3A_23 = tpu.memref_squeeze %dma_start3A_22 : memref<1x1x128xi32, #tpu.memory_space<hbm>> -> memref<128xi32, #tpu.memory_space<hbm>>
    %dma_start3A_24 = arith.constant 0 : i32
    %dma_start3A_25 = tpu.memref_slice %arg8[%dma_start3A_17, %dma_start3A_24] : memref<4x128xi32, #tpu.memory_space<vmem>> -> memref<1x128xi32, #tpu.memory_space<vmem>>
    %dma_start3A_26 = tpu.memref_squeeze %dma_start3A_25 : memref<1x128xi32, #tpu.memory_space<vmem>> -> memref<128xi32, #tpu.memory_space<vmem>>
    %dma_start3A_27 = arith.constant 0 : i32
    %dma_start3A_28 = tpu.memref_slice %arg4[%add3A, %dma_start3A_16, %dma_start3A_27] : memref<32x80x128xi32, #tpu.memory_space<hbm>> -> memref<1x1x128xi32, #tpu.memory_space<hbm>>
    %dma_start3A_29 = tpu.memref_squeeze %dma_start3A_28 : memref<1x1x128xi32, #tpu.memory_space<hbm>> -> memref<128xi32, #tpu.memory_space<hbm>>
    tpu.enqueue_dma source(%dma_start3A_29 : memref<128xi32, #tpu.memory_space<hbm>>) target(%dma_start3A_26 : memref<128xi32, #tpu.memory_space<vmem>>) target_semaphore(%arg13 : memref<!tpu.dma_semaphore, #tpu.memory_space<semaphore_mem>>)
    %dma_start3A_30 = arith.constant 1 : i32
    %dma_start3A_31 = arith.constant 1 : i32
    %dma_start3A_32 = arith.constant 0 : i32
    %dma_start3A_33 = tpu.memref_slice %arg7[%dma_start3A_31, %dma_start3A_32] : memref<4x128xi32, #tpu.memory_space<vmem>> -> memref<1x128xi32, #tpu.memory_space<vmem>>
    %dma_start3A_34 = tpu.memref_squeeze %dma_start3A_33 : memref<1x128xi32, #tpu.memory_space<vmem>> -> memref<128xi32, #tpu.memory_space<vmem>>
    %dma_start3A_35 = arith.constant 0 : i32
    %dma_start3A_36 = tpu.memref_slice %arg3[%add3A, %dma_start3A_30, %dma_start3A_35] : memref<32x80x128xi32, #tpu.memory_space<hbm>> -> memref<1x1x128xi32, #tpu.memory_space<hbm>>
    %dma_start3A_37 = tpu.memref_squeeze %dma_start3A_36 : memref<1x1x128xi32, #tpu.memory_space<hbm>> -> memref<128xi32, #tpu.memory_space<hbm>>
    %dma_start3A_38 = arith.constant 0 : i32
    %dma_start3A_39 = tpu.memref_slice %arg7[%dma_start3A_31, %dma_start3A_38] : memref<4x128xi32, #tpu.memory_space<vmem>> -> memref<1x128xi32, #tpu.memory_space<vmem>>
    %dma_start3A_40 = tpu.memref_squeeze %dma_start3A_39 : memref<1x128xi32, #tpu.memory_space<vmem>> -> memref<128xi32, #tpu.memory_space<vmem>>
    %dma_start3A_41 = arith.constant 0 : i32
    %dma_start3A_42 = tpu.memref_slice %arg3[%add3A, %dma_start3A_30, %dma_start3A_41] : memref<32x80x128xi32, #tpu.memory_space<hbm>> -> memref<1x1x128xi32, #tpu.memory_space<hbm>>
    %dma_start3A_43 = tpu.memref_squeeze %dma_start3A_42 : memref<1x1x128xi32, #tpu.memory_space<hbm>> -> memref<128xi32, #tpu.memory_space<hbm>>
    tpu.enqueue_dma source(%dma_start3A_43 : memref<128xi32, #tpu.memory_space<hbm>>) target(%dma_start3A_40 : memref<128xi32, #tpu.memory_space<vmem>>) target_semaphore(%arg14 : memref<!tpu.dma_semaphore, #tpu.memory_space<semaphore_mem>>)
    %dma_start3A_44 = arith.constant 1 : i32
    %dma_start3A_45 = arith.constant 1 : i32
    %dma_start3A_46 = arith.constant 0 : i32
    %dma_start3A_47 = tpu.memref_slice %arg8[%dma_start3A_45, %dma_start3A_46] : memref<4x128xi32, #tpu.memory_space<vmem>> -> memref<1x128xi32, #tpu.memory_space<vmem>>
    %dma_start3A_48 = tpu.memref_squeeze %dma_start3A_47 : memref<1x128xi32, #tpu.memory_space<vmem>> -> memref<128xi32, #tpu.memory_space<vmem>>
    %dma_start3A_49 = arith.constant 0 : i32
    %dma_start3A_50 = tpu.memref_slice %arg4[%add3A, %dma_start3A_44, %dma_start3A_49] : memref<32x80x128xi32, #tpu.memory_space<hbm>> -> memref<1x1x128xi32, #tpu.memory_space<hbm>>
    %dma_start3A_51 = tpu.memref_squeeze %dma_start3A_50 : memref<1x1x128xi32, #tpu.memory_space<hbm>> -> memref<128xi32, #tpu.memory_space<hbm>>
    %dma_start3A_52 = arith.constant 0 : i32
    %dma_start3A_53 = tpu.memref_slice %arg8[%dma_start3A_45, %dma_start3A_52] : memref<4x128xi32, #tpu.memory_space<vmem>> -> memref<1x128xi32, #tpu.memory_space<vmem>>
    %dma_start3A_54 = tpu.memref_squeeze %dma_start3A_53 : memref<1x128xi32, #tpu.memory_space<vmem>> -> memref<128xi32, #tpu.memory_space<vmem>>
    %dma_start3A_55 = arith.constant 0 : i32
    %dma_start3A_56 = tpu.memref_slice %arg4[%add3A, %dma_start3A_44, %dma_start3A_55] : memref<32x80x128xi32, #tpu.memory_space<hbm>> -> memref<1x1x128xi32, #tpu.memory_space<hbm>>
    %dma_start3A_57 = tpu.memref_squeeze %dma_start3A_56 : memref<1x1x128xi32, #tpu.memory_space<hbm>> -> memref<128xi32, #tpu.memory_space<hbm>>
    tpu.enqueue_dma source(%dma_start3A_57 : memref<128xi32, #tpu.memory_space<hbm>>) target(%dma_start3A_54 : memref<128xi32, #tpu.memory_space<vmem>>) target_semaphore(%arg14 : memref<!tpu.dma_semaphore, #tpu.memory_space<semaphore_mem>>)
    %dma_start3A_58 = arith.constant 2 : i32
    %dma_start3A_59 = arith.constant 2 : i32
    %dma_start3A_60 = arith.constant 0 : i32
    %dma_start3A_61 = tpu.memref_slice %arg7[%dma_start3A_59, %dma_start3A_60] : memref<4x128xi32, #tpu.memory_space<vmem>> -> memref<1x128xi32, #tpu.memory_space<vmem>>
    %dma_start3A_62 = tpu.memref_squeeze %dma_start3A_61 : memref<1x128xi32, #tpu.memory_space<vmem>> -> memref<128xi32, #tpu.memory_space<vmem>>
    %dma_start3A_63 = arith.constant 0 : i32
    %dma_start3A_64 = tpu.memref_slice %arg3[%add3A, %dma_start3A_58, %dma_start3A_63] : memref<32x80x128xi32, #tpu.memory_space<hbm>> -> memref<1x1x128xi32, #tpu.memory_space<hbm>>
    %dma_start3A_65 = tpu.memref_squeeze %dma_start3A_64 : memref<1x1x128xi32, #tpu.memory_space<hbm>> -> memref<128xi32, #tpu.memory_space<hbm>>
    %dma_start3A_66 = arith.constant 0 : i32
    %dma_start3A_67 = tpu.memref_slice %arg7[%dma_start3A_59, %dma_start3A_66] : memref<4x128xi32, #tpu.memory_space<vmem>> -> memref<1x128xi32, #tpu.memory_space<vmem>>
    %dma_start3A_68 = tpu.memref_squeeze %dma_start3A_67 : memref<1x128xi32, #tpu.memory_space<vmem>> -> memref<128xi32, #tpu.memory_space<vmem>>
    %dma_start3A_69 = arith.constant 0 : i32
    %dma_start3A_70 = tpu.memref_slice %arg3[%add3A, %dma_start3A_58, %dma_start3A_69] : memref<32x80x128xi32, #tpu.memory_space<hbm>> -> memref<1x1x128xi32, #tpu.memory_space<hbm>>
    %dma_start3A_71 = tpu.memref_squeeze %dma_start3A_70 : memref<1x1x128xi32, #tpu.memory_space<hbm>> -> memref<128xi32, #tpu.memory_space<hbm>>
    tpu.enqueue_dma source(%dma_start3A_71 : memref<128xi32, #tpu.memory_space<hbm>>) target(%dma_start3A_68 : memref<128xi32, #tpu.memory_space<vmem>>) target_semaphore(%arg15 : memref<!tpu.dma_semaphore, #tpu.memory_space<semaphore_mem>>)
    %dma_start3A_72 = arith.constant 2 : i32
    %dma_start3A_73 = arith.constant 2 : i32
    %dma_start3A_74 = arith.constant 0 : i32
    %dma_start3A_75 = tpu.memref_slice %arg8[%dma_start3A_73, %dma_start3A_74] : memref<4x128xi32, #tpu.memory_space<vmem>> -> memref<1x128xi32, #tpu.memory_space<vmem>>
    %dma_start3A_76 = tpu.memref_squeeze %dma_start3A_75 : memref<1x128xi32, #tpu.memory_space<vmem>> -> memref<128xi32, #tpu.memory_space<vmem>>
    %dma_start3A_77 = arith.constant 0 : i32
    %dma_start3A_78 = tpu.memref_slice %arg4[%add3A, %dma_start3A_72, %dma_start3A_77] : memref<32x80x128xi32, #tpu.memory_space<hbm>> -> memref<1x1x128xi32, #tpu.memory_space<hbm>>
    %dma_start3A_79 = tpu.memref_squeeze %dma_start3A_78 : memref<1x1x128xi32, #tpu.memory_space<hbm>> -> memref<128xi32, #tpu.memory_space<hbm>>
    %dma_start3A_80 = arith.constant 0 : i32
    %dma_start3A_81 = tpu.memref_slice %arg8[%dma_start3A_73, %dma_start3A_80] : memref<4x128xi32, #tpu.memory_space<vmem>> -> memref<1x128xi32, #tpu.memory_space<vmem>>
    %dma_start3A_82 = tpu.memref_squeeze %dma_start3A_81 : memref<1x128xi32, #tpu.memory_space<vmem>> -> memref<128xi32, #tpu.memory_space<vmem>>
    %dma_start3A_83 = arith.constant 0 : i32
    %dma_start3A_84 = tpu.memref_slice %arg4[%add3A, %dma_start3A_72, %dma_start3A_83] : memref<32x80x128xi32, #tpu.memory_space<hbm>> -> memref<1x1x128xi32, #tpu.memory_space<hbm>>
    %dma_start3A_85 = tpu.memref_squeeze %dma_start3A_84 : memref<1x1x128xi32, #tpu.memory_space<hbm>> -> memref<128xi32, #tpu.memory_space<hbm>>
    tpu.enqueue_dma source(%dma_start3A_85 : memref<128xi32, #tpu.memory_space<hbm>>) target(%dma_start3A_82 : memref<128xi32, #tpu.memory_space<vmem>>) target_semaphore(%arg15 : memref<!tpu.dma_semaphore, #tpu.memory_space<semaphore_mem>>)
    %dma_start3A_86 = arith.constant 3 : i32
    %dma_start3A_87 = arith.constant 3 : i32
    %dma_start3A_88 = arith.constant 0 : i32
    %dma_start3A_89 = tpu.memref_slice %arg7[%dma_start3A_87, %dma_start3A_88] : memref<4x128xi32, #tpu.memory_space<vmem>> -> memref<1x128xi32, #tpu.memory_space<vmem>>
    %dma_start3A_90 = tpu.memref_squeeze %dma_start3A_89 : memref<1x128xi32, #tpu.memory_space<vmem>> -> memref<128xi32, #tpu.memory_space<vmem>>
    %dma_start3A_91 = arith.constant 0 : i32
    %dma_start3A_92 = tpu.memref_slice %arg3[%add3A, %dma_start3A_86, %dma_start3A_91] : memref<32x80x128xi32, #tpu.memory_space<hbm>> -> memref<1x1x128xi32, #tpu.memory_space<hbm>>
    %dma_start3A_93 = tpu.memref_squeeze %dma_start3A_92 : memref<1x1x128xi32, #tpu.memory_space<hbm>> -> memref<128xi32, #tpu.memory_space<hbm>>
    %dma_start3A_94 = arith.constant 0 : i32
    %dma_start3A_95 = tpu.memref_slice %arg7[%dma_start3A_87, %dma_start3A_94] : memref<4x128xi32, #tpu.memory_space<vmem>> -> memref<1x128xi32, #tpu.memory_space<vmem>>
    %dma_start3A_96 = tpu.memref_squeeze %dma_start3A_95 : memref<1x128xi32, #tpu.memory_space<vmem>> -> memref<128xi32, #tpu.memory_space<vmem>>
    %dma_start3A_97 = arith.constant 0 : i32
    %dma_start3A_98 = tpu.memref_slice %arg3[%add3A, %dma_start3A_86, %dma_start3A_97] : memref<32x80x128xi32, #tpu.memory_space<hbm>> -> memref<1x1x128xi32, #tpu.memory_space<hbm>>
    %dma_start3A_99 = tpu.memref_squeeze %dma_start3A_98 : memref<1x1x128xi32, #tpu.memory_space<hbm>> -> memref<128xi32, #tpu.memory_space<hbm>>
    tpu.enqueue_dma source(%dma_start3A_99 : memref<128xi32, #tpu.memory_space<hbm>>) target(%dma_start3A_96 : memref<128xi32, #tpu.memory_space<vmem>>) target_semaphore(%arg16 : memref<!tpu.dma_semaphore, #tpu.memory_space<semaphore_mem>>)
    %dma_start3A_100 = arith.constant 3 : i32
    %dma_start3A_101 = arith.constant 3 : i32
    %dma_start3A_102 = arith.constant 0 : i32
    %dma_start3A_103 = tpu.memref_slice %arg8[%dma_start3A_101, %dma_start3A_102] : memref<4x128xi32, #tpu.memory_space<vmem>> -> memref<1x128xi32, #tpu.memory_space<vmem>>
    %dma_start3A_104 = tpu.memref_squeeze %dma_start3A_103 : memref<1x128xi32, #tpu.memory_space<vmem>> -> memref<128xi32, #tpu.memory_space<vmem>>
    %dma_start3A_105 = arith.constant 0 : i32
    %dma_start3A_106 = tpu.memref_slice %arg4[%add3A, %dma_start3A_100, %dma_start3A_105] : memref<32x80x128xi32, #tpu.memory_space<hbm>> -> memref<1x1x128xi32, #tpu.memory_space<hbm>>
    %dma_start3A_107 = tpu.memref_squeeze %dma_start3A_106 : memref<1x1x128xi32, #tpu.memory_space<hbm>> -> memref<128xi32, #tpu.memory_space<hbm>>
    %dma_start3A_108 = arith.constant 0 : i32
    %dma_start3A_109 = tpu.memref_slice %arg8[%dma_start3A_101, %dma_start3A_108] : memref<4x128xi32, #tpu.memory_space<vmem>> -> memref<1x128xi32, #tpu.memory_space<vmem>>
    %dma_start3A_110 = tpu.memref_squeeze %dma_start3A_109 : memref<1x128xi32, #tpu.memory_space<vmem>> -> memref<128xi32, #tpu.memory_space<vmem>>
    %dma_start3A_111 = arith.constant 0 : i32
    %dma_start3A_112 = tpu.memref_slice %arg4[%add3A, %dma_start3A_100, %dma_start3A_111] : memref<32x80x128xi32, #tpu.memory_space<hbm>> -> memref<1x1x128xi32, #tpu.memory_space<hbm>>
    %dma_start3A_113 = tpu.memref_squeeze %dma_start3A_112 : memref<1x1x128xi32, #tpu.memory_space<hbm>> -> memref<128xi32, #tpu.memory_space<hbm>>
    tpu.enqueue_dma source(%dma_start3A_113 : memref<128xi32, #tpu.memory_space<hbm>>) target(%dma_start3A_110 : memref<128xi32, #tpu.memory_space<vmem>>) target_semaphore(%arg16 : memref<!tpu.dma_semaphore, #tpu.memory_space<semaphore_mem>>)
    %dma_wait3A = arith.constant 0 : i32
    %dma_wait3A_114 = arith.constant 0 : i32
    %dma_wait3A_115 = arith.constant 0 : i32
    %dma_wait3A_116 = arith.constant 0 : i32
    %dma_wait3A_117 = tpu.memref_slice %arg7[%dma_wait3A_115, %dma_wait3A_116] : memref<4x128xi32, #tpu.memory_space<vmem>> -> memref<1x128xi32, #tpu.memory_space<vmem>>
    %dma_wait3A_118 = tpu.memref_squeeze %dma_wait3A_117 : memref<1x128xi32, #tpu.memory_space<vmem>> -> memref<128xi32, #tpu.memory_space<vmem>>
    %dma_wait3A_119 = arith.constant 0 : i32
    %dma_wait3A_120 = tpu.memref_slice %arg3[%dma_wait3A, %dma_wait3A_114, %dma_wait3A_119] : memref<32x80x128xi32, #tpu.memory_space<hbm>> -> memref<1x1x128xi32, #tpu.memory_space<hbm>>
    %dma_wait3A_121 = tpu.memref_squeeze %dma_wait3A_120 : memref<1x1x128xi32, #tpu.memory_space<hbm>> -> memref<128xi32, #tpu.memory_space<hbm>>
    %dma_wait3A_122 = arith.constant 0 : i32
    %dma_wait3A_123 = tpu.memref_slice %arg7[%dma_wait3A_115, %dma_wait3A_122] : memref<4x128xi32, #tpu.memory_space<vmem>> -> memref<1x128xi32, #tpu.memory_space<vmem>>
    %dma_wait3A_124 = tpu.memref_squeeze %dma_wait3A_123 : memref<1x128xi32, #tpu.memory_space<vmem>> -> memref<128xi32, #tpu.memory_space<vmem>>
    %dma_wait3A_125 = arith.constant 0 : i32
    %dma_wait3A_126 = tpu.memref_slice %arg3[%dma_wait3A, %dma_wait3A_114, %dma_wait3A_125] : memref<32x80x128xi32, #tpu.memory_space<hbm>> -> memref<1x1x128xi32, #tpu.memory_space<hbm>>
    %dma_wait3A_127 = tpu.memref_squeeze %dma_wait3A_126 : memref<1x1x128xi32, #tpu.memory_space<hbm>> -> memref<128xi32, #tpu.memory_space<hbm>>
    tpu.wait_dma2 semaphore(%arg13 : memref<!tpu.dma_semaphore, #tpu.memory_space<semaphore_mem>>) src(%dma_wait3A_127 : memref<128xi32, #tpu.memory_space<hbm>>) dst(%dma_wait3A_124 : memref<128xi32, #tpu.memory_space<vmem>>)
    %dma_wait3A_128 = arith.constant 0 : i32
    %dma_wait3A_129 = arith.constant 0 : i32
    %dma_wait3A_130 = arith.constant 0 : i32
    %dma_wait3A_131 = arith.constant 0 : i32
    %dma_wait3A_132 = tpu.memref_slice %arg8[%dma_wait3A_130, %dma_wait3A_131] : memref<4x128xi32, #tpu.memory_space<vmem>> -> memref<1x128xi32, #tpu.memory_space<vmem>>
    %dma_wait3A_133 = tpu.memref_squeeze %dma_wait3A_132 : memref<1x128xi32, #tpu.memory_space<vmem>> -> memref<128xi32, #tpu.memory_space<vmem>>
    %dma_wait3A_134 = arith.constant 0 : i32
    %dma_wait3A_135 = tpu.memref_slice %arg4[%dma_wait3A_128, %dma_wait3A_129, %dma_wait3A_134] : memref<32x80x128xi32, #tpu.memory_space<hbm>> -> memref<1x1x128xi32, #tpu.memory_space<hbm>>
    %dma_wait3A_136 = tpu.memref_squeeze %dma_wait3A_135 : memref<1x1x128xi32, #tpu.memory_space<hbm>> -> memref<128xi32, #tpu.memory_space<hbm>>
    %dma_wait3A_137 = arith.constant 0 : i32
    %dma_wait3A_138 = tpu.memref_slice %arg8[%dma_wait3A_130, %dma_wait3A_137] : memref<4x128xi32, #tpu.memory_space<vmem>> -> memref<1x128xi32, #tpu.memory_space<vmem>>
    %dma_wait3A_139 = tpu.memref_squeeze %dma_wait3A_138 : memref<1x128xi32, #tpu.memory_space<vmem>> -> memref<128xi32, #tpu.memory_space<vmem>>
    %dma_wait3A_140 = arith.constant 0 : i32
    %dma_wait3A_141 = tpu.memref_slice %arg4[%dma_wait3A_128, %dma_wait3A_129, %dma_wait3A_140] : memref<32x80x128xi32, #tpu.memory_space<hbm>> -> memref<1x1x128xi32, #tpu.memory_space<hbm>>
    %dma_wait3A_142 = tpu.memref_squeeze %dma_wait3A_141 : memref<1x1x128xi32, #tpu.memory_space<hbm>> -> memref<128xi32, #tpu.memory_space<hbm>>
    tpu.wait_dma2 semaphore(%arg13 : memref<!tpu.dma_semaphore, #tpu.memory_space<semaphore_mem>>) src(%dma_wait3A_142 : memref<128xi32, #tpu.memory_space<hbm>>) dst(%dma_wait3A_139 : memref<128xi32, #tpu.memory_space<vmem>>)
    %dma_start3A_143 = arith.constant 0 : i32
    %dma_start3A_144 = arith.constant 0 : i32
    %dma_start3A_145 = arith.constant 0 : i32
    %dma_start3A_146 = arith.constant 0 : i32
    %dma_start3A_147 = tpu.memref_slice %arg9[%dma_start3A_144, %dma_start3A_145, %dma_start3A_146] : memref<2x128x128xf32, #tpu.memory_space<vmem>> -> memref<1x128x128xf32, #tpu.memory_space<vmem>>
    %dma_start3A_148 = tpu.memref_squeeze %dma_start3A_147 : memref<1x128x128xf32, #tpu.memory_space<vmem>> -> memref<128x128xf32, #tpu.memory_space<vmem>>
    %dma_start3A_149 = arith.constant 0 : i32
    %dma_start3A_150 = tpu.memref_slice %arg7[%dma_start3A_143, %dma_start3A_149] : memref<4x128xi32, #tpu.memory_space<vmem>> -> memref<1x128xi32, #tpu.memory_space<vmem>>
    %dma_start3A_151 = tpu.memref_squeeze %dma_start3A_150 : memref<1x128xi32, #tpu.memory_space<vmem>> -> memref<128xi32, #tpu.memory_space<vmem>>
    %dma_start3A_152 = arith.constant 0 : i32
    %dma_start3A_153 = arith.constant 0 : i32
    %dma_start3A_154 = tpu.memref_slice %arg2[%dma_start3A_152, %dma_start3A_153] : memref<10016x128xf32, #tpu.memory_space<hbm>> -> memref<10016x128xf32, #tpu.memory_space<hbm>>
    tpu.enqueue_indirect_dma source(%dma_start3A_154 : memref<10016x128xf32, #tpu.memory_space<hbm>>) target(%dma_start3A_148 : memref<128x128xf32, #tpu.memory_space<vmem>>) offsets(%dma_start3A_151 : memref<128xi32, #tpu.memory_space<vmem>>) semaphore(%arg11 : memref<!tpu.dma_semaphore, #tpu.memory_space<semaphore_mem>>)
    %dma_wait3A_155 = arith.constant 0 : i32
    %dma_wait3A_156 = arith.constant 0 : i32
    %dma_wait3A_157 = arith.constant 1 : i32
    %dma_wait3A_158 = arith.constant 0 : i32
    %dma_wait3A_159 = tpu.memref_slice %arg7[%dma_wait3A_157, %dma_wait3A_158] : memref<4x128xi32, #tpu.memory_space<vmem>> -> memref<1x128xi32, #tpu.memory_space<vmem>>
    %dma_wait3A_160 = tpu.memref_squeeze %dma_wait3A_159 : memref<1x128xi32, #tpu.memory_space<vmem>> -> memref<128xi32, #tpu.memory_space<vmem>>
    %dma_wait3A_161 = arith.constant 0 : i32
    %dma_wait3A_162 = tpu.memref_slice %arg3[%dma_wait3A_155, %dma_wait3A_156, %dma_wait3A_161] : memref<32x80x128xi32, #tpu.memory_space<hbm>> -> memref<1x1x128xi32, #tpu.memory_space<hbm>>
    %dma_wait3A_163 = tpu.memref_squeeze %dma_wait3A_162 : memref<1x1x128xi32, #tpu.memory_space<hbm>> -> memref<128xi32, #tpu.memory_space<hbm>>
    %dma_wait3A_164 = arith.constant 0 : i32
    %dma_wait3A_165 = tpu.memref_slice %arg7[%dma_wait3A_157, %dma_wait3A_164] : memref<4x128xi32, #tpu.memory_space<vmem>> -> memref<1x128xi32, #tpu.memory_space<vmem>>
    %dma_wait3A_166 = tpu.memref_squeeze %dma_wait3A_165 : memref<1x128xi32, #tpu.memory_space<vmem>> -> memref<128xi32, #tpu.memory_space<vmem>>
    %dma_wait3A_167 = arith.constant 0 : i32
    %dma_wait3A_168 = tpu.memref_slice %arg3[%dma_wait3A_155, %dma_wait3A_156, %dma_wait3A_167] : memref<32x80x128xi32, #tpu.memory_space<hbm>> -> memref<1x1x128xi32, #tpu.memory_space<hbm>>
    %dma_wait3A_169 = tpu.memref_squeeze %dma_wait3A_168 : memref<1x1x128xi32, #tpu.memory_space<hbm>> -> memref<128xi32, #tpu.memory_space<hbm>>
    tpu.wait_dma2 semaphore(%arg14 : memref<!tpu.dma_semaphore, #tpu.memory_space<semaphore_mem>>) src(%dma_wait3A_169 : memref<128xi32, #tpu.memory_space<hbm>>) dst(%dma_wait3A_166 : memref<128xi32, #tpu.memory_space<vmem>>)
    %dma_wait3A_170 = arith.constant 0 : i32
    %dma_wait3A_171 = arith.constant 0 : i32
    %dma_wait3A_172 = arith.constant 1 : i32
    %dma_wait3A_173 = arith.constant 0 : i32
    %dma_wait3A_174 = tpu.memref_slice %arg8[%dma_wait3A_172, %dma_wait3A_173] : memref<4x128xi32, #tpu.memory_space<vmem>> -> memref<1x128xi32, #tpu.memory_space<vmem>>
    %dma_wait3A_175 = tpu.memref_squeeze %dma_wait3A_174 : memref<1x128xi32, #tpu.memory_space<vmem>> -> memref<128xi32, #tpu.memory_space<vmem>>
    %dma_wait3A_176 = arith.constant 0 : i32
    %dma_wait3A_177 = tpu.memref_slice %arg4[%dma_wait3A_170, %dma_wait3A_171, %dma_wait3A_176] : memref<32x80x128xi32, #tpu.memory_space<hbm>> -> memref<1x1x128xi32, #tpu.memory_space<hbm>>
    %dma_wait3A_178 = tpu.memref_squeeze %dma_wait3A_177 : memref<1x1x128xi32, #tpu.memory_space<hbm>> -> memref<128xi32, #tpu.memory_space<hbm>>
    %dma_wait3A_179 = arith.constant 0 : i32
    %dma_wait3A_180 = tpu.memref_slice %arg8[%dma_wait3A_172, %dma_wait3A_179] : memref<4x128xi32, #tpu.memory_space<vmem>> -> memref<1x128xi32, #tpu.memory_space<vmem>>
    %dma_wait3A_181 = tpu.memref_squeeze %dma_wait3A_180 : memref<1x128xi32, #tpu.memory_space<vmem>> -> memref<128xi32, #tpu.memory_space<vmem>>
    %dma_wait3A_182 = arith.constant 0 : i32
    %dma_wait3A_183 = tpu.memref_slice %arg4[%dma_wait3A_170, %dma_wait3A_171, %dma_wait3A_182] : memref<32x80x128xi32, #tpu.memory_space<hbm>> -> memref<1x1x128xi32, #tpu.memory_space<hbm>>
    %dma_wait3A_184 = tpu.memref_squeeze %dma_wait3A_183 : memref<1x1x128xi32, #tpu.memory_space<hbm>> -> memref<128xi32, #tpu.memory_space<hbm>>
    tpu.wait_dma2 semaphore(%arg14 : memref<!tpu.dma_semaphore, #tpu.memory_space<semaphore_mem>>) src(%dma_wait3A_184 : memref<128xi32, #tpu.memory_space<hbm>>) dst(%dma_wait3A_181 : memref<128xi32, #tpu.memory_space<vmem>>)
    %dma_start3A_185 = arith.constant 1 : i32
    %dma_start3A_186 = arith.constant 1 : i32
    %dma_start3A_187 = arith.constant 0 : i32
    %dma_start3A_188 = arith.constant 0 : i32
    %dma_start3A_189 = tpu.memref_slice %arg9[%dma_start3A_186, %dma_start3A_187, %dma_start3A_188] : memref<2x128x128xf32, #tpu.memory_space<vmem>> -> memref<1x128x128xf32, #tpu.memory_space<vmem>>
    %dma_start3A_190 = tpu.memref_squeeze %dma_start3A_189 : memref<1x128x128xf32, #tpu.memory_space<vmem>> -> memref<128x128xf32, #tpu.memory_space<vmem>>
    %dma_start3A_191 = arith.constant 0 : i32
    %dma_start3A_192 = tpu.memref_slice %arg7[%dma_start3A_185, %dma_start3A_191] : memref<4x128xi32, #tpu.memory_space<vmem>> -> memref<1x128xi32, #tpu.memory_space<vmem>>
    %dma_start3A_193 = tpu.memref_squeeze %dma_start3A_192 : memref<1x128xi32, #tpu.memory_space<vmem>> -> memref<128xi32, #tpu.memory_space<vmem>>
    %dma_start3A_194 = arith.constant 0 : i32
    %dma_start3A_195 = arith.constant 0 : i32
    %dma_start3A_196 = tpu.memref_slice %arg2[%dma_start3A_194, %dma_start3A_195] : memref<10016x128xf32, #tpu.memory_space<hbm>> -> memref<10016x128xf32, #tpu.memory_space<hbm>>
    tpu.enqueue_indirect_dma source(%dma_start3A_196 : memref<10016x128xf32, #tpu.memory_space<hbm>>) target(%dma_start3A_190 : memref<128x128xf32, #tpu.memory_space<vmem>>) offsets(%dma_start3A_193 : memref<128xi32, #tpu.memory_space<vmem>>) semaphore(%arg12 : memref<!tpu.dma_semaphore, #tpu.memory_space<semaphore_mem>>)
    %scan3A = arith.constant 0 : i32
    %scan3A_197 = arith.constant 0 : i32
    %scan3A_198 = arith.constant 20 : i32
    %scan3A_199 = arith.addi %scan3A_197, %scan3A_198 : i32
    %scan3A_200 = arith.constant 1 : i32
    scf.for %scan3A_289 = %scan3A_197 to %scan3A_199 step %scan3A_200  : i32 {
      %mul3A_290 = arith.constant 4 : i32
      %mul3A_291 = arith.muli %mul3A_290, %scan3A_289 : i32
      %add3A_292 = arith.constant 0 : i32
      %add3A_293 = arith.addi %mul3A_291, %add3A_292 : i32
      %dma_wait3A_294 = arith.constant 0 : i32
      %dma_wait3A_295 = arith.constant 0 : i32
      %dma_wait3A_296 = arith.constant 0 : i32
      %dma_wait3A_297 = arith.constant 0 : i32
      %dma_wait3A_298 = tpu.memref_slice %arg9[%dma_wait3A_295, %dma_wait3A_296, %dma_wait3A_297] : memref<2x128x128xf32, #tpu.memory_space<vmem>> -> memref<1x128x128xf32, #tpu.memory_space<vmem>>
      %dma_wait3A_299 = tpu.memref_squeeze %dma_wait3A_298 : memref<1x128x128xf32, #tpu.memory_space<vmem>> -> memref<128x128xf32, #tpu.memory_space<vmem>>
      %dma_wait3A_300 = arith.constant 0 : i32
      %dma_wait3A_301 = tpu.memref_slice %arg7[%dma_wait3A_294, %dma_wait3A_300] : memref<4x128xi32, #tpu.memory_space<vmem>> -> memref<1x128xi32, #tpu.memory_space<vmem>>
      %dma_wait3A_302 = tpu.memref_squeeze %dma_wait3A_301 : memref<1x128xi32, #tpu.memory_space<vmem>> -> memref<128xi32, #tpu.memory_space<vmem>>
      %dma_wait3A_303 = arith.constant 0 : i32
      %dma_wait3A_304 = arith.constant 0 : i32
      %dma_wait3A_305 = tpu.memref_slice %arg2[%dma_wait3A_303, %dma_wait3A_304] : memref<10016x128xf32, #tpu.memory_space<hbm>> -> memref<10016x128xf32, #tpu.memory_space<hbm>>
      tpu.wait_indirect_dma semaphore(%arg11 : memref<!tpu.dma_semaphore, #tpu.memory_space<semaphore_mem>>) src(%dma_wait3A_305 : memref<10016x128xf32, #tpu.memory_space<hbm>>) dst(%dma_wait3A_299 : memref<128x128xf32, #tpu.memory_space<vmem>>)
      %run_scoped3A = arith.constant 0 : i32
      %run_scoped3A_306 = arith.constant 0 : i32
      "tpu.region"() ({
        %run_scoped3A_648 = tpu.sem_alloc : memref<!tpu.dma_semaphore, #tpu.memory_space<semaphore_mem>>
        %dma_start3A_649 = arith.constant 0 : i32
        %dma_start3A_650 = arith.constant 0 : i32
        %dma_start3A_651 = tpu.memref_slice %arg9[%run_scoped3A, %dma_start3A_649, %dma_start3A_650] : memref<2x128x128xf32, #tpu.memory_space<vmem>> -> memref<1x128x128xf32, #tpu.memory_space<vmem>>
        %dma_start3A_652 = tpu.memref_squeeze %dma_start3A_651 : memref<1x128x128xf32, #tpu.memory_space<vmem>> -> memref<128x128xf32, #tpu.memory_space<vmem>>
        %dma_start3A_653 = arith.constant 0 : i32
        %dma_start3A_654 = tpu.memref_slice %arg8[%run_scoped3A_306, %dma_start3A_653] : memref<4x128xi32, #tpu.memory_space<vmem>> -> memref<1x128xi32, #tpu.memory_space<vmem>>
        %dma_start3A_655 = tpu.memref_squeeze %dma_start3A_654 : memref<1x128xi32, #tpu.memory_space<vmem>> -> memref<128xi32, #tpu.memory_space<vmem>>
        %dma_start3A_656 = arith.constant 0 : i32
        %dma_start3A_657 = arith.constant 0 : i32
        %dma_start3A_658 = tpu.memref_slice %arg10[%dma_start3A_656, %dma_start3A_657] : memref<10016x128xf32, #tpu.memory_space<vmem_shared>> -> memref<10016x128xf32, #tpu.memory_space<vmem_shared>>
        tpu.enqueue_indirect_dma source(%dma_start3A_652 : memref<128x128xf32, #tpu.memory_space<vmem>>) target(%dma_start3A_658 : memref<10016x128xf32, #tpu.memory_space<vmem_shared>>) offsets(%dma_start3A_655 : memref<128xi32, #tpu.memory_space<vmem>>) semaphore(%run_scoped3A_648 : memref<!tpu.dma_semaphore, #tpu.memory_space<semaphore_mem>>) {add = true}
        %dma_wait3A_659 = arith.constant 0 : i32
        %dma_wait3A_660 = arith.constant 0 : i32
        %dma_wait3A_661 = tpu.memref_slice %arg9[%run_scoped3A, %dma_wait3A_659, %dma_wait3A_660] : memref<2x128x128xf32, #tpu.memory_space<vmem>> -> memref<1x128x128xf32, #tpu.memory_space<vmem>>
        %dma_wait3A_662 = tpu.memref_squeeze %dma_wait3A_661 : memref<1x128x128xf32, #tpu.memory_space<vmem>> -> memref<128x128xf32, #tpu.memory_space<vmem>>
        %dma_wait3A_663 = arith.constant 0 : i32
        %dma_wait3A_664 = tpu.memref_slice %arg8[%run_scoped3A_306, %dma_wait3A_663] : memref<4x128xi32, #tpu.memory_space<vmem>> -> memref<1x128xi32, #tpu.memory_space<vmem>>
        %dma_wait3A_665 = tpu.memref_squeeze %dma_wait3A_664 : memref<1x128xi32, #tpu.memory_space<vmem>> -> memref<128xi32, #tpu.memory_space<vmem>>
        %dma_wait3A_666 = arith.constant 0 : i32
        %dma_wait3A_667 = arith.constant 0 : i32
        %dma_wait3A_668 = tpu.memref_slice %arg10[%dma_wait3A_666, %dma_wait3A_667] : memref<10016x128xf32, #tpu.memory_space<vmem_shared>> -> memref<10016x128xf32, #tpu.memory_space<vmem_shared>>
        tpu.wait_indirect_dma semaphore(%run_scoped3A_648 : memref<!tpu.dma_semaphore, #tpu.memory_space<semaphore_mem>>) src(%dma_wait3A_662 : memref<128x128xf32, #tpu.memory_space<vmem>>) dst(%dma_wait3A_668 : memref<10016x128xf32, #tpu.memory_space<vmem_shared>>)
        tpu.yield
      }) : () -> ()
      %add3A_307 = arith.constant 4 : i32
      %add3A_308 = arith.addi %add3A_293, %add3A_307 : i32
      %min3A = arith.constant 79 : i32
      %min3A_309 = arith.minsi %add3A_308, %min3A : i32
      %dma_start3A_310 = arith.constant 0 : i32
      %dma_start3A_311 = arith.constant 0 : i32
      %dma_start3A_312 = tpu.memref_slice %arg7[%dma_start3A_310, %dma_start3A_311] : memref<4x128xi32, #tpu.memory_space<vmem>> -> memref<1x128xi32, #tpu.memory_space<vmem>>
      %dma_start3A_313 = tpu.memref_squeeze %dma_start3A_312 : memref<1x128xi32, #tpu.memory_space<vmem>> -> memref<128xi32, #tpu.memory_space<vmem>>
      %dma_start3A_314 = arith.constant 0 : i32
      %dma_start3A_315 = tpu.memref_slice %arg3[%add3A, %min3A_309, %dma_start3A_314] : memref<32x80x128xi32, #tpu.memory_space<hbm>> -> memref<1x1x128xi32, #tpu.memory_space<hbm>>
      %dma_start3A_316 = tpu.memref_squeeze %dma_start3A_315 : memref<1x1x128xi32, #tpu.memory_space<hbm>> -> memref<128xi32, #tpu.memory_space<hbm>>
      %dma_start3A_317 = arith.constant 0 : i32
      %dma_start3A_318 = tpu.memref_slice %arg7[%dma_start3A_310, %dma_start3A_317] : memref<4x128xi32, #tpu.memory_space<vmem>> -> memref<1x128xi32, #tpu.memory_space<vmem>>
      %dma_start3A_319 = tpu.memref_squeeze %dma_start3A_318 : memref<1x128xi32, #tpu.memory_space<vmem>> -> memref<128xi32, #tpu.memory_space<vmem>>
      %dma_start3A_320 = arith.constant 0 : i32
      %dma_start3A_321 = tpu.memref_slice %arg3[%add3A, %min3A_309, %dma_start3A_320] : memref<32x80x128xi32, #tpu.memory_space<hbm>> -> memref<1x1x128xi32, #tpu.memory_space<hbm>>
      %dma_start3A_322 = tpu.memref_squeeze %dma_start3A_321 : memref<1x1x128xi32, #tpu.memory_space<hbm>> -> memref<128xi32, #tpu.memory_space<hbm>>
      tpu.enqueue_dma source(%dma_start3A_322 : memref<128xi32, #tpu.memory_space<hbm>>) target(%dma_start3A_319 : memref<128xi32, #tpu.memory_space<vmem>>) target_semaphore(%arg13 : memref<!tpu.dma_semaphore, #tpu.memory_space<semaphore_mem>>)
      %dma_start3A_323 = arith.constant 0 : i32
      %dma_start3A_324 = arith.constant 0 : i32
      %dma_start3A_325 = tpu.memref_slice %arg8[%dma_start3A_323, %dma_start3A_324] : memref<4x128xi32, #tpu.memory_space<vmem>> -> memref<1x128xi32, #tpu.memory_space<vmem>>
      %dma_start3A_326 = tpu.memref_squeeze %dma_start3A_325 : memref<1x128xi32, #tpu.memory_space<vmem>> -> memref<128xi32, #tpu.memory_space<vmem>>
      %dma_start3A_327 = arith.constant 0 : i32
      %dma_start3A_328 = tpu.memref_slice %arg4[%add3A, %min3A_309, %dma_start3A_327] : memref<32x80x128xi32, #tpu.memory_space<hbm>> -> memref<1x1x128xi32, #tpu.memory_space<hbm>>
      %dma_start3A_329 = tpu.memref_squeeze %dma_start3A_328 : memref<1x1x128xi32, #tpu.memory_space<hbm>> -> memref<128xi32, #tpu.memory_space<hbm>>
      %dma_start3A_330 = arith.constant 0 : i32
      %dma_start3A_331 = tpu.memref_slice %arg8[%dma_start3A_323, %dma_start3A_330] : memref<4x128xi32, #tpu.memory_space<vmem>> -> memref<1x128xi32, #tpu.memory_space<vmem>>
      %dma_start3A_332 = tpu.memref_squeeze %dma_start3A_331 : memref<1x128xi32, #tpu.memory_space<vmem>> -> memref<128xi32, #tpu.memory_space<vmem>>
      %dma_start3A_333 = arith.constant 0 : i32
      %dma_start3A_334 = tpu.memref_slice %arg4[%add3A, %min3A_309, %dma_start3A_333] : memref<32x80x128xi32, #tpu.memory_space<hbm>> -> memref<1x1x128xi32, #tpu.memory_space<hbm>>
      %dma_start3A_335 = tpu.memref_squeeze %dma_start3A_334 : memref<1x1x128xi32, #tpu.memory_space<hbm>> -> memref<128xi32, #tpu.memory_space<hbm>>
      tpu.enqueue_dma source(%dma_start3A_335 : memref<128xi32, #tpu.memory_space<hbm>>) target(%dma_start3A_332 : memref<128xi32, #tpu.memory_space<vmem>>) target_semaphore(%arg13 : memref<!tpu.dma_semaphore, #tpu.memory_space<semaphore_mem>>)
      %dma_wait3A_336 = arith.constant 0 : i32
      %dma_wait3A_337 = arith.constant 0 : i32
      %dma_wait3A_338 = arith.constant 2 : i32
      %dma_wait3A_339 = arith.constant 0 : i32
      %dma_wait3A_340 = tpu.memref_slice %arg7[%dma_wait3A_338, %dma_wait3A_339] : memref<4x128xi32, #tpu.memory_space<vmem>> -> memref<1x128xi32, #tpu.memory_space<vmem>>
      %dma_wait3A_341 = tpu.memref_squeeze %dma_wait3A_340 : memref<1x128xi32, #tpu.memory_space<vmem>> -> memref<128xi32, #tpu.memory_space<vmem>>
      %dma_wait3A_342 = arith.constant 0 : i32
      %dma_wait3A_343 = tpu.memref_slice %arg3[%dma_wait3A_336, %dma_wait3A_337, %dma_wait3A_342] : memref<32x80x128xi32, #tpu.memory_space<hbm>> -> memref<1x1x128xi32, #tpu.memory_space<hbm>>
      %dma_wait3A_344 = tpu.memref_squeeze %dma_wait3A_343 : memref<1x1x128xi32, #tpu.memory_space<hbm>> -> memref<128xi32, #tpu.memory_space<hbm>>
      %dma_wait3A_345 = arith.constant 0 : i32
      %dma_wait3A_346 = tpu.memref_slice %arg7[%dma_wait3A_338, %dma_wait3A_345] : memref<4x128xi32, #tpu.memory_space<vmem>> -> memref<1x128xi32, #tpu.memory_space<vmem>>
      %dma_wait3A_347 = tpu.memref_squeeze %dma_wait3A_346 : memref<1x128xi32, #tpu.memory_space<vmem>> -> memref<128xi32, #tpu.memory_space<vmem>>
      %dma_wait3A_348 = arith.constant 0 : i32
      %dma_wait3A_349 = tpu.memref_slice %arg3[%dma_wait3A_336, %dma_wait3A_337, %dma_wait3A_348] : memref<32x80x128xi32, #tpu.memory_space<hbm>> -> memref<1x1x128xi32, #tpu.memory_space<hbm>>
      %dma_wait3A_350 = tpu.memref_squeeze %dma_wait3A_349 : memref<1x1x128xi32, #tpu.memory_space<hbm>> -> memref<128xi32, #tpu.memory_space<hbm>>
      tpu.wait_dma2 semaphore(%arg15 : memref<!tpu.dma_semaphore, #tpu.memory_space<semaphore_mem>>) src(%dma_wait3A_350 : memref<128xi32, #tpu.memory_space<hbm>>) dst(%dma_wait3A_347 : memref<128xi32, #tpu.memory_space<vmem>>)
      %dma_wait3A_351 = arith.constant 0 : i32
      %dma_wait3A_352 = arith.constant 0 : i32
      %dma_wait3A_353 = arith.constant 2 : i32
      %dma_wait3A_354 = arith.constant 0 : i32
      %dma_wait3A_355 = tpu.memref_slice %arg8[%dma_wait3A_353, %dma_wait3A_354] : memref<4x128xi32, #tpu.memory_space<vmem>> -> memref<1x128xi32, #tpu.memory_space<vmem>>
      %dma_wait3A_356 = tpu.memref_squeeze %dma_wait3A_355 : memref<1x128xi32, #tpu.memory_space<vmem>> -> memref<128xi32, #tpu.memory_space<vmem>>
      %dma_wait3A_357 = arith.constant 0 : i32
      %dma_wait3A_358 = tpu.memref_slice %arg4[%dma_wait3A_351, %dma_wait3A_352, %dma_wait3A_357] : memref<32x80x128xi32, #tpu.memory_space<hbm>> -> memref<1x1x128xi32, #tpu.memory_space<hbm>>
      %dma_wait3A_359 = tpu.memref_squeeze %dma_wait3A_358 : memref<1x1x128xi32, #tpu.memory_space<hbm>> -> memref<128xi32, #tpu.memory_space<hbm>>
      %dma_wait3A_360 = arith.constant 0 : i32
      %dma_wait3A_361 = tpu.memref_slice %arg8[%dma_wait3A_353, %dma_wait3A_360] : memref<4x128xi32, #tpu.memory_space<vmem>> -> memref<1x128xi32, #tpu.memory_space<vmem>>
      %dma_wait3A_362 = tpu.memref_squeeze %dma_wait3A_361 : memref<1x128xi32, #tpu.memory_space<vmem>> -> memref<128xi32, #tpu.memory_space<vmem>>
      %dma_wait3A_363 = arith.constant 0 : i32
      %dma_wait3A_364 = tpu.memref_slice %arg4[%dma_wait3A_351, %dma_wait3A_352, %dma_wait3A_363] : memref<32x80x128xi32, #tpu.memory_space<hbm>> -> memref<1x1x128xi32, #tpu.memory_space<hbm>>
      %dma_wait3A_365 = tpu.memref_squeeze %dma_wait3A_364 : memref<1x1x128xi32, #tpu.memory_space<hbm>> -> memref<128xi32, #tpu.memory_space<hbm>>
      tpu.wait_dma2 semaphore(%arg15 : memref<!tpu.dma_semaphore, #tpu.memory_space<semaphore_mem>>) src(%dma_wait3A_365 : memref<128xi32, #tpu.memory_space<hbm>>) dst(%dma_wait3A_362 : memref<128xi32, #tpu.memory_space<vmem>>)
      %dma_start3A_366 = arith.constant 2 : i32
      %dma_start3A_367 = arith.constant 0 : i32
      %dma_start3A_368 = arith.constant 0 : i32
      %dma_start3A_369 = arith.constant 0 : i32
      %dma_start3A_370 = tpu.memref_slice %arg9[%dma_start3A_367, %dma_start3A_368, %dma_start3A_369] : memref<2x128x128xf32, #tpu.memory_space<vmem>> -> memref<1x128x128xf32, #tpu.memory_space<vmem>>
      %dma_start3A_371 = tpu.memref_squeeze %dma_start3A_370 : memref<1x128x128xf32, #tpu.memory_space<vmem>> -> memref<128x128xf32, #tpu.memory_space<vmem>>
      %dma_start3A_372 = arith.constant 0 : i32
      %dma_start3A_373 = tpu.memref_slice %arg7[%dma_start3A_366, %dma_start3A_372] : memref<4x128xi32, #tpu.memory_space<vmem>> -> memref<1x128xi32, #tpu.memory_space<vmem>>
      %dma_start3A_374 = tpu.memref_squeeze %dma_start3A_373 : memref<1x128xi32, #tpu.memory_space<vmem>> -> memref<128xi32, #tpu.memory_space<vmem>>
      %dma_start3A_375 = arith.constant 0 : i32
      %dma_start3A_376 = arith.constant 0 : i32
      %dma_start3A_377 = tpu.memref_slice %arg2[%dma_start3A_375, %dma_start3A_376] : memref<10016x128xf32, #tpu.memory_space<hbm>> -> memref<10016x128xf32, #tpu.memory_space<hbm>>
      tpu.enqueue_indirect_dma source(%dma_start3A_377 : memref<10016x128xf32, #tpu.memory_space<hbm>>) target(%dma_start3A_371 : memref<128x128xf32, #tpu.memory_space<vmem>>) offsets(%dma_start3A_374 : memref<128xi32, #tpu.memory_space<vmem>>) semaphore(%arg11 : memref<!tpu.dma_semaphore, #tpu.memory_space<semaphore_mem>>)
      %mul3A_378 = arith.constant 4 : i32
      %mul3A_379 = arith.muli %mul3A_378, %scan3A_289 : i32
      %add3A_380 = arith.constant 1 : i32
      %add3A_381 = arith.addi %mul3A_379, %add3A_380 : i32
      %dma_wait3A_382 = arith.constant 0 : i32
      %dma_wait3A_383 = arith.constant 1 : i32
      %dma_wait3A_384 = arith.constant 0 : i32
      %dma_wait3A_385 = arith.constant 0 : i32
      %dma_wait3A_386 = tpu.memref_slice %arg9[%dma_wait3A_383, %dma_wait3A_384, %dma_wait3A_385] : memref<2x128x128xf32, #tpu.memory_space<vmem>> -> memref<1x128x128xf32, #tpu.memory_space<vmem>>
      %dma_wait3A_387 = tpu.memref_squeeze %dma_wait3A_386 : memref<1x128x128xf32, #tpu.memory_space<vmem>> -> memref<128x128xf32, #tpu.memory_space<vmem>>
      %dma_wait3A_388 = arith.constant 0 : i32
      %dma_wait3A_389 = tpu.memref_slice %arg7[%dma_wait3A_382, %dma_wait3A_388] : memref<4x128xi32, #tpu.memory_space<vmem>> -> memref<1x128xi32, #tpu.memory_space<vmem>>
      %dma_wait3A_390 = tpu.memref_squeeze %dma_wait3A_389 : memref<1x128xi32, #tpu.memory_space<vmem>> -> memref<128xi32, #tpu.memory_space<vmem>>
      %dma_wait3A_391 = arith.constant 0 : i32
      %dma_wait3A_392 = arith.constant 0 : i32
      %dma_wait3A_393 = tpu.memref_slice %arg2[%dma_wait3A_391, %dma_wait3A_392] : memref<10016x128xf32, #tpu.memory_space<hbm>> -> memref<10016x128xf32, #tpu.memory_space<hbm>>
      tpu.wait_indirect_dma semaphore(%arg12 : memref<!tpu.dma_semaphore, #tpu.memory_space<semaphore_mem>>) src(%dma_wait3A_393 : memref<10016x128xf32, #tpu.memory_space<hbm>>) dst(%dma_wait3A_387 : memref<128x128xf32, #tpu.memory_space<vmem>>)
      %run_scoped3A_394 = arith.constant 1 : i32
      %run_scoped3A_395 = arith.constant 1 : i32
      "tpu.region"() ({
        %run_scoped3A_648 = tpu.sem_alloc : memref<!tpu.dma_semaphore, #tpu.memory_space<semaphore_mem>>
        %dma_start3A_649 = arith.constant 0 : i32
        %dma_start3A_650 = arith.constant 0 : i32
        %dma_start3A_651 = tpu.memref_slice %arg9[%run_scoped3A_394, %dma_start3A_649, %dma_start3A_650] : memref<2x128x128xf32, #tpu.memory_space<vmem>> -> memref<1x128x128xf32, #tpu.memory_space<vmem>>
        %dma_start3A_652 = tpu.memref_squeeze %dma_start3A_651 : memref<1x128x128xf32, #tpu.memory_space<vmem>> -> memref<128x128xf32, #tpu.memory_space<vmem>>
        %dma_start3A_653 = arith.constant 0 : i32
        %dma_start3A_654 = tpu.memref_slice %arg8[%run_scoped3A_395, %dma_start3A_653] : memref<4x128xi32, #tpu.memory_space<vmem>> -> memref<1x128xi32, #tpu.memory_space<vmem>>
        %dma_start3A_655 = tpu.memref_squeeze %dma_start3A_654 : memref<1x128xi32, #tpu.memory_space<vmem>> -> memref<128xi32, #tpu.memory_space<vmem>>
        %dma_start3A_656 = arith.constant 0 : i32
        %dma_start3A_657 = arith.constant 0 : i32
        %dma_start3A_658 = tpu.memref_slice %arg10[%dma_start3A_656, %dma_start3A_657] : memref<10016x128xf32, #tpu.memory_space<vmem_shared>> -> memref<10016x128xf32, #tpu.memory_space<vmem_shared>>
        tpu.enqueue_indirect_dma source(%dma_start3A_652 : memref<128x128xf32, #tpu.memory_space<vmem>>) target(%dma_start3A_658 : memref<10016x128xf32, #tpu.memory_space<vmem_shared>>) offsets(%dma_start3A_655 : memref<128xi32, #tpu.memory_space<vmem>>) semaphore(%run_scoped3A_648 : memref<!tpu.dma_semaphore, #tpu.memory_space<semaphore_mem>>) {add = true}
        %dma_wait3A_659 = arith.constant 0 : i32
        %dma_wait3A_660 = arith.constant 0 : i32
        %dma_wait3A_661 = tpu.memref_slice %arg9[%run_scoped3A_394, %dma_wait3A_659, %dma_wait3A_660] : memref<2x128x128xf32, #tpu.memory_space<vmem>> -> memref<1x128x128xf32, #tpu.memory_space<vmem>>
        %dma_wait3A_662 = tpu.memref_squeeze %dma_wait3A_661 : memref<1x128x128xf32, #tpu.memory_space<vmem>> -> memref<128x128xf32, #tpu.memory_space<vmem>>
        %dma_wait3A_663 = arith.constant 0 : i32
        %dma_wait3A_664 = tpu.memref_slice %arg8[%run_scoped3A_395, %dma_wait3A_663] : memref<4x128xi32, #tpu.memory_space<vmem>> -> memref<1x128xi32, #tpu.memory_space<vmem>>
        %dma_wait3A_665 = tpu.memref_squeeze %dma_wait3A_664 : memref<1x128xi32, #tpu.memory_space<vmem>> -> memref<128xi32, #tpu.memory_space<vmem>>
        %dma_wait3A_666 = arith.constant 0 : i32
        %dma_wait3A_667 = arith.constant 0 : i32
        %dma_wait3A_668 = tpu.memref_slice %arg10[%dma_wait3A_666, %dma_wait3A_667] : memref<10016x128xf32, #tpu.memory_space<vmem_shared>> -> memref<10016x128xf32, #tpu.memory_space<vmem_shared>>
        tpu.wait_indirect_dma semaphore(%run_scoped3A_648 : memref<!tpu.dma_semaphore, #tpu.memory_space<semaphore_mem>>) src(%dma_wait3A_662 : memref<128x128xf32, #tpu.memory_space<vmem>>) dst(%dma_wait3A_668 : memref<10016x128xf32, #tpu.memory_space<vmem_shared>>)
        tpu.yield
      }) : () -> ()
      %add3A_396 = arith.constant 4 : i32
      %add3A_397 = arith.addi %add3A_381, %add3A_396 : i32
      %min3A_398 = arith.constant 79 : i32
      %min3A_399 = arith.minsi %add3A_397, %min3A_398 : i32
      %dma_start3A_400 = arith.constant 1 : i32
      %dma_start3A_401 = arith.constant 0 : i32
      %dma_start3A_402 = tpu.memref_slice %arg7[%dma_start3A_400, %dma_start3A_401] : memref<4x128xi32, #tpu.memory_space<vmem>> -> memref<1x128xi32, #tpu.memory_space<vmem>>
      %dma_start3A_403 = tpu.memref_squeeze %dma_start3A_402 : memref<1x128xi32, #tpu.memory_space<vmem>> -> memref<128xi32, #tpu.memory_space<vmem>>
      %dma_start3A_404 = arith.constant 0 : i32
      %dma_start3A_405 = tpu.memref_slice %arg3[%add3A, %min3A_399, %dma_start3A_404] : memref<32x80x128xi32, #tpu.memory_space<hbm>> -> memref<1x1x128xi32, #tpu.memory_space<hbm>>
      %dma_start3A_406 = tpu.memref_squeeze %dma_start3A_405 : memref<1x1x128xi32, #tpu.memory_space<hbm>> -> memref<128xi32, #tpu.memory_space<hbm>>
      %dma_start3A_407 = arith.constant 0 : i32
      %dma_start3A_408 = tpu.memref_slice %arg7[%dma_start3A_400, %dma_start3A_407] : memref<4x128xi32, #tpu.memory_space<vmem>> -> memref<1x128xi32, #tpu.memory_space<vmem>>
      %dma_start3A_409 = tpu.memref_squeeze %dma_start3A_408 : memref<1x128xi32, #tpu.memory_space<vmem>> -> memref<128xi32, #tpu.memory_space<vmem>>
      %dma_start3A_410 = arith.constant 0 : i32
      %dma_start3A_411 = tpu.memref_slice %arg3[%add3A, %min3A_399, %dma_start3A_410] : memref<32x80x128xi32, #tpu.memory_space<hbm>> -> memref<1x1x128xi32, #tpu.memory_space<hbm>>
      %dma_start3A_412 = tpu.memref_squeeze %dma_start3A_411 : memref<1x1x128xi32, #tpu.memory_space<hbm>> -> memref<128xi32, #tpu.memory_space<hbm>>
      tpu.enqueue_dma source(%dma_start3A_412 : memref<128xi32, #tpu.memory_space<hbm>>) target(%dma_start3A_409 : memref<128xi32, #tpu.memory_space<vmem>>) target_semaphore(%arg14 : memref<!tpu.dma_semaphore, #tpu.memory_space<semaphore_mem>>)
      %dma_start3A_413 = arith.constant 1 : i32
      %dma_start3A_414 = arith.constant 0 : i32
      %dma_start3A_415 = tpu.memref_slice %arg8[%dma_start3A_413, %dma_start3A_414] : memref<4x128xi32, #tpu.memory_space<vmem>> -> memref<1x128xi32, #tpu.memory_space<vmem>>
      %dma_start3A_416 = tpu.memref_squeeze %dma_start3A_415 : memref<1x128xi32, #tpu.memory_space<vmem>> -> memref<128xi32, #tpu.memory_space<vmem>>
      %dma_start3A_417 = arith.constant 0 : i32
      %dma_start3A_418 = tpu.memref_slice %arg4[%add3A, %min3A_399, %dma_start3A_417] : memref<32x80x128xi32, #tpu.memory_space<hbm>> -> memref<1x1x128xi32, #tpu.memory_space<hbm>>
      %dma_start3A_419 = tpu.memref_squeeze %dma_start3A_418 : memref<1x1x128xi32, #tpu.memory_space<hbm>> -> memref<128xi32, #tpu.memory_space<hbm>>
      %dma_start3A_420 = arith.constant 0 : i32
      %dma_start3A_421 = tpu.memref_slice %arg8[%dma_start3A_413, %dma_start3A_420] : memref<4x128xi32, #tpu.memory_space<vmem>> -> memref<1x128xi32, #tpu.memory_space<vmem>>
      %dma_start3A_422 = tpu.memref_squeeze %dma_start3A_421 : memref<1x128xi32, #tpu.memory_space<vmem>> -> memref<128xi32, #tpu.memory_space<vmem>>
      %dma_start3A_423 = arith.constant 0 : i32
      %dma_start3A_424 = tpu.memref_slice %arg4[%add3A, %min3A_399, %dma_start3A_423] : memref<32x80x128xi32, #tpu.memory_space<hbm>> -> memref<1x1x128xi32, #tpu.memory_space<hbm>>
      %dma_start3A_425 = tpu.memref_squeeze %dma_start3A_424 : memref<1x1x128xi32, #tpu.memory_space<hbm>> -> memref<128xi32, #tpu.memory_space<hbm>>
      tpu.enqueue_dma source(%dma_start3A_425 : memref<128xi32, #tpu.memory_space<hbm>>) target(%dma_start3A_422 : memref<128xi32, #tpu.memory_space<vmem>>) target_semaphore(%arg14 : memref<!tpu.dma_semaphore, #tpu.memory_space<semaphore_mem>>)
      %dma_wait3A_426 = arith.constant 0 : i32
      %dma_wait3A_427 = arith.constant 0 : i32
      %dma_wait3A_428 = arith.constant 3 : i32
      %dma_wait3A_429 = arith.constant 0 : i32
      %dma_wait3A_430 = tpu.memref_slice %arg7[%dma_wait3A_428, %dma_wait3A_429] : memref<4x128xi32, #tpu.memory_space<vmem>> -> memref<1x128xi32, #tpu.memory_space<vmem>>
      %dma_wait3A_431 = tpu.memref_squeeze %dma_wait3A_430 : memref<1x128xi32, #tpu.memory_space<vmem>> -> memref<128xi32, #tpu.memory_space<vmem>>
      %dma_wait3A_432 = arith.constant 0 : i32
      %dma_wait3A_433 = tpu.memref_slice %arg3[%dma_wait3A_426, %dma_wait3A_427, %dma_wait3A_432] : memref<32x80x128xi32, #tpu.memory_space<hbm>> -> memref<1x1x128xi32, #tpu.memory_space<hbm>>
      %dma_wait3A_434 = tpu.memref_squeeze %dma_wait3A_433 : memref<1x1x128xi32, #tpu.memory_space<hbm>> -> memref<128xi32, #tpu.memory_space<hbm>>
      %dma_wait3A_435 = arith.constant 0 : i32
      %dma_wait3A_436 = tpu.memref_slice %arg7[%dma_wait3A_428, %dma_wait3A_435] : memref<4x128xi32, #tpu.memory_space<vmem>> -> memref<1x128xi32, #tpu.memory_space<vmem>>
      %dma_wait3A_437 = tpu.memref_squeeze %dma_wait3A_436 : memref<1x128xi32, #tpu.memory_space<vmem>> -> memref<128xi32, #tpu.memory_space<vmem>>
      %dma_wait3A_438 = arith.constant 0 : i32
      %dma_wait3A_439 = tpu.memref_slice %arg3[%dma_wait3A_426, %dma_wait3A_427, %dma_wait3A_438] : memref<32x80x128xi32, #tpu.memory_space<hbm>> -> memref<1x1x128xi32, #tpu.memory_space<hbm>>
      %dma_wait3A_440 = tpu.memref_squeeze %dma_wait3A_439 : memref<1x1x128xi32, #tpu.memory_space<hbm>> -> memref<128xi32, #tpu.memory_space<hbm>>
      tpu.wait_dma2 semaphore(%arg16 : memref<!tpu.dma_semaphore, #tpu.memory_space<semaphore_mem>>) src(%dma_wait3A_440 : memref<128xi32, #tpu.memory_space<hbm>>) dst(%dma_wait3A_437 : memref<128xi32, #tpu.memory_space<vmem>>)
      %dma_wait3A_441 = arith.constant 0 : i32
      %dma_wait3A_442 = arith.constant 0 : i32
      %dma_wait3A_443 = arith.constant 3 : i32
      %dma_wait3A_444 = arith.constant 0 : i32
      %dma_wait3A_445 = tpu.memref_slice %arg8[%dma_wait3A_443, %dma_wait3A_444] : memref<4x128xi32, #tpu.memory_space<vmem>> -> memref<1x128xi32, #tpu.memory_space<vmem>>
      %dma_wait3A_446 = tpu.memref_squeeze %dma_wait3A_445 : memref<1x128xi32, #tpu.memory_space<vmem>> -> memref<128xi32, #tpu.memory_space<vmem>>
      %dma_wait3A_447 = arith.constant 0 : i32
      %dma_wait3A_448 = tpu.memref_slice %arg4[%dma_wait3A_441, %dma_wait3A_442, %dma_wait3A_447] : memref<32x80x128xi32, #tpu.memory_space<hbm>> -> memref<1x1x128xi32, #tpu.memory_space<hbm>>
      %dma_wait3A_449 = tpu.memref_squeeze %dma_wait3A_448 : memref<1x1x128xi32, #tpu.memory_space<hbm>> -> memref<128xi32, #tpu.memory_space<hbm>>
      %dma_wait3A_450 = arith.constant 0 : i32
      %dma_wait3A_451 = tpu.memref_slice %arg8[%dma_wait3A_443, %dma_wait3A_450] : memref<4x128xi32, #tpu.memory_space<vmem>> -> memref<1x128xi32, #tpu.memory_space<vmem>>
      %dma_wait3A_452 = tpu.memref_squeeze %dma_wait3A_451 : memref<1x128xi32, #tpu.memory_space<vmem>> -> memref<128xi32, #tpu.memory_space<vmem>>
      %dma_wait3A_453 = arith.constant 0 : i32
      %dma_wait3A_454 = tpu.memref_slice %arg4[%dma_wait3A_441, %dma_wait3A_442, %dma_wait3A_453] : memref<32x80x128xi32, #tpu.memory_space<hbm>> -> memref<1x1x128xi32, #tpu.memory_space<hbm>>
      %dma_wait3A_455 = tpu.memref_squeeze %dma_wait3A_454 : memref<1x1x128xi32, #tpu.memory_space<hbm>> -> memref<128xi32, #tpu.memory_space<hbm>>
      tpu.wait_dma2 semaphore(%arg16 : memref<!tpu.dma_semaphore, #tpu.memory_space<semaphore_mem>>) src(%dma_wait3A_455 : memref<128xi32, #tpu.memory_space<hbm>>) dst(%dma_wait3A_452 : memref<128xi32, #tpu.memory_space<vmem>>)
      %dma_start3A_456 = arith.constant 3 : i32
      %dma_start3A_457 = arith.constant 1 : i32
      %dma_start3A_458 = arith.constant 0 : i32
      %dma_start3A_459 = arith.constant 0 : i32
      %dma_start3A_460 = tpu.memref_slice %arg9[%dma_start3A_457, %dma_start3A_458, %dma_start3A_459] : memref<2x128x128xf32, #tpu.memory_space<vmem>> -> memref<1x128x128xf32, #tpu.memory_space<vmem>>
      %dma_start3A_461 = tpu.memref_squeeze %dma_start3A_460 : memref<1x128x128xf32, #tpu.memory_space<vmem>> -> memref<128x128xf32, #tpu.memory_space<vmem>>
      %dma_start3A_462 = arith.constant 0 : i32
      %dma_start3A_463 = tpu.memref_slice %arg7[%dma_start3A_456, %dma_start3A_462] : memref<4x128xi32, #tpu.memory_space<vmem>> -> memref<1x128xi32, #tpu.memory_space<vmem>>
      %dma_start3A_464 = tpu.memref_squeeze %dma_start3A_463 : memref<1x128xi32, #tpu.memory_space<vmem>> -> memref<128xi32, #tpu.memory_space<vmem>>
      %dma_start3A_465 = arith.constant 0 : i32
      %dma_start3A_466 = arith.constant 0 : i32
      %dma_start3A_467 = tpu.memref_slice %arg2[%dma_start3A_465, %dma_start3A_466] : memref<10016x128xf32, #tpu.memory_space<hbm>> -> memref<10016x128xf32, #tpu.memory_space<hbm>>
      tpu.enqueue_indirect_dma source(%dma_start3A_467 : memref<10016x128xf32, #tpu.memory_space<hbm>>) target(%dma_start3A_461 : memref<128x128xf32, #tpu.memory_space<vmem>>) offsets(%dma_start3A_464 : memref<128xi32, #tpu.memory_space<vmem>>) semaphore(%arg12 : memref<!tpu.dma_semaphore, #tpu.memory_space<semaphore_mem>>)
      %mul3A_468 = arith.constant 4 : i32
      %mul3A_469 = arith.muli %mul3A_468, %scan3A_289 : i32
      %add3A_470 = arith.constant 2 : i32
      %add3A_471 = arith.addi %mul3A_469, %add3A_470 : i32
      %dma_wait3A_472 = arith.constant 0 : i32
      %dma_wait3A_473 = arith.constant 0 : i32
      %dma_wait3A_474 = arith.constant 0 : i32
      %dma_wait3A_475 = arith.constant 0 : i32
      %dma_wait3A_476 = tpu.memref_slice %arg9[%dma_wait3A_473, %dma_wait3A_474, %dma_wait3A_475] : memref<2x128x128xf32, #tpu.memory_space<vmem>> -> memref<1x128x128xf32, #tpu.memory_space<vmem>>
      %dma_wait3A_477 = tpu.memref_squeeze %dma_wait3A_476 : memref<1x128x128xf32, #tpu.memory_space<vmem>> -> memref<128x128xf32, #tpu.memory_space<vmem>>
      %dma_wait3A_478 = arith.constant 0 : i32
      %dma_wait3A_479 = tpu.memref_slice %arg7[%dma_wait3A_472, %dma_wait3A_478] : memref<4x128xi32, #tpu.memory_space<vmem>> -> memref<1x128xi32, #tpu.memory_space<vmem>>
      %dma_wait3A_480 = tpu.memref_squeeze %dma_wait3A_479 : memref<1x128xi32, #tpu.memory_space<vmem>> -> memref<128xi32, #tpu.memory_space<vmem>>
      %dma_wait3A_481 = arith.constant 0 : i32
      %dma_wait3A_482 = arith.constant 0 : i32
      %dma_wait3A_483 = tpu.memref_slice %arg2[%dma_wait3A_481, %dma_wait3A_482] : memref<10016x128xf32, #tpu.memory_space<hbm>> -> memref<10016x128xf32, #tpu.memory_space<hbm>>
      tpu.wait_indirect_dma semaphore(%arg11 : memref<!tpu.dma_semaphore, #tpu.memory_space<semaphore_mem>>) src(%dma_wait3A_483 : memref<10016x128xf32, #tpu.memory_space<hbm>>) dst(%dma_wait3A_477 : memref<128x128xf32, #tpu.memory_space<vmem>>)
      %run_scoped3A_484 = arith.constant 0 : i32
      %run_scoped3A_485 = arith.constant 2 : i32
      "tpu.region"() ({
        %run_scoped3A_648 = tpu.sem_alloc : memref<!tpu.dma_semaphore, #tpu.memory_space<semaphore_mem>>
        %dma_start3A_649 = arith.constant 0 : i32
        %dma_start3A_650 = arith.constant 0 : i32
        %dma_start3A_651 = tpu.memref_slice %arg9[%run_scoped3A_484, %dma_start3A_649, %dma_start3A_650] : memref<2x128x128xf32, #tpu.memory_space<vmem>> -> memref<1x128x128xf32, #tpu.memory_space<vmem>>
        %dma_start3A_652 = tpu.memref_squeeze %dma_start3A_651 : memref<1x128x128xf32, #tpu.memory_space<vmem>> -> memref<128x128xf32, #tpu.memory_space<vmem>>
        %dma_start3A_653 = arith.constant 0 : i32
        %dma_start3A_654 = tpu.memref_slice %arg8[%run_scoped3A_485, %dma_start3A_653] : memref<4x128xi32, #tpu.memory_space<vmem>> -> memref<1x128xi32, #tpu.memory_space<vmem>>
        %dma_start3A_655 = tpu.memref_squeeze %dma_start3A_654 : memref<1x128xi32, #tpu.memory_space<vmem>> -> memref<128xi32, #tpu.memory_space<vmem>>
        %dma_start3A_656 = arith.constant 0 : i32
        %dma_start3A_657 = arith.constant 0 : i32
        %dma_start3A_658 = tpu.memref_slice %arg10[%dma_start3A_656, %dma_start3A_657] : memref<10016x128xf32, #tpu.memory_space<vmem_shared>> -> memref<10016x128xf32, #tpu.memory_space<vmem_shared>>
        tpu.enqueue_indirect_dma source(%dma_start3A_652 : memref<128x128xf32, #tpu.memory_space<vmem>>) target(%dma_start3A_658 : memref<10016x128xf32, #tpu.memory_space<vmem_shared>>) offsets(%dma_start3A_655 : memref<128xi32, #tpu.memory_space<vmem>>) semaphore(%run_scoped3A_648 : memref<!tpu.dma_semaphore, #tpu.memory_space<semaphore_mem>>) {add = true}
        %dma_wait3A_659 = arith.constant 0 : i32
        %dma_wait3A_660 = arith.constant 0 : i32
        %dma_wait3A_661 = tpu.memref_slice %arg9[%run_scoped3A_484, %dma_wait3A_659, %dma_wait3A_660] : memref<2x128x128xf32, #tpu.memory_space<vmem>> -> memref<1x128x128xf32, #tpu.memory_space<vmem>>
        %dma_wait3A_662 = tpu.memref_squeeze %dma_wait3A_661 : memref<1x128x128xf32, #tpu.memory_space<vmem>> -> memref<128x128xf32, #tpu.memory_space<vmem>>
        %dma_wait3A_663 = arith.constant 0 : i32
        %dma_wait3A_664 = tpu.memref_slice %arg8[%run_scoped3A_485, %dma_wait3A_663] : memref<4x128xi32, #tpu.memory_space<vmem>> -> memref<1x128xi32, #tpu.memory_space<vmem>>
        %dma_wait3A_665 = tpu.memref_squeeze %dma_wait3A_664 : memref<1x128xi32, #tpu.memory_space<vmem>> -> memref<128xi32, #tpu.memory_space<vmem>>
        %dma_wait3A_666 = arith.constant 0 : i32
        %dma_wait3A_667 = arith.constant 0 : i32
        %dma_wait3A_668 = tpu.memref_slice %arg10[%dma_wait3A_666, %dma_wait3A_667] : memref<10016x128xf32, #tpu.memory_space<vmem_shared>> -> memref<10016x128xf32, #tpu.memory_space<vmem_shared>>
        tpu.wait_indirect_dma semaphore(%run_scoped3A_648 : memref<!tpu.dma_semaphore, #tpu.memory_space<semaphore_mem>>) src(%dma_wait3A_662 : memref<128x128xf32, #tpu.memory_space<vmem>>) dst(%dma_wait3A_668 : memref<10016x128xf32, #tpu.memory_space<vmem_shared>>)
        tpu.yield
      }) : () -> ()
      %add3A_486 = arith.constant 4 : i32
      %add3A_487 = arith.addi %add3A_471, %add3A_486 : i32
      %min3A_488 = arith.constant 79 : i32
      %min3A_489 = arith.minsi %add3A_487, %min3A_488 : i32
      %dma_start3A_490 = arith.constant 2 : i32
      %dma_start3A_491 = arith.constant 0 : i32
      %dma_start3A_492 = tpu.memref_slice %arg7[%dma_start3A_490, %dma_start3A_491] : memref<4x128xi32, #tpu.memory_space<vmem>> -> memref<1x128xi32, #tpu.memory_space<vmem>>
      %dma_start3A_493 = tpu.memref_squeeze %dma_start3A_492 : memref<1x128xi32, #tpu.memory_space<vmem>> -> memref<128xi32, #tpu.memory_space<vmem>>
      %dma_start3A_494 = arith.constant 0 : i32
      %dma_start3A_495 = tpu.memref_slice %arg3[%add3A, %min3A_489, %dma_start3A_494] : memref<32x80x128xi32, #tpu.memory_space<hbm>> -> memref<1x1x128xi32, #tpu.memory_space<hbm>>
      %dma_start3A_496 = tpu.memref_squeeze %dma_start3A_495 : memref<1x1x128xi32, #tpu.memory_space<hbm>> -> memref<128xi32, #tpu.memory_space<hbm>>
      %dma_start3A_497 = arith.constant 0 : i32
      %dma_start3A_498 = tpu.memref_slice %arg7[%dma_start3A_490, %dma_start3A_497] : memref<4x128xi32, #tpu.memory_space<vmem>> -> memref<1x128xi32, #tpu.memory_space<vmem>>
      %dma_start3A_499 = tpu.memref_squeeze %dma_start3A_498 : memref<1x128xi32, #tpu.memory_space<vmem>> -> memref<128xi32, #tpu.memory_space<vmem>>
      %dma_start3A_500 = arith.constant 0 : i32
      %dma_start3A_501 = tpu.memref_slice %arg3[%add3A, %min3A_489, %dma_start3A_500] : memref<32x80x128xi32, #tpu.memory_space<hbm>> -> memref<1x1x128xi32, #tpu.memory_space<hbm>>
      %dma_start3A_502 = tpu.memref_squeeze %dma_start3A_501 : memref<1x1x128xi32, #tpu.memory_space<hbm>> -> memref<128xi32, #tpu.memory_space<hbm>>
      tpu.enqueue_dma source(%dma_start3A_502 : memref<128xi32, #tpu.memory_space<hbm>>) target(%dma_start3A_499 : memref<128xi32, #tpu.memory_space<vmem>>) target_semaphore(%arg15 : memref<!tpu.dma_semaphore, #tpu.memory_space<semaphore_mem>>)
      %dma_start3A_503 = arith.constant 2 : i32
      %dma_start3A_504 = arith.constant 0 : i32
      %dma_start3A_505 = tpu.memref_slice %arg8[%dma_start3A_503, %dma_start3A_504] : memref<4x128xi32, #tpu.memory_space<vmem>> -> memref<1x128xi32, #tpu.memory_space<vmem>>
      %dma_start3A_506 = tpu.memref_squeeze %dma_start3A_505 : memref<1x128xi32, #tpu.memory_space<vmem>> -> memref<128xi32, #tpu.memory_space<vmem>>
      %dma_start3A_507 = arith.constant 0 : i32
      %dma_start3A_508 = tpu.memref_slice %arg4[%add3A, %min3A_489, %dma_start3A_507] : memref<32x80x128xi32, #tpu.memory_space<hbm>> -> memref<1x1x128xi32, #tpu.memory_space<hbm>>
      %dma_start3A_509 = tpu.memref_squeeze %dma_start3A_508 : memref<1x1x128xi32, #tpu.memory_space<hbm>> -> memref<128xi32, #tpu.memory_space<hbm>>
      %dma_start3A_510 = arith.constant 0 : i32
      %dma_start3A_511 = tpu.memref_slice %arg8[%dma_start3A_503, %dma_start3A_510] : memref<4x128xi32, #tpu.memory_space<vmem>> -> memref<1x128xi32, #tpu.memory_space<vmem>>
      %dma_start3A_512 = tpu.memref_squeeze %dma_start3A_511 : memref<1x128xi32, #tpu.memory_space<vmem>> -> memref<128xi32, #tpu.memory_space<vmem>>
      %dma_start3A_513 = arith.constant 0 : i32
      %dma_start3A_514 = tpu.memref_slice %arg4[%add3A, %min3A_489, %dma_start3A_513] : memref<32x80x128xi32, #tpu.memory_space<hbm>> -> memref<1x1x128xi32, #tpu.memory_space<hbm>>
      %dma_start3A_515 = tpu.memref_squeeze %dma_start3A_514 : memref<1x1x128xi32, #tpu.memory_space<hbm>> -> memref<128xi32, #tpu.memory_space<hbm>>
      tpu.enqueue_dma source(%dma_start3A_515 : memref<128xi32, #tpu.memory_space<hbm>>) target(%dma_start3A_512 : memref<128xi32, #tpu.memory_space<vmem>>) target_semaphore(%arg15 : memref<!tpu.dma_semaphore, #tpu.memory_space<semaphore_mem>>)
      %dma_wait3A_516 = arith.constant 0 : i32
      %dma_wait3A_517 = arith.constant 0 : i32
      %dma_wait3A_518 = arith.constant 0 : i32
      %dma_wait3A_519 = arith.constant 0 : i32
      %dma_wait3A_520 = tpu.memref_slice %arg7[%dma_wait3A_518, %dma_wait3A_519] : memref<4x128xi32, #tpu.memory_space<vmem>> -> memref<1x128xi32, #tpu.memory_space<vmem>>
      %dma_wait3A_521 = tpu.memref_squeeze %dma_wait3A_520 : memref<1x128xi32, #tpu.memory_space<vmem>> -> memref<128xi32, #tpu.memory_space<vmem>>
      %dma_wait3A_522 = arith.constant 0 : i32
      %dma_wait3A_523 = tpu.memref_slice %arg3[%dma_wait3A_516, %dma_wait3A_517, %dma_wait3A_522] : memref<32x80x128xi32, #tpu.memory_space<hbm>> -> memref<1x1x128xi32, #tpu.memory_space<hbm>>
      %dma_wait3A_524 = tpu.memref_squeeze %dma_wait3A_523 : memref<1x1x128xi32, #tpu.memory_space<hbm>> -> memref<128xi32, #tpu.memory_space<hbm>>
      %dma_wait3A_525 = arith.constant 0 : i32
      %dma_wait3A_526 = tpu.memref_slice %arg7[%dma_wait3A_518, %dma_wait3A_525] : memref<4x128xi32, #tpu.memory_space<vmem>> -> memref<1x128xi32, #tpu.memory_space<vmem>>
      %dma_wait3A_527 = tpu.memref_squeeze %dma_wait3A_526 : memref<1x128xi32, #tpu.memory_space<vmem>> -> memref<128xi32, #tpu.memory_space<vmem>>
      %dma_wait3A_528 = arith.constant 0 : i32
      %dma_wait3A_529 = tpu.memref_slice %arg3[%dma_wait3A_516, %dma_wait3A_517, %dma_wait3A_528] : memref<32x80x128xi32, #tpu.memory_space<hbm>> -> memref<1x1x128xi32, #tpu.memory_space<hbm>>
      %dma_wait3A_530 = tpu.memref_squeeze %dma_wait3A_529 : memref<1x1x128xi32, #tpu.memory_space<hbm>> -> memref<128xi32, #tpu.memory_space<hbm>>
      tpu.wait_dma2 semaphore(%arg13 : memref<!tpu.dma_semaphore, #tpu.memory_space<semaphore_mem>>) src(%dma_wait3A_530 : memref<128xi32, #tpu.memory_space<hbm>>) dst(%dma_wait3A_527 : memref<128xi32, #tpu.memory_space<vmem>>)
      %dma_wait3A_531 = arith.constant 0 : i32
      %dma_wait3A_532 = arith.constant 0 : i32
      %dma_wait3A_533 = arith.constant 0 : i32
      %dma_wait3A_534 = arith.constant 0 : i32
      %dma_wait3A_535 = tpu.memref_slice %arg8[%dma_wait3A_533, %dma_wait3A_534] : memref<4x128xi32, #tpu.memory_space<vmem>> -> memref<1x128xi32, #tpu.memory_space<vmem>>
      %dma_wait3A_536 = tpu.memref_squeeze %dma_wait3A_535 : memref<1x128xi32, #tpu.memory_space<vmem>> -> memref<128xi32, #tpu.memory_space<vmem>>
      %dma_wait3A_537 = arith.constant 0 : i32
      %dma_wait3A_538 = tpu.memref_slice %arg4[%dma_wait3A_531, %dma_wait3A_532, %dma_wait3A_537] : memref<32x80x128xi32, #tpu.memory_space<hbm>> -> memref<1x1x128xi32, #tpu.memory_space<hbm>>
      %dma_wait3A_539 = tpu.memref_squeeze %dma_wait3A_538 : memref<1x1x128xi32, #tpu.memory_space<hbm>> -> memref<128xi32, #tpu.memory_space<hbm>>
      %dma_wait3A_540 = arith.constant 0 : i32
      %dma_wait3A_541 = tpu.memref_slice %arg8[%dma_wait3A_533, %dma_wait3A_540] : memref<4x128xi32, #tpu.memory_space<vmem>> -> memref<1x128xi32, #tpu.memory_space<vmem>>
      %dma_wait3A_542 = tpu.memref_squeeze %dma_wait3A_541 : memref<1x128xi32, #tpu.memory_space<vmem>> -> memref<128xi32, #tpu.memory_space<vmem>>
      %dma_wait3A_543 = arith.constant 0 : i32
      %dma_wait3A_544 = tpu.memref_slice %arg4[%dma_wait3A_531, %dma_wait3A_532, %dma_wait3A_543] : memref<32x80x128xi32, #tpu.memory_space<hbm>> -> memref<1x1x128xi32, #tpu.memory_space<hbm>>
      %dma_wait3A_545 = tpu.memref_squeeze %dma_wait3A_544 : memref<1x1x128xi32, #tpu.memory_space<hbm>> -> memref<128xi32, #tpu.memory_space<hbm>>
      tpu.wait_dma2 semaphore(%arg13 : memref<!tpu.dma_semaphore, #tpu.memory_space<semaphore_mem>>) src(%dma_wait3A_545 : memref<128xi32, #tpu.memory_space<hbm>>) dst(%dma_wait3A_542 : memref<128xi32, #tpu.memory_space<vmem>>)
      %dma_start3A_546 = arith.constant 0 : i32
      %dma_start3A_547 = arith.constant 0 : i32
      %dma_start3A_548 = arith.constant 0 : i32
      %dma_start3A_549 = arith.constant 0 : i32
      %dma_start3A_550 = tpu.memref_slice %arg9[%dma_start3A_547, %dma_start3A_548, %dma_start3A_549] : memref<2x128x128xf32, #tpu.memory_space<vmem>> -> memref<1x128x128xf32, #tpu.memory_space<vmem>>
      %dma_start3A_551 = tpu.memref_squeeze %dma_start3A_550 : memref<1x128x128xf32, #tpu.memory_space<vmem>> -> memref<128x128xf32, #tpu.memory_space<vmem>>
      %dma_start3A_552 = arith.constant 0 : i32
      %dma_start3A_553 = tpu.memref_slice %arg7[%dma_start3A_546, %dma_start3A_552] : memref<4x128xi32, #tpu.memory_space<vmem>> -> memref<1x128xi32, #tpu.memory_space<vmem>>
      %dma_start3A_554 = tpu.memref_squeeze %dma_start3A_553 : memref<1x128xi32, #tpu.memory_space<vmem>> -> memref<128xi32, #tpu.memory_space<vmem>>
      %dma_start3A_555 = arith.constant 0 : i32
      %dma_start3A_556 = arith.constant 0 : i32
      %dma_start3A_557 = tpu.memref_slice %arg2[%dma_start3A_555, %dma_start3A_556] : memref<10016x128xf32, #tpu.memory_space<hbm>> -> memref<10016x128xf32, #tpu.memory_space<hbm>>
      tpu.enqueue_indirect_dma source(%dma_start3A_557 : memref<10016x128xf32, #tpu.memory_space<hbm>>) target(%dma_start3A_551 : memref<128x128xf32, #tpu.memory_space<vmem>>) offsets(%dma_start3A_554 : memref<128xi32, #tpu.memory_space<vmem>>) semaphore(%arg11 : memref<!tpu.dma_semaphore, #tpu.memory_space<semaphore_mem>>)
      %mul3A_558 = arith.constant 4 : i32
      %mul3A_559 = arith.muli %mul3A_558, %scan3A_289 : i32
      %add3A_560 = arith.constant 3 : i32
      %add3A_561 = arith.addi %mul3A_559, %add3A_560 : i32
      %dma_wait3A_562 = arith.constant 0 : i32
      %dma_wait3A_563 = arith.constant 1 : i32
      %dma_wait3A_564 = arith.constant 0 : i32
      %dma_wait3A_565 = arith.constant 0 : i32
      %dma_wait3A_566 = tpu.memref_slice %arg9[%dma_wait3A_563, %dma_wait3A_564, %dma_wait3A_565] : memref<2x128x128xf32, #tpu.memory_space<vmem>> -> memref<1x128x128xf32, #tpu.memory_space<vmem>>
      %dma_wait3A_567 = tpu.memref_squeeze %dma_wait3A_566 : memref<1x128x128xf32, #tpu.memory_space<vmem>> -> memref<128x128xf32, #tpu.memory_space<vmem>>
      %dma_wait3A_568 = arith.constant 0 : i32
      %dma_wait3A_569 = tpu.memref_slice %arg7[%dma_wait3A_562, %dma_wait3A_568] : memref<4x128xi32, #tpu.memory_space<vmem>> -> memref<1x128xi32, #tpu.memory_space<vmem>>
      %dma_wait3A_570 = tpu.memref_squeeze %dma_wait3A_569 : memref<1x128xi32, #tpu.memory_space<vmem>> -> memref<128xi32, #tpu.memory_space<vmem>>
      %dma_wait3A_571 = arith.constant 0 : i32
      %dma_wait3A_572 = arith.constant 0 : i32
      %dma_wait3A_573 = tpu.memref_slice %arg2[%dma_wait3A_571, %dma_wait3A_572] : memref<10016x128xf32, #tpu.memory_space<hbm>> -> memref<10016x128xf32, #tpu.memory_space<hbm>>
      tpu.wait_indirect_dma semaphore(%arg12 : memref<!tpu.dma_semaphore, #tpu.memory_space<semaphore_mem>>) src(%dma_wait3A_573 : memref<10016x128xf32, #tpu.memory_space<hbm>>) dst(%dma_wait3A_567 : memref<128x128xf32, #tpu.memory_space<vmem>>)
      %run_scoped3A_574 = arith.constant 1 : i32
      %run_scoped3A_575 = arith.constant 3 : i32
      "tpu.region"() ({
        %run_scoped3A_648 = tpu.sem_alloc : memref<!tpu.dma_semaphore, #tpu.memory_space<semaphore_mem>>
        %dma_start3A_649 = arith.constant 0 : i32
        %dma_start3A_650 = arith.constant 0 : i32
        %dma_start3A_651 = tpu.memref_slice %arg9[%run_scoped3A_574, %dma_start3A_649, %dma_start3A_650] : memref<2x128x128xf32, #tpu.memory_space<vmem>> -> memref<1x128x128xf32, #tpu.memory_space<vmem>>
        %dma_start3A_652 = tpu.memref_squeeze %dma_start3A_651 : memref<1x128x128xf32, #tpu.memory_space<vmem>> -> memref<128x128xf32, #tpu.memory_space<vmem>>
        %dma_start3A_653 = arith.constant 0 : i32
        %dma_start3A_654 = tpu.memref_slice %arg8[%run_scoped3A_575, %dma_start3A_653] : memref<4x128xi32, #tpu.memory_space<vmem>> -> memref<1x128xi32, #tpu.memory_space<vmem>>
        %dma_start3A_655 = tpu.memref_squeeze %dma_start3A_654 : memref<1x128xi32, #tpu.memory_space<vmem>> -> memref<128xi32, #tpu.memory_space<vmem>>
        %dma_start3A_656 = arith.constant 0 : i32
        %dma_start3A_657 = arith.constant 0 : i32
        %dma_start3A_658 = tpu.memref_slice %arg10[%dma_start3A_656, %dma_start3A_657] : memref<10016x128xf32, #tpu.memory_space<vmem_shared>> -> memref<10016x128xf32, #tpu.memory_space<vmem_shared>>
        tpu.enqueue_indirect_dma source(%dma_start3A_652 : memref<128x128xf32, #tpu.memory_space<vmem>>) target(%dma_start3A_658 : memref<10016x128xf32, #tpu.memory_space<vmem_shared>>) offsets(%dma_start3A_655 : memref<128xi32, #tpu.memory_space<vmem>>) semaphore(%run_scoped3A_648 : memref<!tpu.dma_semaphore, #tpu.memory_space<semaphore_mem>>) {add = true}
        %dma_wait3A_659 = arith.constant 0 : i32
        %dma_wait3A_660 = arith.constant 0 : i32
        %dma_wait3A_661 = tpu.memref_slice %arg9[%run_scoped3A_574, %dma_wait3A_659, %dma_wait3A_660] : memref<2x128x128xf32, #tpu.memory_space<vmem>> -> memref<1x128x128xf32, #tpu.memory_space<vmem>>
        %dma_wait3A_662 = tpu.memref_squeeze %dma_wait3A_661 : memref<1x128x128xf32, #tpu.memory_space<vmem>> -> memref<128x128xf32, #tpu.memory_space<vmem>>
        %dma_wait3A_663 = arith.constant 0 : i32
        %dma_wait3A_664 = tpu.memref_slice %arg8[%run_scoped3A_575, %dma_wait3A_663] : memref<4x128xi32, #tpu.memory_space<vmem>> -> memref<1x128xi32, #tpu.memory_space<vmem>>
        %dma_wait3A_665 = tpu.memref_squeeze %dma_wait3A_664 : memref<1x128xi32, #tpu.memory_space<vmem>> -> memref<128xi32, #tpu.memory_space<vmem>>
        %dma_wait3A_666 = arith.constant 0 : i32
        %dma_wait3A_667 = arith.constant 0 : i32
        %dma_wait3A_668 = tpu.memref_slice %arg10[%dma_wait3A_666, %dma_wait3A_667] : memref<10016x128xf32, #tpu.memory_space<vmem_shared>> -> memref<10016x128xf32, #tpu.memory_space<vmem_shared>>
        tpu.wait_indirect_dma semaphore(%run_scoped3A_648 : memref<!tpu.dma_semaphore, #tpu.memory_space<semaphore_mem>>) src(%dma_wait3A_662 : memref<128x128xf32, #tpu.memory_space<vmem>>) dst(%dma_wait3A_668 : memref<10016x128xf32, #tpu.memory_space<vmem_shared>>)
        tpu.yield
      }) : () -> ()
      %add3A_576 = arith.constant 4 : i32
      %add3A_577 = arith.addi %add3A_561, %add3A_576 : i32
      %min3A_578 = arith.constant 79 : i32
      %min3A_579 = arith.minsi %add3A_577, %min3A_578 : i32
      %dma_start3A_580 = arith.constant 3 : i32
      %dma_start3A_581 = arith.constant 0 : i32
      %dma_start3A_582 = tpu.memref_slice %arg7[%dma_start3A_580, %dma_start3A_581] : memref<4x128xi32, #tpu.memory_space<vmem>> -> memref<1x128xi32, #tpu.memory_space<vmem>>
      %dma_start3A_583 = tpu.memref_squeeze %dma_start3A_582 : memref<1x128xi32, #tpu.memory_space<vmem>> -> memref<128xi32, #tpu.memory_space<vmem>>
      %dma_start3A_584 = arith.constant 0 : i32
      %dma_start3A_585 = tpu.memref_slice %arg3[%add3A, %min3A_579, %dma_start3A_584] : memref<32x80x128xi32, #tpu.memory_space<hbm>> -> memref<1x1x128xi32, #tpu.memory_space<hbm>>
      %dma_start3A_586 = tpu.memref_squeeze %dma_start3A_585 : memref<1x1x128xi32, #tpu.memory_space<hbm>> -> memref<128xi32, #tpu.memory_space<hbm>>
      %dma_start3A_587 = arith.constant 0 : i32
      %dma_start3A_588 = tpu.memref_slice %arg7[%dma_start3A_580, %dma_start3A_587] : memref<4x128xi32, #tpu.memory_space<vmem>> -> memref<1x128xi32, #tpu.memory_space<vmem>>
      %dma_start3A_589 = tpu.memref_squeeze %dma_start3A_588 : memref<1x128xi32, #tpu.memory_space<vmem>> -> memref<128xi32, #tpu.memory_space<vmem>>
      %dma_start3A_590 = arith.constant 0 : i32
      %dma_start3A_591 = tpu.memref_slice %arg3[%add3A, %min3A_579, %dma_start3A_590] : memref<32x80x128xi32, #tpu.memory_space<hbm>> -> memref<1x1x128xi32, #tpu.memory_space<hbm>>
      %dma_start3A_592 = tpu.memref_squeeze %dma_start3A_591 : memref<1x1x128xi32, #tpu.memory_space<hbm>> -> memref<128xi32, #tpu.memory_space<hbm>>
      tpu.enqueue_dma source(%dma_start3A_592 : memref<128xi32, #tpu.memory_space<hbm>>) target(%dma_start3A_589 : memref<128xi32, #tpu.memory_space<vmem>>) target_semaphore(%arg16 : memref<!tpu.dma_semaphore, #tpu.memory_space<semaphore_mem>>)
      %dma_start3A_593 = arith.constant 3 : i32
      %dma_start3A_594 = arith.constant 0 : i32
      %dma_start3A_595 = tpu.memref_slice %arg8[%dma_start3A_593, %dma_start3A_594] : memref<4x128xi32, #tpu.memory_space<vmem>> -> memref<1x128xi32, #tpu.memory_space<vmem>>
      %dma_start3A_596 = tpu.memref_squeeze %dma_start3A_595 : memref<1x128xi32, #tpu.memory_space<vmem>> -> memref<128xi32, #tpu.memory_space<vmem>>
      %dma_start3A_597 = arith.constant 0 : i32
      %dma_start3A_598 = tpu.memref_slice %arg4[%add3A, %min3A_579, %dma_start3A_597] : memref<32x80x128xi32, #tpu.memory_space<hbm>> -> memref<1x1x128xi32, #tpu.memory_space<hbm>>
      %dma_start3A_599 = tpu.memref_squeeze %dma_start3A_598 : memref<1x1x128xi32, #tpu.memory_space<hbm>> -> memref<128xi32, #tpu.memory_space<hbm>>
      %dma_start3A_600 = arith.constant 0 : i32
      %dma_start3A_601 = tpu.memref_slice %arg8[%dma_start3A_593, %dma_start3A_600] : memref<4x128xi32, #tpu.memory_space<vmem>> -> memref<1x128xi32, #tpu.memory_space<vmem>>
      %dma_start3A_602 = tpu.memref_squeeze %dma_start3A_601 : memref<1x128xi32, #tpu.memory_space<vmem>> -> memref<128xi32, #tpu.memory_space<vmem>>
      %dma_start3A_603 = arith.constant 0 : i32
      %dma_start3A_604 = tpu.memref_slice %arg4[%add3A, %min3A_579, %dma_start3A_603] : memref<32x80x128xi32, #tpu.memory_space<hbm>> -> memref<1x1x128xi32, #tpu.memory_space<hbm>>
      %dma_start3A_605 = tpu.memref_squeeze %dma_start3A_604 : memref<1x1x128xi32, #tpu.memory_space<hbm>> -> memref<128xi32, #tpu.memory_space<hbm>>
      tpu.enqueue_dma source(%dma_start3A_605 : memref<128xi32, #tpu.memory_space<hbm>>) target(%dma_start3A_602 : memref<128xi32, #tpu.memory_space<vmem>>) target_semaphore(%arg16 : memref<!tpu.dma_semaphore, #tpu.memory_space<semaphore_mem>>)
      %dma_wait3A_606 = arith.constant 0 : i32
      %dma_wait3A_607 = arith.constant 0 : i32
      %dma_wait3A_608 = arith.constant 1 : i32
      %dma_wait3A_609 = arith.constant 0 : i32
      %dma_wait3A_610 = tpu.memref_slice %arg7[%dma_wait3A_608, %dma_wait3A_609] : memref<4x128xi32, #tpu.memory_space<vmem>> -> memref<1x128xi32, #tpu.memory_space<vmem>>
      %dma_wait3A_611 = tpu.memref_squeeze %dma_wait3A_610 : memref<1x128xi32, #tpu.memory_space<vmem>> -> memref<128xi32, #tpu.memory_space<vmem>>
      %dma_wait3A_612 = arith.constant 0 : i32
      %dma_wait3A_613 = tpu.memref_slice %arg3[%dma_wait3A_606, %dma_wait3A_607, %dma_wait3A_612] : memref<32x80x128xi32, #tpu.memory_space<hbm>> -> memref<1x1x128xi32, #tpu.memory_space<hbm>>
      %dma_wait3A_614 = tpu.memref_squeeze %dma_wait3A_613 : memref<1x1x128xi32, #tpu.memory_space<hbm>> -> memref<128xi32, #tpu.memory_space<hbm>>
      %dma_wait3A_615 = arith.constant 0 : i32
      %dma_wait3A_616 = tpu.memref_slice %arg7[%dma_wait3A_608, %dma_wait3A_615] : memref<4x128xi32, #tpu.memory_space<vmem>> -> memref<1x128xi32, #tpu.memory_space<vmem>>
      %dma_wait3A_617 = tpu.memref_squeeze %dma_wait3A_616 : memref<1x128xi32, #tpu.memory_space<vmem>> -> memref<128xi32, #tpu.memory_space<vmem>>
      %dma_wait3A_618 = arith.constant 0 : i32
      %dma_wait3A_619 = tpu.memref_slice %arg3[%dma_wait3A_606, %dma_wait3A_607, %dma_wait3A_618] : memref<32x80x128xi32, #tpu.memory_space<hbm>> -> memref<1x1x128xi32, #tpu.memory_space<hbm>>
      %dma_wait3A_620 = tpu.memref_squeeze %dma_wait3A_619 : memref<1x1x128xi32, #tpu.memory_space<hbm>> -> memref<128xi32, #tpu.memory_space<hbm>>
      tpu.wait_dma2 semaphore(%arg14 : memref<!tpu.dma_semaphore, #tpu.memory_space<semaphore_mem>>) src(%dma_wait3A_620 : memref<128xi32, #tpu.memory_space<hbm>>) dst(%dma_wait3A_617 : memref<128xi32, #tpu.memory_space<vmem>>)
      %dma_wait3A_621 = arith.constant 0 : i32
      %dma_wait3A_622 = arith.constant 0 : i32
      %dma_wait3A_623 = arith.constant 1 : i32
      %dma_wait3A_624 = arith.constant 0 : i32
      %dma_wait3A_625 = tpu.memref_slice %arg8[%dma_wait3A_623, %dma_wait3A_624] : memref<4x128xi32, #tpu.memory_space<vmem>> -> memref<1x128xi32, #tpu.memory_space<vmem>>
      %dma_wait3A_626 = tpu.memref_squeeze %dma_wait3A_625 : memref<1x128xi32, #tpu.memory_space<vmem>> -> memref<128xi32, #tpu.memory_space<vmem>>
      %dma_wait3A_627 = arith.constant 0 : i32
      %dma_wait3A_628 = tpu.memref_slice %arg4[%dma_wait3A_621, %dma_wait3A_622, %dma_wait3A_627] : memref<32x80x128xi32, #tpu.memory_space<hbm>> -> memref<1x1x128xi32, #tpu.memory_space<hbm>>
      %dma_wait3A_629 = tpu.memref_squeeze %dma_wait3A_628 : memref<1x1x128xi32, #tpu.memory_space<hbm>> -> memref<128xi32, #tpu.memory_space<hbm>>
      %dma_wait3A_630 = arith.constant 0 : i32
      %dma_wait3A_631 = tpu.memref_slice %arg8[%dma_wait3A_623, %dma_wait3A_630] : memref<4x128xi32, #tpu.memory_space<vmem>> -> memref<1x128xi32, #tpu.memory_space<vmem>>
      %dma_wait3A_632 = tpu.memref_squeeze %dma_wait3A_631 : memref<1x128xi32, #tpu.memory_space<vmem>> -> memref<128xi32, #tpu.memory_space<vmem>>
      %dma_wait3A_633 = arith.constant 0 : i32
      %dma_wait3A_634 = tpu.memref_slice %arg4[%dma_wait3A_621, %dma_wait3A_622, %dma_wait3A_633] : memref<32x80x128xi32, #tpu.memory_space<hbm>> -> memref<1x1x128xi32, #tpu.memory_space<hbm>>
      %dma_wait3A_635 = tpu.memref_squeeze %dma_wait3A_634 : memref<1x1x128xi32, #tpu.memory_space<hbm>> -> memref<128xi32, #tpu.memory_space<hbm>>
      tpu.wait_dma2 semaphore(%arg14 : memref<!tpu.dma_semaphore, #tpu.memory_space<semaphore_mem>>) src(%dma_wait3A_635 : memref<128xi32, #tpu.memory_space<hbm>>) dst(%dma_wait3A_632 : memref<128xi32, #tpu.memory_space<vmem>>)
      %dma_start3A_636 = arith.constant 1 : i32
      %dma_start3A_637 = arith.constant 1 : i32
      %dma_start3A_638 = arith.constant 0 : i32
      %dma_start3A_639 = arith.constant 0 : i32
      %dma_start3A_640 = tpu.memref_slice %arg9[%dma_start3A_637, %dma_start3A_638, %dma_start3A_639] : memref<2x128x128xf32, #tpu.memory_space<vmem>> -> memref<1x128x128xf32, #tpu.memory_space<vmem>>
      %dma_start3A_641 = tpu.memref_squeeze %dma_start3A_640 : memref<1x128x128xf32, #tpu.memory_space<vmem>> -> memref<128x128xf32, #tpu.memory_space<vmem>>
      %dma_start3A_642 = arith.constant 0 : i32
      %dma_start3A_643 = tpu.memref_slice %arg7[%dma_start3A_636, %dma_start3A_642] : memref<4x128xi32, #tpu.memory_space<vmem>> -> memref<1x128xi32, #tpu.memory_space<vmem>>
      %dma_start3A_644 = tpu.memref_squeeze %dma_start3A_643 : memref<1x128xi32, #tpu.memory_space<vmem>> -> memref<128xi32, #tpu.memory_space<vmem>>
      %dma_start3A_645 = arith.constant 0 : i32
      %dma_start3A_646 = arith.constant 0 : i32
      %dma_start3A_647 = tpu.memref_slice %arg2[%dma_start3A_645, %dma_start3A_646] : memref<10016x128xf32, #tpu.memory_space<hbm>> -> memref<10016x128xf32, #tpu.memory_space<hbm>>
      tpu.enqueue_indirect_dma source(%dma_start3A_647 : memref<10016x128xf32, #tpu.memory_space<hbm>>) target(%dma_start3A_641 : memref<128x128xf32, #tpu.memory_space<vmem>>) offsets(%dma_start3A_644 : memref<128xi32, #tpu.memory_space<vmem>>) semaphore(%arg12 : memref<!tpu.dma_semaphore, #tpu.memory_space<semaphore_mem>>)
    }
    %scan3A_201 = arith.constant 20 : i32
    %dma_wait3A_202 = arith.constant 0 : i32
    %dma_wait3A_203 = arith.constant 0 : i32
    %dma_wait3A_204 = arith.constant 2 : i32
    %dma_wait3A_205 = arith.constant 0 : i32
    %dma_wait3A_206 = tpu.memref_slice %arg7[%dma_wait3A_204, %dma_wait3A_205] : memref<4x128xi32, #tpu.memory_space<vmem>> -> memref<1x128xi32, #tpu.memory_space<vmem>>
    %dma_wait3A_207 = tpu.memref_squeeze %dma_wait3A_206 : memref<1x128xi32, #tpu.memory_space<vmem>> -> memref<128xi32, #tpu.memory_space<vmem>>
    %dma_wait3A_208 = arith.constant 0 : i32
    %dma_wait3A_209 = tpu.memref_slice %arg3[%dma_wait3A_202, %dma_wait3A_203, %dma_wait3A_208] : memref<32x80x128xi32, #tpu.memory_space<hbm>> -> memref<1x1x128xi32, #tpu.memory_space<hbm>>
    %dma_wait3A_210 = tpu.memref_squeeze %dma_wait3A_209 : memref<1x1x128xi32, #tpu.memory_space<hbm>> -> memref<128xi32, #tpu.memory_space<hbm>>
    %dma_wait3A_211 = arith.constant 0 : i32
    %dma_wait3A_212 = tpu.memref_slice %arg7[%dma_wait3A_204, %dma_wait3A_211] : memref<4x128xi32, #tpu.memory_space<vmem>> -> memref<1x128xi32, #tpu.memory_space<vmem>>
    %dma_wait3A_213 = tpu.memref_squeeze %dma_wait3A_212 : memref<1x128xi32, #tpu.memory_space<vmem>> -> memref<128xi32, #tpu.memory_space<vmem>>
    %dma_wait3A_214 = arith.constant 0 : i32
    %dma_wait3A_215 = tpu.memref_slice %arg3[%dma_wait3A_202, %dma_wait3A_203, %dma_wait3A_214] : memref<32x80x128xi32, #tpu.memory_space<hbm>> -> memref<1x1x128xi32, #tpu.memory_space<hbm>>
    %dma_wait3A_216 = tpu.memref_squeeze %dma_wait3A_215 : memref<1x1x128xi32, #tpu.memory_space<hbm>> -> memref<128xi32, #tpu.memory_space<hbm>>
    tpu.wait_dma2 semaphore(%arg15 : memref<!tpu.dma_semaphore, #tpu.memory_space<semaphore_mem>>) src(%dma_wait3A_216 : memref<128xi32, #tpu.memory_space<hbm>>) dst(%dma_wait3A_213 : memref<128xi32, #tpu.memory_space<vmem>>)
    %dma_wait3A_217 = arith.constant 0 : i32
    %dma_wait3A_218 = arith.constant 0 : i32
    %dma_wait3A_219 = arith.constant 2 : i32
    %dma_wait3A_220 = arith.constant 0 : i32
    %dma_wait3A_221 = tpu.memref_slice %arg8[%dma_wait3A_219, %dma_wait3A_220] : memref<4x128xi32, #tpu.memory_space<vmem>> -> memref<1x128xi32, #tpu.memory_space<vmem>>
    %dma_wait3A_222 = tpu.memref_squeeze %dma_wait3A_221 : memref<1x128xi32, #tpu.memory_space<vmem>> -> memref<128xi32, #tpu.memory_space<vmem>>
    %dma_wait3A_223 = arith.constant 0 : i32
    %dma_wait3A_224 = tpu.memref_slice %arg4[%dma_wait3A_217, %dma_wait3A_218, %dma_wait3A_223] : memref<32x80x128xi32, #tpu.memory_space<hbm>> -> memref<1x1x128xi32, #tpu.memory_space<hbm>>
    %dma_wait3A_225 = tpu.memref_squeeze %dma_wait3A_224 : memref<1x1x128xi32, #tpu.memory_space<hbm>> -> memref<128xi32, #tpu.memory_space<hbm>>
    %dma_wait3A_226 = arith.constant 0 : i32
    %dma_wait3A_227 = tpu.memref_slice %arg8[%dma_wait3A_219, %dma_wait3A_226] : memref<4x128xi32, #tpu.memory_space<vmem>> -> memref<1x128xi32, #tpu.memory_space<vmem>>
    %dma_wait3A_228 = tpu.memref_squeeze %dma_wait3A_227 : memref<1x128xi32, #tpu.memory_space<vmem>> -> memref<128xi32, #tpu.memory_space<vmem>>
    %dma_wait3A_229 = arith.constant 0 : i32
    %dma_wait3A_230 = tpu.memref_slice %arg4[%dma_wait3A_217, %dma_wait3A_218, %dma_wait3A_229] : memref<32x80x128xi32, #tpu.memory_space<hbm>> -> memref<1x1x128xi32, #tpu.memory_space<hbm>>
    %dma_wait3A_231 = tpu.memref_squeeze %dma_wait3A_230 : memref<1x1x128xi32, #tpu.memory_space<hbm>> -> memref<128xi32, #tpu.memory_space<hbm>>
    tpu.wait_dma2 semaphore(%arg15 : memref<!tpu.dma_semaphore, #tpu.memory_space<semaphore_mem>>) src(%dma_wait3A_231 : memref<128xi32, #tpu.memory_space<hbm>>) dst(%dma_wait3A_228 : memref<128xi32, #tpu.memory_space<vmem>>)
    %dma_wait3A_232 = arith.constant 0 : i32
    %dma_wait3A_233 = arith.constant 0 : i32
    %dma_wait3A_234 = arith.constant 3 : i32
    %dma_wait3A_235 = arith.constant 0 : i32
    %dma_wait3A_236 = tpu.memref_slice %arg7[%dma_wait3A_234, %dma_wait3A_235] : memref<4x128xi32, #tpu.memory_space<vmem>> -> memref<1x128xi32, #tpu.memory_space<vmem>>
    %dma_wait3A_237 = tpu.memref_squeeze %dma_wait3A_236 : memref<1x128xi32, #tpu.memory_space<vmem>> -> memref<128xi32, #tpu.memory_space<vmem>>
    %dma_wait3A_238 = arith.constant 0 : i32
    %dma_wait3A_239 = tpu.memref_slice %arg3[%dma_wait3A_232, %dma_wait3A_233, %dma_wait3A_238] : memref<32x80x128xi32, #tpu.memory_space<hbm>> -> memref<1x1x128xi32, #tpu.memory_space<hbm>>
    %dma_wait3A_240 = tpu.memref_squeeze %dma_wait3A_239 : memref<1x1x128xi32, #tpu.memory_space<hbm>> -> memref<128xi32, #tpu.memory_space<hbm>>
    %dma_wait3A_241 = arith.constant 0 : i32
    %dma_wait3A_242 = tpu.memref_slice %arg7[%dma_wait3A_234, %dma_wait3A_241] : memref<4x128xi32, #tpu.memory_space<vmem>> -> memref<1x128xi32, #tpu.memory_space<vmem>>
    %dma_wait3A_243 = tpu.memref_squeeze %dma_wait3A_242 : memref<1x128xi32, #tpu.memory_space<vmem>> -> memref<128xi32, #tpu.memory_space<vmem>>
    %dma_wait3A_244 = arith.constant 0 : i32
    %dma_wait3A_245 = tpu.memref_slice %arg3[%dma_wait3A_232, %dma_wait3A_233, %dma_wait3A_244] : memref<32x80x128xi32, #tpu.memory_space<hbm>> -> memref<1x1x128xi32, #tpu.memory_space<hbm>>
    %dma_wait3A_246 = tpu.memref_squeeze %dma_wait3A_245 : memref<1x1x128xi32, #tpu.memory_space<hbm>> -> memref<128xi32, #tpu.memory_space<hbm>>
    tpu.wait_dma2 semaphore(%arg16 : memref<!tpu.dma_semaphore, #tpu.memory_space<semaphore_mem>>) src(%dma_wait3A_246 : memref<128xi32, #tpu.memory_space<hbm>>) dst(%dma_wait3A_243 : memref<128xi32, #tpu.memory_space<vmem>>)
    %dma_wait3A_247 = arith.constant 0 : i32
    %dma_wait3A_248 = arith.constant 0 : i32
    %dma_wait3A_249 = arith.constant 3 : i32
    %dma_wait3A_250 = arith.constant 0 : i32
    %dma_wait3A_251 = tpu.memref_slice %arg8[%dma_wait3A_249, %dma_wait3A_250] : memref<4x128xi32, #tpu.memory_space<vmem>> -> memref<1x128xi32, #tpu.memory_space<vmem>>
    %dma_wait3A_252 = tpu.memref_squeeze %dma_wait3A_251 : memref<1x128xi32, #tpu.memory_space<vmem>> -> memref<128xi32, #tpu.memory_space<vmem>>
    %dma_wait3A_253 = arith.constant 0 : i32
    %dma_wait3A_254 = tpu.memref_slice %arg4[%dma_wait3A_247, %dma_wait3A_248, %dma_wait3A_253] : memref<32x80x128xi32, #tpu.memory_space<hbm>> -> memref<1x1x128xi32, #tpu.memory_space<hbm>>
    %dma_wait3A_255 = tpu.memref_squeeze %dma_wait3A_254 : memref<1x1x128xi32, #tpu.memory_space<hbm>> -> memref<128xi32, #tpu.memory_space<hbm>>
    %dma_wait3A_256 = arith.constant 0 : i32
    %dma_wait3A_257 = tpu.memref_slice %arg8[%dma_wait3A_249, %dma_wait3A_256] : memref<4x128xi32, #tpu.memory_space<vmem>> -> memref<1x128xi32, #tpu.memory_space<vmem>>
    %dma_wait3A_258 = tpu.memref_squeeze %dma_wait3A_257 : memref<1x128xi32, #tpu.memory_space<vmem>> -> memref<128xi32, #tpu.memory_space<vmem>>
    %dma_wait3A_259 = arith.constant 0 : i32
    %dma_wait3A_260 = tpu.memref_slice %arg4[%dma_wait3A_247, %dma_wait3A_248, %dma_wait3A_259] : memref<32x80x128xi32, #tpu.memory_space<hbm>> -> memref<1x1x128xi32, #tpu.memory_space<hbm>>
    %dma_wait3A_261 = tpu.memref_squeeze %dma_wait3A_260 : memref<1x1x128xi32, #tpu.memory_space<hbm>> -> memref<128xi32, #tpu.memory_space<hbm>>
    tpu.wait_dma2 semaphore(%arg16 : memref<!tpu.dma_semaphore, #tpu.memory_space<semaphore_mem>>) src(%dma_wait3A_261 : memref<128xi32, #tpu.memory_space<hbm>>) dst(%dma_wait3A_258 : memref<128xi32, #tpu.memory_space<vmem>>)
    %dma_wait3A_262 = arith.constant 0 : i32
    %dma_wait3A_263 = arith.constant 0 : i32
    %dma_wait3A_264 = arith.constant 0 : i32
    %dma_wait3A_265 = arith.constant 0 : i32
    %dma_wait3A_266 = tpu.memref_slice %arg9[%dma_wait3A_263, %dma_wait3A_264, %dma_wait3A_265] : memref<2x128x128xf32, #tpu.memory_space<vmem>> -> memref<1x128x128xf32, #tpu.memory_space<vmem>>
    %dma_wait3A_267 = tpu.memref_squeeze %dma_wait3A_266 : memref<1x128x128xf32, #tpu.memory_space<vmem>> -> memref<128x128xf32, #tpu.memory_space<vmem>>
    %dma_wait3A_268 = arith.constant 0 : i32
    %dma_wait3A_269 = tpu.memref_slice %arg7[%dma_wait3A_262, %dma_wait3A_268] : memref<4x128xi32, #tpu.memory_space<vmem>> -> memref<1x128xi32, #tpu.memory_space<vmem>>
    %dma_wait3A_270 = tpu.memref_squeeze %dma_wait3A_269 : memref<1x128xi32, #tpu.memory_space<vmem>> -> memref<128xi32, #tpu.memory_space<vmem>>
    %dma_wait3A_271 = arith.constant 0 : i32
    %dma_wait3A_272 = arith.constant 0 : i32
    %dma_wait3A_273 = tpu.memref_slice %arg2[%dma_wait3A_271, %dma_wait3A_272] : memref<10016x128xf32, #tpu.memory_space<hbm>> -> memref<10016x128xf32, #tpu.memory_space<hbm>>
    tpu.wait_indirect_dma semaphore(%arg11 : memref<!tpu.dma_semaphore, #tpu.memory_space<semaphore_mem>>) src(%dma_wait3A_273 : memref<10016x128xf32, #tpu.memory_space<hbm>>) dst(%dma_wait3A_267 : memref<128x128xf32, #tpu.memory_space<vmem>>)
    %dma_wait3A_274 = arith.constant 0 : i32
    %dma_wait3A_275 = arith.constant 1 : i32
    %dma_wait3A_276 = arith.constant 0 : i32
    %dma_wait3A_277 = arith.constant 0 : i32
    %dma_wait3A_278 = tpu.memref_slice %arg9[%dma_wait3A_275, %dma_wait3A_276, %dma_wait3A_277] : memref<2x128x128xf32, #tpu.memory_space<vmem>> -> memref<1x128x128xf32, #tpu.memory_space<vmem>>
    %dma_wait3A_279 = tpu.memref_squeeze %dma_wait3A_278 : memref<1x128x128xf32, #tpu.memory_space<vmem>> -> memref<128x128xf32, #tpu.memory_space<vmem>>
    %dma_wait3A_280 = arith.constant 0 : i32
    %dma_wait3A_281 = tpu.memref_slice %arg7[%dma_wait3A_274, %dma_wait3A_280] : memref<4x128xi32, #tpu.memory_space<vmem>> -> memref<1x128xi32, #tpu.memory_space<vmem>>
    %dma_wait3A_282 = tpu.memref_squeeze %dma_wait3A_281 : memref<1x128xi32, #tpu.memory_space<vmem>> -> memref<128xi32, #tpu.memory_space<vmem>>
    %dma_wait3A_283 = arith.constant 0 : i32
    %dma_wait3A_284 = arith.constant 0 : i32
    %dma_wait3A_285 = tpu.memref_slice %arg2[%dma_wait3A_283, %dma_wait3A_284] : memref<10016x128xf32, #tpu.memory_space<hbm>> -> memref<10016x128xf32, #tpu.memory_space<hbm>>
    tpu.wait_indirect_dma semaphore(%arg12 : memref<!tpu.dma_semaphore, #tpu.memory_space<semaphore_mem>>) src(%dma_wait3A_285 : memref<10016x128xf32, #tpu.memory_space<hbm>>) dst(%dma_wait3A_279 : memref<128x128xf32, #tpu.memory_space<vmem>>)
    %barrier3A_286 = arith.constant 0 : index
    tpu.barrier barrier_id(%barrier3A_286)
    %mul3A_287 = arith.constant 626 : i32
    %mul3A_288 = arith.muli %arg1, %mul3A_287 : i32
    "tpu.region"() ({
      %run_scoped3A = tpu.sem_alloc : memref<!tpu.dma_semaphore, #tpu.memory_space<semaphore_mem>>
      %dma_start3A_289 = arith.constant 0 : i32
      %dma_start3A_290 = arith.constant 0 : i32
      %dma_start3A_291 = tpu.memref_slice %arg6[%arg0, %arg1, %dma_start3A_289, %dma_start3A_290] : memref<2x16x626x128xf32, #tpu.memory_space<hbm>> -> memref<1x1x626x128xf32, #tpu.memory_space<hbm>>
      %dma_start3A_292 = tpu.memref_squeeze %dma_start3A_291 : memref<1x1x626x128xf32, #tpu.memory_space<hbm>> -> memref<626x128xf32, #tpu.memory_space<hbm>>
      %dma_start3A_293 = arith.constant 0 : i32
      %dma_start3A_294 = tpu.memref_slice %arg10[%mul3A_288, %dma_start3A_293] : memref<10016x128xf32, #tpu.memory_space<vmem_shared>> -> memref<626x128xf32, #tpu.memory_space<vmem_shared>>
      tpu.enqueue_dma source(%dma_start3A_294 : memref<626x128xf32, #tpu.memory_space<vmem_shared>>) target(%dma_start3A_292 : memref<626x128xf32, #tpu.memory_space<hbm>>) target_semaphore(%run_scoped3A : memref<!tpu.dma_semaphore, #tpu.memory_space<semaphore_mem>>)
      %dma_wait3A_295 = arith.constant 0 : i32
      %dma_wait3A_296 = arith.constant 0 : i32
      %dma_wait3A_297 = tpu.memref_slice %arg6[%arg0, %arg1, %dma_wait3A_295, %dma_wait3A_296] : memref<2x16x626x128xf32, #tpu.memory_space<hbm>> -> memref<1x1x626x128xf32, #tpu.memory_space<hbm>>
      %dma_wait3A_298 = tpu.memref_squeeze %dma_wait3A_297 : memref<1x1x626x128xf32, #tpu.memory_space<hbm>> -> memref<626x128xf32, #tpu.memory_space<hbm>>
      %dma_wait3A_299 = arith.constant 0 : i32
      %dma_wait3A_300 = tpu.memref_slice %arg10[%mul3A_288, %dma_wait3A_299] : memref<10016x128xf32, #tpu.memory_space<vmem_shared>> -> memref<626x128xf32, #tpu.memory_space<vmem_shared>>
      tpu.wait_dma2 semaphore(%run_scoped3A : memref<!tpu.dma_semaphore, #tpu.memory_space<semaphore_mem>>) src(%dma_wait3A_300 : memref<626x128xf32, #tpu.memory_space<vmem_shared>>) dst(%dma_wait3A_298 : memref<626x128xf32, #tpu.memory_space<hbm>>)
      tpu.yield
    }) : () -> ()
    return
  }
}

#map = affine_map<(d0, d1) -> (0, 0)>
#map1 = affine_map<(d0, d1) -> (0, 0, 0)>
#map2 = affine_map<(d0, d1) -> (0, 0, 0, 0)>
module attributes {stable_mosaic.version = 14 : i64} {
  func.func @_scat_body(%arg0: i32, %arg1: i32, %arg2: memref<10016x128xf32, #tpu.memory_space<hbm>>, %arg3: memref<32x80x128xi32, #tpu.memory_space<hbm>>, %arg4: memref<32x80x128xi32, #tpu.memory_space<hbm>>, %arg5: memref<626x128xf32, #tpu.memory_space<hbm>>, %arg6: memref<2x16x626x128xf32, #tpu.memory_space<hbm>>, %arg7: memref<4x128xi32, #tpu.memory_space<vmem>>, %arg8: memref<4x128xi32, #tpu.memory_space<vmem>>, %arg9: memref<2x128x128xf32, #tpu.memory_space<vmem>>, %arg10: memref<10016x128xf32, #tpu.memory_space<vmem_shared>>, %arg11: memref<!tpu.dma_semaphore, #tpu.memory_space<semaphore_mem>>, %arg12: memref<!tpu.dma_semaphore, #tpu.memory_space<semaphore_mem>>, %arg13: memref<!tpu.dma_semaphore, #tpu.memory_space<semaphore_mem>>, %arg14: memref<!tpu.dma_semaphore, #tpu.memory_space<semaphore_mem>>, %arg15: memref<!tpu.dma_semaphore, #tpu.memory_space<semaphore_mem>>, %arg16: memref<!tpu.dma_semaphore, #tpu.memory_space<semaphore_mem>>) attributes {dimension_semantics = [#tpu.dimension_semantics<core_parallel>, #tpu.dimension_semantics<subcore_parallel>], iteration_bounds = array<i64: 2, 16>, scalar_prefetch = 0 : i64, scratch_operands = 10 : i64, tpu.core_type = #tpu.core_type<sc_vector_subcore>, window_params = [{transform_indices = #map}, {transform_indices = #map1}, {transform_indices = #map1}, {transform_indices = #map}, {transform_indices = #map2}]} {
    %mul3A = arith.constant 2 : i32
    %mul3A_0 = arith.muli %arg1, %mul3A : i32
    %add3A = arith.addi %mul3A_0, %arg0 : i32
    %mul3A_1 = arith.constant 626 : i32
    %mul3A_2 = arith.muli %arg1, %mul3A_1 : i32
    "tpu.region"() ({
      %run_scoped3A = tpu.sem_alloc : memref<!tpu.dma_semaphore, #tpu.memory_space<semaphore_mem>>
      %dma_start3A_289 = arith.constant 0 : i32
      %dma_start3A_290 = tpu.memref_slice %arg10[%mul3A_2, %dma_start3A_289] : memref<10016x128xf32, #tpu.memory_space<vmem_shared>> -> memref<626x128xf32, #tpu.memory_space<vmem_shared>>
      tpu.enqueue_dma source(%arg5 : memref<626x128xf32, #tpu.memory_space<hbm>>) target(%dma_start3A_290 : memref<626x128xf32, #tpu.memory_space<vmem_shared>>) target_semaphore(%run_scoped3A : memref<!tpu.dma_semaphore, #tpu.memory_space<semaphore_mem>>)
      %dma_wait3A_291 = arith.constant 0 : i32
      %dma_wait3A_292 = tpu.memref_slice %arg10[%mul3A_2, %dma_wait3A_291] : memref<10016x128xf32, #tpu.memory_space<vmem_shared>> -> memref<626x128xf32, #tpu.memory_space<vmem_shared>>
      tpu.wait_dma2 semaphore(%run_scoped3A : memref<!tpu.dma_semaphore, #tpu.memory_space<semaphore_mem>>) src(%arg5 : memref<626x128xf32, #tpu.memory_space<hbm>>) dst(%dma_wait3A_292 : memref<626x128xf32, #tpu.memory_space<vmem_shared>>)
      tpu.yield
    }) : () -> ()
    %barrier3A = arith.constant 0 : index
    tpu.barrier barrier_id(%barrier3A)
    %dma_start3A = arith.constant 0 : i32
    %dma_start3A_3 = arith.constant 0 : i32
    %dma_start3A_4 = arith.constant 0 : i32
    %dma_start3A_5 = tpu.memref_slice %arg7[%dma_start3A_3, %dma_start3A_4] : memref<4x128xi32, #tpu.memory_space<vmem>> -> memref<1x128xi32, #tpu.memory_space<vmem>>
    %dma_start3A_6 = tpu.memref_squeeze %dma_start3A_5 : memref<1x128xi32, #tpu.memory_space<vmem>> -> memref<128xi32, #tpu.memory_space<vmem>>
    %dma_start3A_7 = arith.constant 0 : i32
    %dma_start3A_8 = tpu.memref_slice %arg3[%add3A, %dma_start3A, %dma_start3A_7] : memref<32x80x128xi32, #tpu.memory_space<hbm>> -> memref<1x1x128xi32, #tpu.memory_space<hbm>>
    %dma_start3A_9 = tpu.memref_squeeze %dma_start3A_8 : memref<1x1x128xi32, #tpu.memory_space<hbm>> -> memref<128xi32, #tpu.memory_space<hbm>>
    %dma_start3A_10 = arith.constant 0 : i32
    %dma_start3A_11 = tpu.memref_slice %arg7[%dma_start3A_3, %dma_start3A_10] : memref<4x128xi32, #tpu.memory_space<vmem>> -> memref<1x128xi32, #tpu.memory_space<vmem>>
    %dma_start3A_12 = tpu.memref_squeeze %dma_start3A_11 : memref<1x128xi32, #tpu.memory_space<vmem>> -> memref<128xi32, #tpu.memory_space<vmem>>
    %dma_start3A_13 = arith.constant 0 : i32
    %dma_start3A_14 = tpu.memref_slice %arg3[%add3A, %dma_start3A, %dma_start3A_13] : memref<32x80x128xi32, #tpu.memory_space<hbm>> -> memref<1x1x128xi32, #tpu.memory_space<hbm>>
    %dma_start3A_15 = tpu.memref_squeeze %dma_start3A_14 : memref<1x1x128xi32, #tpu.memory_space<hbm>> -> memref<128xi32, #tpu.memory_space<hbm>>
    tpu.enqueue_dma source(%dma_start3A_15 : memref<128xi32, #tpu.memory_space<hbm>>) target(%dma_start3A_12 : memref<128xi32, #tpu.memory_space<vmem>>) target_semaphore(%arg13 : memref<!tpu.dma_semaphore, #tpu.memory_space<semaphore_mem>>)
    %dma_start3A_16 = arith.constant 0 : i32
    %dma_start3A_17 = arith.constant 0 : i32
    %dma_start3A_18 = arith.constant 0 : i32
    %dma_start3A_19 = tpu.memref_slice %arg8[%dma_start3A_17, %dma_start3A_18] : memref<4x128xi32, #tpu.memory_space<vmem>> -> memref<1x128xi32, #tpu.memory_space<vmem>>
    %dma_start3A_20 = tpu.memref_squeeze %dma_start3A_19 : memref<1x128xi32, #tpu.memory_space<vmem>> -> memref<128xi32, #tpu.memory_space<vmem>>
    %dma_start3A_21 = arith.constant 0 : i32
    %dma_start3A_22 = tpu.memref_slice %arg4[%add3A, %dma_start3A_16, %dma_start3A_21] : memref<32x80x128xi32, #tpu.memory_space<hbm>> -> memref<1x1x128xi32, #tpu.memory_space<hbm>>
    %dma_start3A_23 = tpu.memref_squeeze %dma_start3A_22 : memref<1x1x128xi32, #tpu.memory_space<hbm>> -> memref<128xi32, #tpu.memory_space<hbm>>
    %dma_start3A_24 = arith.constant 0 : i32
    %dma_start3A_25 = tpu.memref_slice %arg8[%dma_start3A_17, %dma_start3A_24] : memref<4x128xi32, #tpu.memory_space<vmem>> -> memref<1x128xi32, #tpu.memory_space<vmem>>
    %dma_start3A_26 = tpu.memref_squeeze %dma_start3A_25 : memref<1x128xi32, #tpu.memory_space<vmem>> -> memref<128xi32, #tpu.memory_space<vmem>>
    %dma_start3A_27 = arith.constant 0 : i32
    %dma_start3A_28 = tpu.memref_slice %arg4[%add3A, %dma_start3A_16, %dma_start3A_27] : memref<32x80x128xi32, #tpu.memory_space<hbm>> -> memref<1x1x128xi32, #tpu.memory_space<hbm>>
    %dma_start3A_29 = tpu.memref_squeeze %dma_start3A_28 : memref<1x1x128xi32, #tpu.memory_space<hbm>> -> memref<128xi32, #tpu.memory_space<hbm>>
    tpu.enqueue_dma source(%dma_start3A_29 : memref<128xi32, #tpu.memory_space<hbm>>) target(%dma_start3A_26 : memref<128xi32, #tpu.memory_space<vmem>>) target_semaphore(%arg13 : memref<!tpu.dma_semaphore, #tpu.memory_space<semaphore_mem>>)
    %dma_start3A_30 = arith.constant 1 : i32
    %dma_start3A_31 = arith.constant 1 : i32
    %dma_start3A_32 = arith.constant 0 : i32
    %dma_start3A_33 = tpu.memref_slice %arg7[%dma_start3A_31, %dma_start3A_32] : memref<4x128xi32, #tpu.memory_space<vmem>> -> memref<1x128xi32, #tpu.memory_space<vmem>>
    %dma_start3A_34 = tpu.memref_squeeze %dma_start3A_33 : memref<1x128xi32, #tpu.memory_space<vmem>> -> memref<128xi32, #tpu.memory_space<vmem>>
    %dma_start3A_35 = arith.constant 0 : i32
    %dma_start3A_36 = tpu.memref_slice %arg3[%add3A, %dma_start3A_30, %dma_start3A_35] : memref<32x80x128xi32, #tpu.memory_space<hbm>> -> memref<1x1x128xi32, #tpu.memory_space<hbm>>
    %dma_start3A_37 = tpu.memref_squeeze %dma_start3A_36 : memref<1x1x128xi32, #tpu.memory_space<hbm>> -> memref<128xi32, #tpu.memory_space<hbm>>
    %dma_start3A_38 = arith.constant 0 : i32
    %dma_start3A_39 = tpu.memref_slice %arg7[%dma_start3A_31, %dma_start3A_38] : memref<4x128xi32, #tpu.memory_space<vmem>> -> memref<1x128xi32, #tpu.memory_space<vmem>>
    %dma_start3A_40 = tpu.memref_squeeze %dma_start3A_39 : memref<1x128xi32, #tpu.memory_space<vmem>> -> memref<128xi32, #tpu.memory_space<vmem>>
    %dma_start3A_41 = arith.constant 0 : i32
    %dma_start3A_42 = tpu.memref_slice %arg3[%add3A, %dma_start3A_30, %dma_start3A_41] : memref<32x80x128xi32, #tpu.memory_space<hbm>> -> memref<1x1x128xi32, #tpu.memory_space<hbm>>
    %dma_start3A_43 = tpu.memref_squeeze %dma_start3A_42 : memref<1x1x128xi32, #tpu.memory_space<hbm>> -> memref<128xi32, #tpu.memory_space<hbm>>
    tpu.enqueue_dma source(%dma_start3A_43 : memref<128xi32, #tpu.memory_space<hbm>>) target(%dma_start3A_40 : memref<128xi32, #tpu.memory_space<vmem>>) target_semaphore(%arg14 : memref<!tpu.dma_semaphore, #tpu.memory_space<semaphore_mem>>)
    %dma_start3A_44 = arith.constant 1 : i32
    %dma_start3A_45 = arith.constant 1 : i32
    %dma_start3A_46 = arith.constant 0 : i32
    %dma_start3A_47 = tpu.memref_slice %arg8[%dma_start3A_45, %dma_start3A_46] : memref<4x128xi32, #tpu.memory_space<vmem>> -> memref<1x128xi32, #tpu.memory_space<vmem>>
    %dma_start3A_48 = tpu.memref_squeeze %dma_start3A_47 : memref<1x128xi32, #tpu.memory_space<vmem>> -> memref<128xi32, #tpu.memory_space<vmem>>
    %dma_start3A_49 = arith.constant 0 : i32
    %dma_start3A_50 = tpu.memref_slice %arg4[%add3A, %dma_start3A_44, %dma_start3A_49] : memref<32x80x128xi32, #tpu.memory_space<hbm>> -> memref<1x1x128xi32, #tpu.memory_space<hbm>>
    %dma_start3A_51 = tpu.memref_squeeze %dma_start3A_50 : memref<1x1x128xi32, #tpu.memory_space<hbm>> -> memref<128xi32, #tpu.memory_space<hbm>>
    %dma_start3A_52 = arith.constant 0 : i32
    %dma_start3A_53 = tpu.memref_slice %arg8[%dma_start3A_45, %dma_start3A_52] : memref<4x128xi32, #tpu.memory_space<vmem>> -> memref<1x128xi32, #tpu.memory_space<vmem>>
    %dma_start3A_54 = tpu.memref_squeeze %dma_start3A_53 : memref<1x128xi32, #tpu.memory_space<vmem>> -> memref<128xi32, #tpu.memory_space<vmem>>
    %dma_start3A_55 = arith.constant 0 : i32
    %dma_start3A_56 = tpu.memref_slice %arg4[%add3A, %dma_start3A_44, %dma_start3A_55] : memref<32x80x128xi32, #tpu.memory_space<hbm>> -> memref<1x1x128xi32, #tpu.memory_space<hbm>>
    %dma_start3A_57 = tpu.memref_squeeze %dma_start3A_56 : memref<1x1x128xi32, #tpu.memory_space<hbm>> -> memref<128xi32, #tpu.memory_space<hbm>>
    tpu.enqueue_dma source(%dma_start3A_57 : memref<128xi32, #tpu.memory_space<hbm>>) target(%dma_start3A_54 : memref<128xi32, #tpu.memory_space<vmem>>) target_semaphore(%arg14 : memref<!tpu.dma_semaphore, #tpu.memory_space<semaphore_mem>>)
    %dma_start3A_58 = arith.constant 2 : i32
    %dma_start3A_59 = arith.constant 2 : i32
    %dma_start3A_60 = arith.constant 0 : i32
    %dma_start3A_61 = tpu.memref_slice %arg7[%dma_start3A_59, %dma_start3A_60] : memref<4x128xi32, #tpu.memory_space<vmem>> -> memref<1x128xi32, #tpu.memory_space<vmem>>
    %dma_start3A_62 = tpu.memref_squeeze %dma_start3A_61 : memref<1x128xi32, #tpu.memory_space<vmem>> -> memref<128xi32, #tpu.memory_space<vmem>>
    %dma_start3A_63 = arith.constant 0 : i32
    %dma_start3A_64 = tpu.memref_slice %arg3[%add3A, %dma_start3A_58, %dma_start3A_63] : memref<32x80x128xi32, #tpu.memory_space<hbm>> -> memref<1x1x128xi32, #tpu.memory_space<hbm>>
    %dma_start3A_65 = tpu.memref_squeeze %dma_start3A_64 : memref<1x1x128xi32, #tpu.memory_space<hbm>> -> memref<128xi32, #tpu.memory_space<hbm>>
    %dma_start3A_66 = arith.constant 0 : i32
    %dma_start3A_67 = tpu.memref_slice %arg7[%dma_start3A_59, %dma_start3A_66] : memref<4x128xi32, #tpu.memory_space<vmem>> -> memref<1x128xi32, #tpu.memory_space<vmem>>
    %dma_start3A_68 = tpu.memref_squeeze %dma_start3A_67 : memref<1x128xi32, #tpu.memory_space<vmem>> -> memref<128xi32, #tpu.memory_space<vmem>>
    %dma_start3A_69 = arith.constant 0 : i32
    %dma_start3A_70 = tpu.memref_slice %arg3[%add3A, %dma_start3A_58, %dma_start3A_69] : memref<32x80x128xi32, #tpu.memory_space<hbm>> -> memref<1x1x128xi32, #tpu.memory_space<hbm>>
    %dma_start3A_71 = tpu.memref_squeeze %dma_start3A_70 : memref<1x1x128xi32, #tpu.memory_space<hbm>> -> memref<128xi32, #tpu.memory_space<hbm>>
    tpu.enqueue_dma source(%dma_start3A_71 : memref<128xi32, #tpu.memory_space<hbm>>) target(%dma_start3A_68 : memref<128xi32, #tpu.memory_space<vmem>>) target_semaphore(%arg15 : memref<!tpu.dma_semaphore, #tpu.memory_space<semaphore_mem>>)
    %dma_start3A_72 = arith.constant 2 : i32
    %dma_start3A_73 = arith.constant 2 : i32
    %dma_start3A_74 = arith.constant 0 : i32
    %dma_start3A_75 = tpu.memref_slice %arg8[%dma_start3A_73, %dma_start3A_74] : memref<4x128xi32, #tpu.memory_space<vmem>> -> memref<1x128xi32, #tpu.memory_space<vmem>>
    %dma_start3A_76 = tpu.memref_squeeze %dma_start3A_75 : memref<1x128xi32, #tpu.memory_space<vmem>> -> memref<128xi32, #tpu.memory_space<vmem>>
    %dma_start3A_77 = arith.constant 0 : i32
    %dma_start3A_78 = tpu.memref_slice %arg4[%add3A, %dma_start3A_72, %dma_start3A_77] : memref<32x80x128xi32, #tpu.memory_space<hbm>> -> memref<1x1x128xi32, #tpu.memory_space<hbm>>
    %dma_start3A_79 = tpu.memref_squeeze %dma_start3A_78 : memref<1x1x128xi32, #tpu.memory_space<hbm>> -> memref<128xi32, #tpu.memory_space<hbm>>
    %dma_start3A_80 = arith.constant 0 : i32
    %dma_start3A_81 = tpu.memref_slice %arg8[%dma_start3A_73, %dma_start3A_80] : memref<4x128xi32, #tpu.memory_space<vmem>> -> memref<1x128xi32, #tpu.memory_space<vmem>>
    %dma_start3A_82 = tpu.memref_squeeze %dma_start3A_81 : memref<1x128xi32, #tpu.memory_space<vmem>> -> memref<128xi32, #tpu.memory_space<vmem>>
    %dma_start3A_83 = arith.constant 0 : i32
    %dma_start3A_84 = tpu.memref_slice %arg4[%add3A, %dma_start3A_72, %dma_start3A_83] : memref<32x80x128xi32, #tpu.memory_space<hbm>> -> memref<1x1x128xi32, #tpu.memory_space<hbm>>
    %dma_start3A_85 = tpu.memref_squeeze %dma_start3A_84 : memref<1x1x128xi32, #tpu.memory_space<hbm>> -> memref<128xi32, #tpu.memory_space<hbm>>
    tpu.enqueue_dma source(%dma_start3A_85 : memref<128xi32, #tpu.memory_space<hbm>>) target(%dma_start3A_82 : memref<128xi32, #tpu.memory_space<vmem>>) target_semaphore(%arg15 : memref<!tpu.dma_semaphore, #tpu.memory_space<semaphore_mem>>)
    %dma_start3A_86 = arith.constant 3 : i32
    %dma_start3A_87 = arith.constant 3 : i32
    %dma_start3A_88 = arith.constant 0 : i32
    %dma_start3A_89 = tpu.memref_slice %arg7[%dma_start3A_87, %dma_start3A_88] : memref<4x128xi32, #tpu.memory_space<vmem>> -> memref<1x128xi32, #tpu.memory_space<vmem>>
    %dma_start3A_90 = tpu.memref_squeeze %dma_start3A_89 : memref<1x128xi32, #tpu.memory_space<vmem>> -> memref<128xi32, #tpu.memory_space<vmem>>
    %dma_start3A_91 = arith.constant 0 : i32
    %dma_start3A_92 = tpu.memref_slice %arg3[%add3A, %dma_start3A_86, %dma_start3A_91] : memref<32x80x128xi32, #tpu.memory_space<hbm>> -> memref<1x1x128xi32, #tpu.memory_space<hbm>>
    %dma_start3A_93 = tpu.memref_squeeze %dma_start3A_92 : memref<1x1x128xi32, #tpu.memory_space<hbm>> -> memref<128xi32, #tpu.memory_space<hbm>>
    %dma_start3A_94 = arith.constant 0 : i32
    %dma_start3A_95 = tpu.memref_slice %arg7[%dma_start3A_87, %dma_start3A_94] : memref<4x128xi32, #tpu.memory_space<vmem>> -> memref<1x128xi32, #tpu.memory_space<vmem>>
    %dma_start3A_96 = tpu.memref_squeeze %dma_start3A_95 : memref<1x128xi32, #tpu.memory_space<vmem>> -> memref<128xi32, #tpu.memory_space<vmem>>
    %dma_start3A_97 = arith.constant 0 : i32
    %dma_start3A_98 = tpu.memref_slice %arg3[%add3A, %dma_start3A_86, %dma_start3A_97] : memref<32x80x128xi32, #tpu.memory_space<hbm>> -> memref<1x1x128xi32, #tpu.memory_space<hbm>>
    %dma_start3A_99 = tpu.memref_squeeze %dma_start3A_98 : memref<1x1x128xi32, #tpu.memory_space<hbm>> -> memref<128xi32, #tpu.memory_space<hbm>>
    tpu.enqueue_dma source(%dma_start3A_99 : memref<128xi32, #tpu.memory_space<hbm>>) target(%dma_start3A_96 : memref<128xi32, #tpu.memory_space<vmem>>) target_semaphore(%arg16 : memref<!tpu.dma_semaphore, #tpu.memory_space<semaphore_mem>>)
    %dma_start3A_100 = arith.constant 3 : i32
    %dma_start3A_101 = arith.constant 3 : i32
    %dma_start3A_102 = arith.constant 0 : i32
    %dma_start3A_103 = tpu.memref_slice %arg8[%dma_start3A_101, %dma_start3A_102] : memref<4x128xi32, #tpu.memory_space<vmem>> -> memref<1x128xi32, #tpu.memory_space<vmem>>
    %dma_start3A_104 = tpu.memref_squeeze %dma_start3A_103 : memref<1x128xi32, #tpu.memory_space<vmem>> -> memref<128xi32, #tpu.memory_space<vmem>>
    %dma_start3A_105 = arith.constant 0 : i32
    %dma_start3A_106 = tpu.memref_slice %arg4[%add3A, %dma_start3A_100, %dma_start3A_105] : memref<32x80x128xi32, #tpu.memory_space<hbm>> -> memref<1x1x128xi32, #tpu.memory_space<hbm>>
    %dma_start3A_107 = tpu.memref_squeeze %dma_start3A_106 : memref<1x1x128xi32, #tpu.memory_space<hbm>> -> memref<128xi32, #tpu.memory_space<hbm>>
    %dma_start3A_108 = arith.constant 0 : i32
    %dma_start3A_109 = tpu.memref_slice %arg8[%dma_start3A_101, %dma_start3A_108] : memref<4x128xi32, #tpu.memory_space<vmem>> -> memref<1x128xi32, #tpu.memory_space<vmem>>
    %dma_start3A_110 = tpu.memref_squeeze %dma_start3A_109 : memref<1x128xi32, #tpu.memory_space<vmem>> -> memref<128xi32, #tpu.memory_space<vmem>>
    %dma_start3A_111 = arith.constant 0 : i32
    %dma_start3A_112 = tpu.memref_slice %arg4[%add3A, %dma_start3A_100, %dma_start3A_111] : memref<32x80x128xi32, #tpu.memory_space<hbm>> -> memref<1x1x128xi32, #tpu.memory_space<hbm>>
    %dma_start3A_113 = tpu.memref_squeeze %dma_start3A_112 : memref<1x1x128xi32, #tpu.memory_space<hbm>> -> memref<128xi32, #tpu.memory_space<hbm>>
    tpu.enqueue_dma source(%dma_start3A_113 : memref<128xi32, #tpu.memory_space<hbm>>) target(%dma_start3A_110 : memref<128xi32, #tpu.memory_space<vmem>>) target_semaphore(%arg16 : memref<!tpu.dma_semaphore, #tpu.memory_space<semaphore_mem>>)
    %dma_wait3A = arith.constant 0 : i32
    %dma_wait3A_114 = arith.constant 0 : i32
    %dma_wait3A_115 = arith.constant 0 : i32
    %dma_wait3A_116 = arith.constant 0 : i32
    %dma_wait3A_117 = tpu.memref_slice %arg7[%dma_wait3A_115, %dma_wait3A_116] : memref<4x128xi32, #tpu.memory_space<vmem>> -> memref<1x128xi32, #tpu.memory_space<vmem>>
    %dma_wait3A_118 = tpu.memref_squeeze %dma_wait3A_117 : memref<1x128xi32, #tpu.memory_space<vmem>> -> memref<128xi32, #tpu.memory_space<vmem>>
    %dma_wait3A_119 = arith.constant 0 : i32
    %dma_wait3A_120 = tpu.memref_slice %arg3[%dma_wait3A, %dma_wait3A_114, %dma_wait3A_119] : memref<32x80x128xi32, #tpu.memory_space<hbm>> -> memref<1x1x128xi32, #tpu.memory_space<hbm>>
    %dma_wait3A_121 = tpu.memref_squeeze %dma_wait3A_120 : memref<1x1x128xi32, #tpu.memory_space<hbm>> -> memref<128xi32, #tpu.memory_space<hbm>>
    %dma_wait3A_122 = arith.constant 0 : i32
    %dma_wait3A_123 = tpu.memref_slice %arg7[%dma_wait3A_115, %dma_wait3A_122] : memref<4x128xi32, #tpu.memory_space<vmem>> -> memref<1x128xi32, #tpu.memory_space<vmem>>
    %dma_wait3A_124 = tpu.memref_squeeze %dma_wait3A_123 : memref<1x128xi32, #tpu.memory_space<vmem>> -> memref<128xi32, #tpu.memory_space<vmem>>
    %dma_wait3A_125 = arith.constant 0 : i32
    %dma_wait3A_126 = tpu.memref_slice %arg3[%dma_wait3A, %dma_wait3A_114, %dma_wait3A_125] : memref<32x80x128xi32, #tpu.memory_space<hbm>> -> memref<1x1x128xi32, #tpu.memory_space<hbm>>
    %dma_wait3A_127 = tpu.memref_squeeze %dma_wait3A_126 : memref<1x1x128xi32, #tpu.memory_space<hbm>> -> memref<128xi32, #tpu.memory_space<hbm>>
    tpu.wait_dma2 semaphore(%arg13 : memref<!tpu.dma_semaphore, #tpu.memory_space<semaphore_mem>>) src(%dma_wait3A_127 : memref<128xi32, #tpu.memory_space<hbm>>) dst(%dma_wait3A_124 : memref<128xi32, #tpu.memory_space<vmem>>)
    %dma_wait3A_128 = arith.constant 0 : i32
    %dma_wait3A_129 = arith.constant 0 : i32
    %dma_wait3A_130 = arith.constant 0 : i32
    %dma_wait3A_131 = arith.constant 0 : i32
    %dma_wait3A_132 = tpu.memref_slice %arg8[%dma_wait3A_130, %dma_wait3A_131] : memref<4x128xi32, #tpu.memory_space<vmem>> -> memref<1x128xi32, #tpu.memory_space<vmem>>
    %dma_wait3A_133 = tpu.memref_squeeze %dma_wait3A_132 : memref<1x128xi32, #tpu.memory_space<vmem>> -> memref<128xi32, #tpu.memory_space<vmem>>
    %dma_wait3A_134 = arith.constant 0 : i32
    %dma_wait3A_135 = tpu.memref_slice %arg4[%dma_wait3A_128, %dma_wait3A_129, %dma_wait3A_134] : memref<32x80x128xi32, #tpu.memory_space<hbm>> -> memref<1x1x128xi32, #tpu.memory_space<hbm>>
    %dma_wait3A_136 = tpu.memref_squeeze %dma_wait3A_135 : memref<1x1x128xi32, #tpu.memory_space<hbm>> -> memref<128xi32, #tpu.memory_space<hbm>>
    %dma_wait3A_137 = arith.constant 0 : i32
    %dma_wait3A_138 = tpu.memref_slice %arg8[%dma_wait3A_130, %dma_wait3A_137] : memref<4x128xi32, #tpu.memory_space<vmem>> -> memref<1x128xi32, #tpu.memory_space<vmem>>
    %dma_wait3A_139 = tpu.memref_squeeze %dma_wait3A_138 : memref<1x128xi32, #tpu.memory_space<vmem>> -> memref<128xi32, #tpu.memory_space<vmem>>
    %dma_wait3A_140 = arith.constant 0 : i32
    %dma_wait3A_141 = tpu.memref_slice %arg4[%dma_wait3A_128, %dma_wait3A_129, %dma_wait3A_140] : memref<32x80x128xi32, #tpu.memory_space<hbm>> -> memref<1x1x128xi32, #tpu.memory_space<hbm>>
    %dma_wait3A_142 = tpu.memref_squeeze %dma_wait3A_141 : memref<1x1x128xi32, #tpu.memory_space<hbm>> -> memref<128xi32, #tpu.memory_space<hbm>>
    tpu.wait_dma2 semaphore(%arg13 : memref<!tpu.dma_semaphore, #tpu.memory_space<semaphore_mem>>) src(%dma_wait3A_142 : memref<128xi32, #tpu.memory_space<hbm>>) dst(%dma_wait3A_139 : memref<128xi32, #tpu.memory_space<vmem>>)
    %dma_start3A_143 = arith.constant 0 : i32
    %dma_start3A_144 = arith.constant 0 : i32
    %dma_start3A_145 = arith.constant 0 : i32
    %dma_start3A_146 = arith.constant 0 : i32
    %dma_start3A_147 = tpu.memref_slice %arg9[%dma_start3A_144, %dma_start3A_145, %dma_start3A_146] : memref<2x128x128xf32, #tpu.memory_space<vmem>> -> memref<1x128x128xf32, #tpu.memory_space<vmem>>
    %dma_start3A_148 = tpu.memref_squeeze %dma_start3A_147 : memref<1x128x128xf32, #tpu.memory_space<vmem>> -> memref<128x128xf32, #tpu.memory_space<vmem>>
    %dma_start3A_149 = arith.constant 0 : i32
    %dma_start3A_150 = tpu.memref_slice %arg7[%dma_start3A_143, %dma_start3A_149] : memref<4x128xi32, #tpu.memory_space<vmem>> -> memref<1x128xi32, #tpu.memory_space<vmem>>
    %dma_start3A_151 = tpu.memref_squeeze %dma_start3A_150 : memref<1x128xi32, #tpu.memory_space<vmem>> -> memref<128xi32, #tpu.memory_space<vmem>>
    %dma_start3A_152 = arith.constant 0 : i32
    %dma_start3A_153 = arith.constant 0 : i32
    %dma_start3A_154 = tpu.memref_slice %arg2[%dma_start3A_152, %dma_start3A_153] : memref<10016x128xf32, #tpu.memory_space<hbm>> -> memref<10016x128xf32, #tpu.memory_space<hbm>>
    tpu.enqueue_indirect_dma source(%dma_start3A_154 : memref<10016x128xf32, #tpu.memory_space<hbm>>) target(%dma_start3A_148 : memref<128x128xf32, #tpu.memory_space<vmem>>) offsets(%dma_start3A_151 : memref<128xi32, #tpu.memory_space<vmem>>) semaphore(%arg11 : memref<!tpu.dma_semaphore, #tpu.memory_space<semaphore_mem>>)
    %dma_wait3A_155 = arith.constant 0 : i32
    %dma_wait3A_156 = arith.constant 0 : i32
    %dma_wait3A_157 = arith.constant 1 : i32
    %dma_wait3A_158 = arith.constant 0 : i32
    %dma_wait3A_159 = tpu.memref_slice %arg7[%dma_wait3A_157, %dma_wait3A_158] : memref<4x128xi32, #tpu.memory_space<vmem>> -> memref<1x128xi32, #tpu.memory_space<vmem>>
    %dma_wait3A_160 = tpu.memref_squeeze %dma_wait3A_159 : memref<1x128xi32, #tpu.memory_space<vmem>> -> memref<128xi32, #tpu.memory_space<vmem>>
    %dma_wait3A_161 = arith.constant 0 : i32
    %dma_wait3A_162 = tpu.memref_slice %arg3[%dma_wait3A_155, %dma_wait3A_156, %dma_wait3A_161] : memref<32x80x128xi32, #tpu.memory_space<hbm>> -> memref<1x1x128xi32, #tpu.memory_space<hbm>>
    %dma_wait3A_163 = tpu.memref_squeeze %dma_wait3A_162 : memref<1x1x128xi32, #tpu.memory_space<hbm>> -> memref<128xi32, #tpu.memory_space<hbm>>
    %dma_wait3A_164 = arith.constant 0 : i32
    %dma_wait3A_165 = tpu.memref_slice %arg7[%dma_wait3A_157, %dma_wait3A_164] : memref<4x128xi32, #tpu.memory_space<vmem>> -> memref<1x128xi32, #tpu.memory_space<vmem>>
    %dma_wait3A_166 = tpu.memref_squeeze %dma_wait3A_165 : memref<1x128xi32, #tpu.memory_space<vmem>> -> memref<128xi32, #tpu.memory_space<vmem>>
    %dma_wait3A_167 = arith.constant 0 : i32
    %dma_wait3A_168 = tpu.memref_slice %arg3[%dma_wait3A_155, %dma_wait3A_156, %dma_wait3A_167] : memref<32x80x128xi32, #tpu.memory_space<hbm>> -> memref<1x1x128xi32, #tpu.memory_space<hbm>>
    %dma_wait3A_169 = tpu.memref_squeeze %dma_wait3A_168 : memref<1x1x128xi32, #tpu.memory_space<hbm>> -> memref<128xi32, #tpu.memory_space<hbm>>
    tpu.wait_dma2 semaphore(%arg14 : memref<!tpu.dma_semaphore, #tpu.memory_space<semaphore_mem>>) src(%dma_wait3A_169 : memref<128xi32, #tpu.memory_space<hbm>>) dst(%dma_wait3A_166 : memref<128xi32, #tpu.memory_space<vmem>>)
    %dma_wait3A_170 = arith.constant 0 : i32
    %dma_wait3A_171 = arith.constant 0 : i32
    %dma_wait3A_172 = arith.constant 1 : i32
    %dma_wait3A_173 = arith.constant 0 : i32
    %dma_wait3A_174 = tpu.memref_slice %arg8[%dma_wait3A_172, %dma_wait3A_173] : memref<4x128xi32, #tpu.memory_space<vmem>> -> memref<1x128xi32, #tpu.memory_space<vmem>>
    %dma_wait3A_175 = tpu.memref_squeeze %dma_wait3A_174 : memref<1x128xi32, #tpu.memory_space<vmem>> -> memref<128xi32, #tpu.memory_space<vmem>>
    %dma_wait3A_176 = arith.constant 0 : i32
    %dma_wait3A_177 = tpu.memref_slice %arg4[%dma_wait3A_170, %dma_wait3A_171, %dma_wait3A_176] : memref<32x80x128xi32, #tpu.memory_space<hbm>> -> memref<1x1x128xi32, #tpu.memory_space<hbm>>
    %dma_wait3A_178 = tpu.memref_squeeze %dma_wait3A_177 : memref<1x1x128xi32, #tpu.memory_space<hbm>> -> memref<128xi32, #tpu.memory_space<hbm>>
    %dma_wait3A_179 = arith.constant 0 : i32
    %dma_wait3A_180 = tpu.memref_slice %arg8[%dma_wait3A_172, %dma_wait3A_179] : memref<4x128xi32, #tpu.memory_space<vmem>> -> memref<1x128xi32, #tpu.memory_space<vmem>>
    %dma_wait3A_181 = tpu.memref_squeeze %dma_wait3A_180 : memref<1x128xi32, #tpu.memory_space<vmem>> -> memref<128xi32, #tpu.memory_space<vmem>>
    %dma_wait3A_182 = arith.constant 0 : i32
    %dma_wait3A_183 = tpu.memref_slice %arg4[%dma_wait3A_170, %dma_wait3A_171, %dma_wait3A_182] : memref<32x80x128xi32, #tpu.memory_space<hbm>> -> memref<1x1x128xi32, #tpu.memory_space<hbm>>
    %dma_wait3A_184 = tpu.memref_squeeze %dma_wait3A_183 : memref<1x1x128xi32, #tpu.memory_space<hbm>> -> memref<128xi32, #tpu.memory_space<hbm>>
    tpu.wait_dma2 semaphore(%arg14 : memref<!tpu.dma_semaphore, #tpu.memory_space<semaphore_mem>>) src(%dma_wait3A_184 : memref<128xi32, #tpu.memory_space<hbm>>) dst(%dma_wait3A_181 : memref<128xi32, #tpu.memory_space<vmem>>)
    %dma_start3A_185 = arith.constant 1 : i32
    %dma_start3A_186 = arith.constant 1 : i32
    %dma_start3A_187 = arith.constant 0 : i32
    %dma_start3A_188 = arith.constant 0 : i32
    %dma_start3A_189 = tpu.memref_slice %arg9[%dma_start3A_186, %dma_start3A_187, %dma_start3A_188] : memref<2x128x128xf32, #tpu.memory_space<vmem>> -> memref<1x128x128xf32, #tpu.memory_space<vmem>>
    %dma_start3A_190 = tpu.memref_squeeze %dma_start3A_189 : memref<1x128x128xf32, #tpu.memory_space<vmem>> -> memref<128x128xf32, #tpu.memory_space<vmem>>
    %dma_start3A_191 = arith.constant 0 : i32
    %dma_start3A_192 = tpu.memref_slice %arg7[%dma_start3A_185, %dma_start3A_191] : memref<4x128xi32, #tpu.memory_space<vmem>> -> memref<1x128xi32, #tpu.memory_space<vmem>>
    %dma_start3A_193 = tpu.memref_squeeze %dma_start3A_192 : memref<1x128xi32, #tpu.memory_space<vmem>> -> memref<128xi32, #tpu.memory_space<vmem>>
    %dma_start3A_194 = arith.constant 0 : i32
    %dma_start3A_195 = arith.constant 0 : i32
    %dma_start3A_196 = tpu.memref_slice %arg2[%dma_start3A_194, %dma_start3A_195] : memref<10016x128xf32, #tpu.memory_space<hbm>> -> memref<10016x128xf32, #tpu.memory_space<hbm>>
    tpu.enqueue_indirect_dma source(%dma_start3A_196 : memref<10016x128xf32, #tpu.memory_space<hbm>>) target(%dma_start3A_190 : memref<128x128xf32, #tpu.memory_space<vmem>>) offsets(%dma_start3A_193 : memref<128xi32, #tpu.memory_space<vmem>>) semaphore(%arg12 : memref<!tpu.dma_semaphore, #tpu.memory_space<semaphore_mem>>)
    %scan3A = arith.constant 0 : i32
    %scan3A_197 = arith.constant 0 : i32
    %scan3A_198 = arith.constant 20 : i32
    %scan3A_199 = arith.addi %scan3A_197, %scan3A_198 : i32
    %scan3A_200 = arith.constant 1 : i32
    scf.for %scan3A_289 = %scan3A_197 to %scan3A_199 step %scan3A_200  : i32 {
      %mul3A_290 = arith.constant 4 : i32
      %mul3A_291 = arith.muli %mul3A_290, %scan3A_289 : i32
      %add3A_292 = arith.constant 0 : i32
      %add3A_293 = arith.addi %mul3A_291, %add3A_292 : i32
      %dma_wait3A_294 = arith.constant 0 : i32
      %dma_wait3A_295 = arith.constant 0 : i32
      %dma_wait3A_296 = arith.constant 0 : i32
      %dma_wait3A_297 = arith.constant 0 : i32
      %dma_wait3A_298 = tpu.memref_slice %arg9[%dma_wait3A_295, %dma_wait3A_296, %dma_wait3A_297] : memref<2x128x128xf32, #tpu.memory_space<vmem>> -> memref<1x128x128xf32, #tpu.memory_space<vmem>>
      %dma_wait3A_299 = tpu.memref_squeeze %dma_wait3A_298 : memref<1x128x128xf32, #tpu.memory_space<vmem>> -> memref<128x128xf32, #tpu.memory_space<vmem>>
      %dma_wait3A_300 = arith.constant 0 : i32
      %dma_wait3A_301 = tpu.memref_slice %arg7[%dma_wait3A_294, %dma_wait3A_300] : memref<4x128xi32, #tpu.memory_space<vmem>> -> memref<1x128xi32, #tpu.memory_space<vmem>>
      %dma_wait3A_302 = tpu.memref_squeeze %dma_wait3A_301 : memref<1x128xi32, #tpu.memory_space<vmem>> -> memref<128xi32, #tpu.memory_space<vmem>>
      %dma_wait3A_303 = arith.constant 0 : i32
      %dma_wait3A_304 = arith.constant 0 : i32
      %dma_wait3A_305 = tpu.memref_slice %arg2[%dma_wait3A_303, %dma_wait3A_304] : memref<10016x128xf32, #tpu.memory_space<hbm>> -> memref<10016x128xf32, #tpu.memory_space<hbm>>
      tpu.wait_indirect_dma semaphore(%arg11 : memref<!tpu.dma_semaphore, #tpu.memory_space<semaphore_mem>>) src(%dma_wait3A_305 : memref<10016x128xf32, #tpu.memory_space<hbm>>) dst(%dma_wait3A_299 : memref<128x128xf32, #tpu.memory_space<vmem>>)
      %run_scoped3A = arith.constant 0 : i32
      %run_scoped3A_306 = arith.constant 0 : i32
      "tpu.region"() ({
        %run_scoped3A_648 = tpu.sem_alloc : memref<!tpu.dma_semaphore, #tpu.memory_space<semaphore_mem>>
        %dma_start3A_649 = arith.constant 0 : i32
        %dma_start3A_650 = arith.constant 0 : i32
        %dma_start3A_651 = tpu.memref_slice %arg9[%run_scoped3A, %dma_start3A_649, %dma_start3A_650] : memref<2x128x128xf32, #tpu.memory_space<vmem>> -> memref<1x128x128xf32, #tpu.memory_space<vmem>>
        %dma_start3A_652 = tpu.memref_squeeze %dma_start3A_651 : memref<1x128x128xf32, #tpu.memory_space<vmem>> -> memref<128x128xf32, #tpu.memory_space<vmem>>
        %dma_start3A_653 = arith.constant 0 : i32
        %dma_start3A_654 = tpu.memref_slice %arg8[%run_scoped3A_306, %dma_start3A_653] : memref<4x128xi32, #tpu.memory_space<vmem>> -> memref<1x128xi32, #tpu.memory_space<vmem>>
        %dma_start3A_655 = tpu.memref_squeeze %dma_start3A_654 : memref<1x128xi32, #tpu.memory_space<vmem>> -> memref<128xi32, #tpu.memory_space<vmem>>
        %dma_start3A_656 = arith.constant 0 : i32
        %dma_start3A_657 = arith.constant 0 : i32
        %dma_start3A_658 = tpu.memref_slice %arg10[%dma_start3A_656, %dma_start3A_657] : memref<10016x128xf32, #tpu.memory_space<vmem_shared>> -> memref<10016x128xf32, #tpu.memory_space<vmem_shared>>
        tpu.enqueue_indirect_dma source(%dma_start3A_652 : memref<128x128xf32, #tpu.memory_space<vmem>>) target(%dma_start3A_658 : memref<10016x128xf32, #tpu.memory_space<vmem_shared>>) offsets(%dma_start3A_655 : memref<128xi32, #tpu.memory_space<vmem>>) semaphore(%run_scoped3A_648 : memref<!tpu.dma_semaphore, #tpu.memory_space<semaphore_mem>>) {add = true}
        %dma_wait3A_659 = arith.constant 0 : i32
        %dma_wait3A_660 = arith.constant 0 : i32
        %dma_wait3A_661 = tpu.memref_slice %arg9[%run_scoped3A, %dma_wait3A_659, %dma_wait3A_660] : memref<2x128x128xf32, #tpu.memory_space<vmem>> -> memref<1x128x128xf32, #tpu.memory_space<vmem>>
        %dma_wait3A_662 = tpu.memref_squeeze %dma_wait3A_661 : memref<1x128x128xf32, #tpu.memory_space<vmem>> -> memref<128x128xf32, #tpu.memory_space<vmem>>
        %dma_wait3A_663 = arith.constant 0 : i32
        %dma_wait3A_664 = tpu.memref_slice %arg8[%run_scoped3A_306, %dma_wait3A_663] : memref<4x128xi32, #tpu.memory_space<vmem>> -> memref<1x128xi32, #tpu.memory_space<vmem>>
        %dma_wait3A_665 = tpu.memref_squeeze %dma_wait3A_664 : memref<1x128xi32, #tpu.memory_space<vmem>> -> memref<128xi32, #tpu.memory_space<vmem>>
        %dma_wait3A_666 = arith.constant 0 : i32
        %dma_wait3A_667 = arith.constant 0 : i32
        %dma_wait3A_668 = tpu.memref_slice %arg10[%dma_wait3A_666, %dma_wait3A_667] : memref<10016x128xf32, #tpu.memory_space<vmem_shared>> -> memref<10016x128xf32, #tpu.memory_space<vmem_shared>>
        tpu.wait_indirect_dma semaphore(%run_scoped3A_648 : memref<!tpu.dma_semaphore, #tpu.memory_space<semaphore_mem>>) src(%dma_wait3A_662 : memref<128x128xf32, #tpu.memory_space<vmem>>) dst(%dma_wait3A_668 : memref<10016x128xf32, #tpu.memory_space<vmem_shared>>)
        tpu.yield
      }) : () -> ()
      %add3A_307 = arith.constant 4 : i32
      %add3A_308 = arith.addi %add3A_293, %add3A_307 : i32
      %min3A = arith.constant 79 : i32
      %min3A_309 = arith.minsi %add3A_308, %min3A : i32
      %dma_start3A_310 = arith.constant 0 : i32
      %dma_start3A_311 = arith.constant 0 : i32
      %dma_start3A_312 = tpu.memref_slice %arg7[%dma_start3A_310, %dma_start3A_311] : memref<4x128xi32, #tpu.memory_space<vmem>> -> memref<1x128xi32, #tpu.memory_space<vmem>>
      %dma_start3A_313 = tpu.memref_squeeze %dma_start3A_312 : memref<1x128xi32, #tpu.memory_space<vmem>> -> memref<128xi32, #tpu.memory_space<vmem>>
      %dma_start3A_314 = arith.constant 0 : i32
      %dma_start3A_315 = tpu.memref_slice %arg3[%add3A, %min3A_309, %dma_start3A_314] : memref<32x80x128xi32, #tpu.memory_space<hbm>> -> memref<1x1x128xi32, #tpu.memory_space<hbm>>
      %dma_start3A_316 = tpu.memref_squeeze %dma_start3A_315 : memref<1x1x128xi32, #tpu.memory_space<hbm>> -> memref<128xi32, #tpu.memory_space<hbm>>
      %dma_start3A_317 = arith.constant 0 : i32
      %dma_start3A_318 = tpu.memref_slice %arg7[%dma_start3A_310, %dma_start3A_317] : memref<4x128xi32, #tpu.memory_space<vmem>> -> memref<1x128xi32, #tpu.memory_space<vmem>>
      %dma_start3A_319 = tpu.memref_squeeze %dma_start3A_318 : memref<1x128xi32, #tpu.memory_space<vmem>> -> memref<128xi32, #tpu.memory_space<vmem>>
      %dma_start3A_320 = arith.constant 0 : i32
      %dma_start3A_321 = tpu.memref_slice %arg3[%add3A, %min3A_309, %dma_start3A_320] : memref<32x80x128xi32, #tpu.memory_space<hbm>> -> memref<1x1x128xi32, #tpu.memory_space<hbm>>
      %dma_start3A_322 = tpu.memref_squeeze %dma_start3A_321 : memref<1x1x128xi32, #tpu.memory_space<hbm>> -> memref<128xi32, #tpu.memory_space<hbm>>
      tpu.enqueue_dma source(%dma_start3A_322 : memref<128xi32, #tpu.memory_space<hbm>>) target(%dma_start3A_319 : memref<128xi32, #tpu.memory_space<vmem>>) target_semaphore(%arg13 : memref<!tpu.dma_semaphore, #tpu.memory_space<semaphore_mem>>)
      %dma_start3A_323 = arith.constant 0 : i32
      %dma_start3A_324 = arith.constant 0 : i32
      %dma_start3A_325 = tpu.memref_slice %arg8[%dma_start3A_323, %dma_start3A_324] : memref<4x128xi32, #tpu.memory_space<vmem>> -> memref<1x128xi32, #tpu.memory_space<vmem>>
      %dma_start3A_326 = tpu.memref_squeeze %dma_start3A_325 : memref<1x128xi32, #tpu.memory_space<vmem>> -> memref<128xi32, #tpu.memory_space<vmem>>
      %dma_start3A_327 = arith.constant 0 : i32
      %dma_start3A_328 = tpu.memref_slice %arg4[%add3A, %min3A_309, %dma_start3A_327] : memref<32x80x128xi32, #tpu.memory_space<hbm>> -> memref<1x1x128xi32, #tpu.memory_space<hbm>>
      %dma_start3A_329 = tpu.memref_squeeze %dma_start3A_328 : memref<1x1x128xi32, #tpu.memory_space<hbm>> -> memref<128xi32, #tpu.memory_space<hbm>>
      %dma_start3A_330 = arith.constant 0 : i32
      %dma_start3A_331 = tpu.memref_slice %arg8[%dma_start3A_323, %dma_start3A_330] : memref<4x128xi32, #tpu.memory_space<vmem>> -> memref<1x128xi32, #tpu.memory_space<vmem>>
      %dma_start3A_332 = tpu.memref_squeeze %dma_start3A_331 : memref<1x128xi32, #tpu.memory_space<vmem>> -> memref<128xi32, #tpu.memory_space<vmem>>
      %dma_start3A_333 = arith.constant 0 : i32
      %dma_start3A_334 = tpu.memref_slice %arg4[%add3A, %min3A_309, %dma_start3A_333] : memref<32x80x128xi32, #tpu.memory_space<hbm>> -> memref<1x1x128xi32, #tpu.memory_space<hbm>>
      %dma_start3A_335 = tpu.memref_squeeze %dma_start3A_334 : memref<1x1x128xi32, #tpu.memory_space<hbm>> -> memref<128xi32, #tpu.memory_space<hbm>>
      tpu.enqueue_dma source(%dma_start3A_335 : memref<128xi32, #tpu.memory_space<hbm>>) target(%dma_start3A_332 : memref<128xi32, #tpu.memory_space<vmem>>) target_semaphore(%arg13 : memref<!tpu.dma_semaphore, #tpu.memory_space<semaphore_mem>>)
      %dma_wait3A_336 = arith.constant 0 : i32
      %dma_wait3A_337 = arith.constant 0 : i32
      %dma_wait3A_338 = arith.constant 2 : i32
      %dma_wait3A_339 = arith.constant 0 : i32
      %dma_wait3A_340 = tpu.memref_slice %arg7[%dma_wait3A_338, %dma_wait3A_339] : memref<4x128xi32, #tpu.memory_space<vmem>> -> memref<1x128xi32, #tpu.memory_space<vmem>>
      %dma_wait3A_341 = tpu.memref_squeeze %dma_wait3A_340 : memref<1x128xi32, #tpu.memory_space<vmem>> -> memref<128xi32, #tpu.memory_space<vmem>>
      %dma_wait3A_342 = arith.constant 0 : i32
      %dma_wait3A_343 = tpu.memref_slice %arg3[%dma_wait3A_336, %dma_wait3A_337, %dma_wait3A_342] : memref<32x80x128xi32, #tpu.memory_space<hbm>> -> memref<1x1x128xi32, #tpu.memory_space<hbm>>
      %dma_wait3A_344 = tpu.memref_squeeze %dma_wait3A_343 : memref<1x1x128xi32, #tpu.memory_space<hbm>> -> memref<128xi32, #tpu.memory_space<hbm>>
      %dma_wait3A_345 = arith.constant 0 : i32
      %dma_wait3A_346 = tpu.memref_slice %arg7[%dma_wait3A_338, %dma_wait3A_345] : memref<4x128xi32, #tpu.memory_space<vmem>> -> memref<1x128xi32, #tpu.memory_space<vmem>>
      %dma_wait3A_347 = tpu.memref_squeeze %dma_wait3A_346 : memref<1x128xi32, #tpu.memory_space<vmem>> -> memref<128xi32, #tpu.memory_space<vmem>>
      %dma_wait3A_348 = arith.constant 0 : i32
      %dma_wait3A_349 = tpu.memref_slice %arg3[%dma_wait3A_336, %dma_wait3A_337, %dma_wait3A_348] : memref<32x80x128xi32, #tpu.memory_space<hbm>> -> memref<1x1x128xi32, #tpu.memory_space<hbm>>
      %dma_wait3A_350 = tpu.memref_squeeze %dma_wait3A_349 : memref<1x1x128xi32, #tpu.memory_space<hbm>> -> memref<128xi32, #tpu.memory_space<hbm>>
      tpu.wait_dma2 semaphore(%arg15 : memref<!tpu.dma_semaphore, #tpu.memory_space<semaphore_mem>>) src(%dma_wait3A_350 : memref<128xi32, #tpu.memory_space<hbm>>) dst(%dma_wait3A_347 : memref<128xi32, #tpu.memory_space<vmem>>)
      %dma_wait3A_351 = arith.constant 0 : i32
      %dma_wait3A_352 = arith.constant 0 : i32
      %dma_wait3A_353 = arith.constant 2 : i32
      %dma_wait3A_354 = arith.constant 0 : i32
      %dma_wait3A_355 = tpu.memref_slice %arg8[%dma_wait3A_353, %dma_wait3A_354] : memref<4x128xi32, #tpu.memory_space<vmem>> -> memref<1x128xi32, #tpu.memory_space<vmem>>
      %dma_wait3A_356 = tpu.memref_squeeze %dma_wait3A_355 : memref<1x128xi32, #tpu.memory_space<vmem>> -> memref<128xi32, #tpu.memory_space<vmem>>
      %dma_wait3A_357 = arith.constant 0 : i32
      %dma_wait3A_358 = tpu.memref_slice %arg4[%dma_wait3A_351, %dma_wait3A_352, %dma_wait3A_357] : memref<32x80x128xi32, #tpu.memory_space<hbm>> -> memref<1x1x128xi32, #tpu.memory_space<hbm>>
      %dma_wait3A_359 = tpu.memref_squeeze %dma_wait3A_358 : memref<1x1x128xi32, #tpu.memory_space<hbm>> -> memref<128xi32, #tpu.memory_space<hbm>>
      %dma_wait3A_360 = arith.constant 0 : i32
      %dma_wait3A_361 = tpu.memref_slice %arg8[%dma_wait3A_353, %dma_wait3A_360] : memref<4x128xi32, #tpu.memory_space<vmem>> -> memref<1x128xi32, #tpu.memory_space<vmem>>
      %dma_wait3A_362 = tpu.memref_squeeze %dma_wait3A_361 : memref<1x128xi32, #tpu.memory_space<vmem>> -> memref<128xi32, #tpu.memory_space<vmem>>
      %dma_wait3A_363 = arith.constant 0 : i32
      %dma_wait3A_364 = tpu.memref_slice %arg4[%dma_wait3A_351, %dma_wait3A_352, %dma_wait3A_363] : memref<32x80x128xi32, #tpu.memory_space<hbm>> -> memref<1x1x128xi32, #tpu.memory_space<hbm>>
      %dma_wait3A_365 = tpu.memref_squeeze %dma_wait3A_364 : memref<1x1x128xi32, #tpu.memory_space<hbm>> -> memref<128xi32, #tpu.memory_space<hbm>>
      tpu.wait_dma2 semaphore(%arg15 : memref<!tpu.dma_semaphore, #tpu.memory_space<semaphore_mem>>) src(%dma_wait3A_365 : memref<128xi32, #tpu.memory_space<hbm>>) dst(%dma_wait3A_362 : memref<128xi32, #tpu.memory_space<vmem>>)
      %dma_start3A_366 = arith.constant 2 : i32
      %dma_start3A_367 = arith.constant 0 : i32
      %dma_start3A_368 = arith.constant 0 : i32
      %dma_start3A_369 = arith.constant 0 : i32
      %dma_start3A_370 = tpu.memref_slice %arg9[%dma_start3A_367, %dma_start3A_368, %dma_start3A_369] : memref<2x128x128xf32, #tpu.memory_space<vmem>> -> memref<1x128x128xf32, #tpu.memory_space<vmem>>
      %dma_start3A_371 = tpu.memref_squeeze %dma_start3A_370 : memref<1x128x128xf32, #tpu.memory_space<vmem>> -> memref<128x128xf32, #tpu.memory_space<vmem>>
      %dma_start3A_372 = arith.constant 0 : i32
      %dma_start3A_373 = tpu.memref_slice %arg7[%dma_start3A_366, %dma_start3A_372] : memref<4x128xi32, #tpu.memory_space<vmem>> -> memref<1x128xi32, #tpu.memory_space<vmem>>
      %dma_start3A_374 = tpu.memref_squeeze %dma_start3A_373 : memref<1x128xi32, #tpu.memory_space<vmem>> -> memref<128xi32, #tpu.memory_space<vmem>>
      %dma_start3A_375 = arith.constant 0 : i32
      %dma_start3A_376 = arith.constant 0 : i32
      %dma_start3A_377 = tpu.memref_slice %arg2[%dma_start3A_375, %dma_start3A_376] : memref<10016x128xf32, #tpu.memory_space<hbm>> -> memref<10016x128xf32, #tpu.memory_space<hbm>>
      tpu.enqueue_indirect_dma source(%dma_start3A_377 : memref<10016x128xf32, #tpu.memory_space<hbm>>) target(%dma_start3A_371 : memref<128x128xf32, #tpu.memory_space<vmem>>) offsets(%dma_start3A_374 : memref<128xi32, #tpu.memory_space<vmem>>) semaphore(%arg11 : memref<!tpu.dma_semaphore, #tpu.memory_space<semaphore_mem>>)
      %mul3A_378 = arith.constant 4 : i32
      %mul3A_379 = arith.muli %mul3A_378, %scan3A_289 : i32
      %add3A_380 = arith.constant 1 : i32
      %add3A_381 = arith.addi %mul3A_379, %add3A_380 : i32
      %dma_wait3A_382 = arith.constant 0 : i32
      %dma_wait3A_383 = arith.constant 1 : i32
      %dma_wait3A_384 = arith.constant 0 : i32
      %dma_wait3A_385 = arith.constant 0 : i32
      %dma_wait3A_386 = tpu.memref_slice %arg9[%dma_wait3A_383, %dma_wait3A_384, %dma_wait3A_385] : memref<2x128x128xf32, #tpu.memory_space<vmem>> -> memref<1x128x128xf32, #tpu.memory_space<vmem>>
      %dma_wait3A_387 = tpu.memref_squeeze %dma_wait3A_386 : memref<1x128x128xf32, #tpu.memory_space<vmem>> -> memref<128x128xf32, #tpu.memory_space<vmem>>
      %dma_wait3A_388 = arith.constant 0 : i32
      %dma_wait3A_389 = tpu.memref_slice %arg7[%dma_wait3A_382, %dma_wait3A_388] : memref<4x128xi32, #tpu.memory_space<vmem>> -> memref<1x128xi32, #tpu.memory_space<vmem>>
      %dma_wait3A_390 = tpu.memref_squeeze %dma_wait3A_389 : memref<1x128xi32, #tpu.memory_space<vmem>> -> memref<128xi32, #tpu.memory_space<vmem>>
      %dma_wait3A_391 = arith.constant 0 : i32
      %dma_wait3A_392 = arith.constant 0 : i32
      %dma_wait3A_393 = tpu.memref_slice %arg2[%dma_wait3A_391, %dma_wait3A_392] : memref<10016x128xf32, #tpu.memory_space<hbm>> -> memref<10016x128xf32, #tpu.memory_space<hbm>>
      tpu.wait_indirect_dma semaphore(%arg12 : memref<!tpu.dma_semaphore, #tpu.memory_space<semaphore_mem>>) src(%dma_wait3A_393 : memref<10016x128xf32, #tpu.memory_space<hbm>>) dst(%dma_wait3A_387 : memref<128x128xf32, #tpu.memory_space<vmem>>)
      %run_scoped3A_394 = arith.constant 1 : i32
      %run_scoped3A_395 = arith.constant 1 : i32
      "tpu.region"() ({
        %run_scoped3A_648 = tpu.sem_alloc : memref<!tpu.dma_semaphore, #tpu.memory_space<semaphore_mem>>
        %dma_start3A_649 = arith.constant 0 : i32
        %dma_start3A_650 = arith.constant 0 : i32
        %dma_start3A_651 = tpu.memref_slice %arg9[%run_scoped3A_394, %dma_start3A_649, %dma_start3A_650] : memref<2x128x128xf32, #tpu.memory_space<vmem>> -> memref<1x128x128xf32, #tpu.memory_space<vmem>>
        %dma_start3A_652 = tpu.memref_squeeze %dma_start3A_651 : memref<1x128x128xf32, #tpu.memory_space<vmem>> -> memref<128x128xf32, #tpu.memory_space<vmem>>
        %dma_start3A_653 = arith.constant 0 : i32
        %dma_start3A_654 = tpu.memref_slice %arg8[%run_scoped3A_395, %dma_start3A_653] : memref<4x128xi32, #tpu.memory_space<vmem>> -> memref<1x128xi32, #tpu.memory_space<vmem>>
        %dma_start3A_655 = tpu.memref_squeeze %dma_start3A_654 : memref<1x128xi32, #tpu.memory_space<vmem>> -> memref<128xi32, #tpu.memory_space<vmem>>
        %dma_start3A_656 = arith.constant 0 : i32
        %dma_start3A_657 = arith.constant 0 : i32
        %dma_start3A_658 = tpu.memref_slice %arg10[%dma_start3A_656, %dma_start3A_657] : memref<10016x128xf32, #tpu.memory_space<vmem_shared>> -> memref<10016x128xf32, #tpu.memory_space<vmem_shared>>
        tpu.enqueue_indirect_dma source(%dma_start3A_652 : memref<128x128xf32, #tpu.memory_space<vmem>>) target(%dma_start3A_658 : memref<10016x128xf32, #tpu.memory_space<vmem_shared>>) offsets(%dma_start3A_655 : memref<128xi32, #tpu.memory_space<vmem>>) semaphore(%run_scoped3A_648 : memref<!tpu.dma_semaphore, #tpu.memory_space<semaphore_mem>>) {add = true}
        %dma_wait3A_659 = arith.constant 0 : i32
        %dma_wait3A_660 = arith.constant 0 : i32
        %dma_wait3A_661 = tpu.memref_slice %arg9[%run_scoped3A_394, %dma_wait3A_659, %dma_wait3A_660] : memref<2x128x128xf32, #tpu.memory_space<vmem>> -> memref<1x128x128xf32, #tpu.memory_space<vmem>>
        %dma_wait3A_662 = tpu.memref_squeeze %dma_wait3A_661 : memref<1x128x128xf32, #tpu.memory_space<vmem>> -> memref<128x128xf32, #tpu.memory_space<vmem>>
        %dma_wait3A_663 = arith.constant 0 : i32
        %dma_wait3A_664 = tpu.memref_slice %arg8[%run_scoped3A_395, %dma_wait3A_663] : memref<4x128xi32, #tpu.memory_space<vmem>> -> memref<1x128xi32, #tpu.memory_space<vmem>>
        %dma_wait3A_665 = tpu.memref_squeeze %dma_wait3A_664 : memref<1x128xi32, #tpu.memory_space<vmem>> -> memref<128xi32, #tpu.memory_space<vmem>>
        %dma_wait3A_666 = arith.constant 0 : i32
        %dma_wait3A_667 = arith.constant 0 : i32
        %dma_wait3A_668 = tpu.memref_slice %arg10[%dma_wait3A_666, %dma_wait3A_667] : memref<10016x128xf32, #tpu.memory_space<vmem_shared>> -> memref<10016x128xf32, #tpu.memory_space<vmem_shared>>
        tpu.wait_indirect_dma semaphore(%run_scoped3A_648 : memref<!tpu.dma_semaphore, #tpu.memory_space<semaphore_mem>>) src(%dma_wait3A_662 : memref<128x128xf32, #tpu.memory_space<vmem>>) dst(%dma_wait3A_668 : memref<10016x128xf32, #tpu.memory_space<vmem_shared>>)
        tpu.yield
      }) : () -> ()
      %add3A_396 = arith.constant 4 : i32
      %add3A_397 = arith.addi %add3A_381, %add3A_396 : i32
      %min3A_398 = arith.constant 79 : i32
      %min3A_399 = arith.minsi %add3A_397, %min3A_398 : i32
      %dma_start3A_400 = arith.constant 1 : i32
      %dma_start3A_401 = arith.constant 0 : i32
      %dma_start3A_402 = tpu.memref_slice %arg7[%dma_start3A_400, %dma_start3A_401] : memref<4x128xi32, #tpu.memory_space<vmem>> -> memref<1x128xi32, #tpu.memory_space<vmem>>
      %dma_start3A_403 = tpu.memref_squeeze %dma_start3A_402 : memref<1x128xi32, #tpu.memory_space<vmem>> -> memref<128xi32, #tpu.memory_space<vmem>>
      %dma_start3A_404 = arith.constant 0 : i32
      %dma_start3A_405 = tpu.memref_slice %arg3[%add3A, %min3A_399, %dma_start3A_404] : memref<32x80x128xi32, #tpu.memory_space<hbm>> -> memref<1x1x128xi32, #tpu.memory_space<hbm>>
      %dma_start3A_406 = tpu.memref_squeeze %dma_start3A_405 : memref<1x1x128xi32, #tpu.memory_space<hbm>> -> memref<128xi32, #tpu.memory_space<hbm>>
      %dma_start3A_407 = arith.constant 0 : i32
      %dma_start3A_408 = tpu.memref_slice %arg7[%dma_start3A_400, %dma_start3A_407] : memref<4x128xi32, #tpu.memory_space<vmem>> -> memref<1x128xi32, #tpu.memory_space<vmem>>
      %dma_start3A_409 = tpu.memref_squeeze %dma_start3A_408 : memref<1x128xi32, #tpu.memory_space<vmem>> -> memref<128xi32, #tpu.memory_space<vmem>>
      %dma_start3A_410 = arith.constant 0 : i32
      %dma_start3A_411 = tpu.memref_slice %arg3[%add3A, %min3A_399, %dma_start3A_410] : memref<32x80x128xi32, #tpu.memory_space<hbm>> -> memref<1x1x128xi32, #tpu.memory_space<hbm>>
      %dma_start3A_412 = tpu.memref_squeeze %dma_start3A_411 : memref<1x1x128xi32, #tpu.memory_space<hbm>> -> memref<128xi32, #tpu.memory_space<hbm>>
      tpu.enqueue_dma source(%dma_start3A_412 : memref<128xi32, #tpu.memory_space<hbm>>) target(%dma_start3A_409 : memref<128xi32, #tpu.memory_space<vmem>>) target_semaphore(%arg14 : memref<!tpu.dma_semaphore, #tpu.memory_space<semaphore_mem>>)
      %dma_start3A_413 = arith.constant 1 : i32
      %dma_start3A_414 = arith.constant 0 : i32
      %dma_start3A_415 = tpu.memref_slice %arg8[%dma_start3A_413, %dma_start3A_414] : memref<4x128xi32, #tpu.memory_space<vmem>> -> memref<1x128xi32, #tpu.memory_space<vmem>>
      %dma_start3A_416 = tpu.memref_squeeze %dma_start3A_415 : memref<1x128xi32, #tpu.memory_space<vmem>> -> memref<128xi32, #tpu.memory_space<vmem>>
      %dma_start3A_417 = arith.constant 0 : i32
      %dma_start3A_418 = tpu.memref_slice %arg4[%add3A, %min3A_399, %dma_start3A_417] : memref<32x80x128xi32, #tpu.memory_space<hbm>> -> memref<1x1x128xi32, #tpu.memory_space<hbm>>
      %dma_start3A_419 = tpu.memref_squeeze %dma_start3A_418 : memref<1x1x128xi32, #tpu.memory_space<hbm>> -> memref<128xi32, #tpu.memory_space<hbm>>
      %dma_start3A_420 = arith.constant 0 : i32
      %dma_start3A_421 = tpu.memref_slice %arg8[%dma_start3A_413, %dma_start3A_420] : memref<4x128xi32, #tpu.memory_space<vmem>> -> memref<1x128xi32, #tpu.memory_space<vmem>>
      %dma_start3A_422 = tpu.memref_squeeze %dma_start3A_421 : memref<1x128xi32, #tpu.memory_space<vmem>> -> memref<128xi32, #tpu.memory_space<vmem>>
      %dma_start3A_423 = arith.constant 0 : i32
      %dma_start3A_424 = tpu.memref_slice %arg4[%add3A, %min3A_399, %dma_start3A_423] : memref<32x80x128xi32, #tpu.memory_space<hbm>> -> memref<1x1x128xi32, #tpu.memory_space<hbm>>
      %dma_start3A_425 = tpu.memref_squeeze %dma_start3A_424 : memref<1x1x128xi32, #tpu.memory_space<hbm>> -> memref<128xi32, #tpu.memory_space<hbm>>
      tpu.enqueue_dma source(%dma_start3A_425 : memref<128xi32, #tpu.memory_space<hbm>>) target(%dma_start3A_422 : memref<128xi32, #tpu.memory_space<vmem>>) target_semaphore(%arg14 : memref<!tpu.dma_semaphore, #tpu.memory_space<semaphore_mem>>)
      %dma_wait3A_426 = arith.constant 0 : i32
      %dma_wait3A_427 = arith.constant 0 : i32
      %dma_wait3A_428 = arith.constant 3 : i32
      %dma_wait3A_429 = arith.constant 0 : i32
      %dma_wait3A_430 = tpu.memref_slice %arg7[%dma_wait3A_428, %dma_wait3A_429] : memref<4x128xi32, #tpu.memory_space<vmem>> -> memref<1x128xi32, #tpu.memory_space<vmem>>
      %dma_wait3A_431 = tpu.memref_squeeze %dma_wait3A_430 : memref<1x128xi32, #tpu.memory_space<vmem>> -> memref<128xi32, #tpu.memory_space<vmem>>
      %dma_wait3A_432 = arith.constant 0 : i32
      %dma_wait3A_433 = tpu.memref_slice %arg3[%dma_wait3A_426, %dma_wait3A_427, %dma_wait3A_432] : memref<32x80x128xi32, #tpu.memory_space<hbm>> -> memref<1x1x128xi32, #tpu.memory_space<hbm>>
      %dma_wait3A_434 = tpu.memref_squeeze %dma_wait3A_433 : memref<1x1x128xi32, #tpu.memory_space<hbm>> -> memref<128xi32, #tpu.memory_space<hbm>>
      %dma_wait3A_435 = arith.constant 0 : i32
      %dma_wait3A_436 = tpu.memref_slice %arg7[%dma_wait3A_428, %dma_wait3A_435] : memref<4x128xi32, #tpu.memory_space<vmem>> -> memref<1x128xi32, #tpu.memory_space<vmem>>
      %dma_wait3A_437 = tpu.memref_squeeze %dma_wait3A_436 : memref<1x128xi32, #tpu.memory_space<vmem>> -> memref<128xi32, #tpu.memory_space<vmem>>
      %dma_wait3A_438 = arith.constant 0 : i32
      %dma_wait3A_439 = tpu.memref_slice %arg3[%dma_wait3A_426, %dma_wait3A_427, %dma_wait3A_438] : memref<32x80x128xi32, #tpu.memory_space<hbm>> -> memref<1x1x128xi32, #tpu.memory_space<hbm>>
      %dma_wait3A_440 = tpu.memref_squeeze %dma_wait3A_439 : memref<1x1x128xi32, #tpu.memory_space<hbm>> -> memref<128xi32, #tpu.memory_space<hbm>>
      tpu.wait_dma2 semaphore(%arg16 : memref<!tpu.dma_semaphore, #tpu.memory_space<semaphore_mem>>) src(%dma_wait3A_440 : memref<128xi32, #tpu.memory_space<hbm>>) dst(%dma_wait3A_437 : memref<128xi32, #tpu.memory_space<vmem>>)
      %dma_wait3A_441 = arith.constant 0 : i32
      %dma_wait3A_442 = arith.constant 0 : i32
      %dma_wait3A_443 = arith.constant 3 : i32
      %dma_wait3A_444 = arith.constant 0 : i32
      %dma_wait3A_445 = tpu.memref_slice %arg8[%dma_wait3A_443, %dma_wait3A_444] : memref<4x128xi32, #tpu.memory_space<vmem>> -> memref<1x128xi32, #tpu.memory_space<vmem>>
      %dma_wait3A_446 = tpu.memref_squeeze %dma_wait3A_445 : memref<1x128xi32, #tpu.memory_space<vmem>> -> memref<128xi32, #tpu.memory_space<vmem>>
      %dma_wait3A_447 = arith.constant 0 : i32
      %dma_wait3A_448 = tpu.memref_slice %arg4[%dma_wait3A_441, %dma_wait3A_442, %dma_wait3A_447] : memref<32x80x128xi32, #tpu.memory_space<hbm>> -> memref<1x1x128xi32, #tpu.memory_space<hbm>>
      %dma_wait3A_449 = tpu.memref_squeeze %dma_wait3A_448 : memref<1x1x128xi32, #tpu.memory_space<hbm>> -> memref<128xi32, #tpu.memory_space<hbm>>
      %dma_wait3A_450 = arith.constant 0 : i32
      %dma_wait3A_451 = tpu.memref_slice %arg8[%dma_wait3A_443, %dma_wait3A_450] : memref<4x128xi32, #tpu.memory_space<vmem>> -> memref<1x128xi32, #tpu.memory_space<vmem>>
      %dma_wait3A_452 = tpu.memref_squeeze %dma_wait3A_451 : memref<1x128xi32, #tpu.memory_space<vmem>> -> memref<128xi32, #tpu.memory_space<vmem>>
      %dma_wait3A_453 = arith.constant 0 : i32
      %dma_wait3A_454 = tpu.memref_slice %arg4[%dma_wait3A_441, %dma_wait3A_442, %dma_wait3A_453] : memref<32x80x128xi32, #tpu.memory_space<hbm>> -> memref<1x1x128xi32, #tpu.memory_space<hbm>>
      %dma_wait3A_455 = tpu.memref_squeeze %dma_wait3A_454 : memref<1x1x128xi32, #tpu.memory_space<hbm>> -> memref<128xi32, #tpu.memory_space<hbm>>
      tpu.wait_dma2 semaphore(%arg16 : memref<!tpu.dma_semaphore, #tpu.memory_space<semaphore_mem>>) src(%dma_wait3A_455 : memref<128xi32, #tpu.memory_space<hbm>>) dst(%dma_wait3A_452 : memref<128xi32, #tpu.memory_space<vmem>>)
      %dma_start3A_456 = arith.constant 3 : i32
      %dma_start3A_457 = arith.constant 1 : i32
      %dma_start3A_458 = arith.constant 0 : i32
      %dma_start3A_459 = arith.constant 0 : i32
      %dma_start3A_460 = tpu.memref_slice %arg9[%dma_start3A_457, %dma_start3A_458, %dma_start3A_459] : memref<2x128x128xf32, #tpu.memory_space<vmem>> -> memref<1x128x128xf32, #tpu.memory_space<vmem>>
      %dma_start3A_461 = tpu.memref_squeeze %dma_start3A_460 : memref<1x128x128xf32, #tpu.memory_space<vmem>> -> memref<128x128xf32, #tpu.memory_space<vmem>>
      %dma_start3A_462 = arith.constant 0 : i32
      %dma_start3A_463 = tpu.memref_slice %arg7[%dma_start3A_456, %dma_start3A_462] : memref<4x128xi32, #tpu.memory_space<vmem>> -> memref<1x128xi32, #tpu.memory_space<vmem>>
      %dma_start3A_464 = tpu.memref_squeeze %dma_start3A_463 : memref<1x128xi32, #tpu.memory_space<vmem>> -> memref<128xi32, #tpu.memory_space<vmem>>
      %dma_start3A_465 = arith.constant 0 : i32
      %dma_start3A_466 = arith.constant 0 : i32
      %dma_start3A_467 = tpu.memref_slice %arg2[%dma_start3A_465, %dma_start3A_466] : memref<10016x128xf32, #tpu.memory_space<hbm>> -> memref<10016x128xf32, #tpu.memory_space<hbm>>
      tpu.enqueue_indirect_dma source(%dma_start3A_467 : memref<10016x128xf32, #tpu.memory_space<hbm>>) target(%dma_start3A_461 : memref<128x128xf32, #tpu.memory_space<vmem>>) offsets(%dma_start3A_464 : memref<128xi32, #tpu.memory_space<vmem>>) semaphore(%arg12 : memref<!tpu.dma_semaphore, #tpu.memory_space<semaphore_mem>>)
      %mul3A_468 = arith.constant 4 : i32
      %mul3A_469 = arith.muli %mul3A_468, %scan3A_289 : i32
      %add3A_470 = arith.constant 2 : i32
      %add3A_471 = arith.addi %mul3A_469, %add3A_470 : i32
      %dma_wait3A_472 = arith.constant 0 : i32
      %dma_wait3A_473 = arith.constant 0 : i32
      %dma_wait3A_474 = arith.constant 0 : i32
      %dma_wait3A_475 = arith.constant 0 : i32
      %dma_wait3A_476 = tpu.memref_slice %arg9[%dma_wait3A_473, %dma_wait3A_474, %dma_wait3A_475] : memref<2x128x128xf32, #tpu.memory_space<vmem>> -> memref<1x128x128xf32, #tpu.memory_space<vmem>>
      %dma_wait3A_477 = tpu.memref_squeeze %dma_wait3A_476 : memref<1x128x128xf32, #tpu.memory_space<vmem>> -> memref<128x128xf32, #tpu.memory_space<vmem>>
      %dma_wait3A_478 = arith.constant 0 : i32
      %dma_wait3A_479 = tpu.memref_slice %arg7[%dma_wait3A_472, %dma_wait3A_478] : memref<4x128xi32, #tpu.memory_space<vmem>> -> memref<1x128xi32, #tpu.memory_space<vmem>>
      %dma_wait3A_480 = tpu.memref_squeeze %dma_wait3A_479 : memref<1x128xi32, #tpu.memory_space<vmem>> -> memref<128xi32, #tpu.memory_space<vmem>>
      %dma_wait3A_481 = arith.constant 0 : i32
      %dma_wait3A_482 = arith.constant 0 : i32
      %dma_wait3A_483 = tpu.memref_slice %arg2[%dma_wait3A_481, %dma_wait3A_482] : memref<10016x128xf32, #tpu.memory_space<hbm>> -> memref<10016x128xf32, #tpu.memory_space<hbm>>
      tpu.wait_indirect_dma semaphore(%arg11 : memref<!tpu.dma_semaphore, #tpu.memory_space<semaphore_mem>>) src(%dma_wait3A_483 : memref<10016x128xf32, #tpu.memory_space<hbm>>) dst(%dma_wait3A_477 : memref<128x128xf32, #tpu.memory_space<vmem>>)
      %run_scoped3A_484 = arith.constant 0 : i32
      %run_scoped3A_485 = arith.constant 2 : i32
      "tpu.region"() ({
        %run_scoped3A_648 = tpu.sem_alloc : memref<!tpu.dma_semaphore, #tpu.memory_space<semaphore_mem>>
        %dma_start3A_649 = arith.constant 0 : i32
        %dma_start3A_650 = arith.constant 0 : i32
        %dma_start3A_651 = tpu.memref_slice %arg9[%run_scoped3A_484, %dma_start3A_649, %dma_start3A_650] : memref<2x128x128xf32, #tpu.memory_space<vmem>> -> memref<1x128x128xf32, #tpu.memory_space<vmem>>
        %dma_start3A_652 = tpu.memref_squeeze %dma_start3A_651 : memref<1x128x128xf32, #tpu.memory_space<vmem>> -> memref<128x128xf32, #tpu.memory_space<vmem>>
        %dma_start3A_653 = arith.constant 0 : i32
        %dma_start3A_654 = tpu.memref_slice %arg8[%run_scoped3A_485, %dma_start3A_653] : memref<4x128xi32, #tpu.memory_space<vmem>> -> memref<1x128xi32, #tpu.memory_space<vmem>>
        %dma_start3A_655 = tpu.memref_squeeze %dma_start3A_654 : memref<1x128xi32, #tpu.memory_space<vmem>> -> memref<128xi32, #tpu.memory_space<vmem>>
        %dma_start3A_656 = arith.constant 0 : i32
        %dma_start3A_657 = arith.constant 0 : i32
        %dma_start3A_658 = tpu.memref_slice %arg10[%dma_start3A_656, %dma_start3A_657] : memref<10016x128xf32, #tpu.memory_space<vmem_shared>> -> memref<10016x128xf32, #tpu.memory_space<vmem_shared>>
        tpu.enqueue_indirect_dma source(%dma_start3A_652 : memref<128x128xf32, #tpu.memory_space<vmem>>) target(%dma_start3A_658 : memref<10016x128xf32, #tpu.memory_space<vmem_shared>>) offsets(%dma_start3A_655 : memref<128xi32, #tpu.memory_space<vmem>>) semaphore(%run_scoped3A_648 : memref<!tpu.dma_semaphore, #tpu.memory_space<semaphore_mem>>) {add = true}
        %dma_wait3A_659 = arith.constant 0 : i32
        %dma_wait3A_660 = arith.constant 0 : i32
        %dma_wait3A_661 = tpu.memref_slice %arg9[%run_scoped3A_484, %dma_wait3A_659, %dma_wait3A_660] : memref<2x128x128xf32, #tpu.memory_space<vmem>> -> memref<1x128x128xf32, #tpu.memory_space<vmem>>
        %dma_wait3A_662 = tpu.memref_squeeze %dma_wait3A_661 : memref<1x128x128xf32, #tpu.memory_space<vmem>> -> memref<128x128xf32, #tpu.memory_space<vmem>>
        %dma_wait3A_663 = arith.constant 0 : i32
        %dma_wait3A_664 = tpu.memref_slice %arg8[%run_scoped3A_485, %dma_wait3A_663] : memref<4x128xi32, #tpu.memory_space<vmem>> -> memref<1x128xi32, #tpu.memory_space<vmem>>
        %dma_wait3A_665 = tpu.memref_squeeze %dma_wait3A_664 : memref<1x128xi32, #tpu.memory_space<vmem>> -> memref<128xi32, #tpu.memory_space<vmem>>
        %dma_wait3A_666 = arith.constant 0 : i32
        %dma_wait3A_667 = arith.constant 0 : i32
        %dma_wait3A_668 = tpu.memref_slice %arg10[%dma_wait3A_666, %dma_wait3A_667] : memref<10016x128xf32, #tpu.memory_space<vmem_shared>> -> memref<10016x128xf32, #tpu.memory_space<vmem_shared>>
        tpu.wait_indirect_dma semaphore(%run_scoped3A_648 : memref<!tpu.dma_semaphore, #tpu.memory_space<semaphore_mem>>) src(%dma_wait3A_662 : memref<128x128xf32, #tpu.memory_space<vmem>>) dst(%dma_wait3A_668 : memref<10016x128xf32, #tpu.memory_space<vmem_shared>>)
        tpu.yield
      }) : () -> ()
      %add3A_486 = arith.constant 4 : i32
      %add3A_487 = arith.addi %add3A_471, %add3A_486 : i32
      %min3A_488 = arith.constant 79 : i32
      %min3A_489 = arith.minsi %add3A_487, %min3A_488 : i32
      %dma_start3A_490 = arith.constant 2 : i32
      %dma_start3A_491 = arith.constant 0 : i32
      %dma_start3A_492 = tpu.memref_slice %arg7[%dma_start3A_490, %dma_start3A_491] : memref<4x128xi32, #tpu.memory_space<vmem>> -> memref<1x128xi32, #tpu.memory_space<vmem>>
      %dma_start3A_493 = tpu.memref_squeeze %dma_start3A_492 : memref<1x128xi32, #tpu.memory_space<vmem>> -> memref<128xi32, #tpu.memory_space<vmem>>
      %dma_start3A_494 = arith.constant 0 : i32
      %dma_start3A_495 = tpu.memref_slice %arg3[%add3A, %min3A_489, %dma_start3A_494] : memref<32x80x128xi32, #tpu.memory_space<hbm>> -> memref<1x1x128xi32, #tpu.memory_space<hbm>>
      %dma_start3A_496 = tpu.memref_squeeze %dma_start3A_495 : memref<1x1x128xi32, #tpu.memory_space<hbm>> -> memref<128xi32, #tpu.memory_space<hbm>>
      %dma_start3A_497 = arith.constant 0 : i32
      %dma_start3A_498 = tpu.memref_slice %arg7[%dma_start3A_490, %dma_start3A_497] : memref<4x128xi32, #tpu.memory_space<vmem>> -> memref<1x128xi32, #tpu.memory_space<vmem>>
      %dma_start3A_499 = tpu.memref_squeeze %dma_start3A_498 : memref<1x128xi32, #tpu.memory_space<vmem>> -> memref<128xi32, #tpu.memory_space<vmem>>
      %dma_start3A_500 = arith.constant 0 : i32
      %dma_start3A_501 = tpu.memref_slice %arg3[%add3A, %min3A_489, %dma_start3A_500] : memref<32x80x128xi32, #tpu.memory_space<hbm>> -> memref<1x1x128xi32, #tpu.memory_space<hbm>>
      %dma_start3A_502 = tpu.memref_squeeze %dma_start3A_501 : memref<1x1x128xi32, #tpu.memory_space<hbm>> -> memref<128xi32, #tpu.memory_space<hbm>>
      tpu.enqueue_dma source(%dma_start3A_502 : memref<128xi32, #tpu.memory_space<hbm>>) target(%dma_start3A_499 : memref<128xi32, #tpu.memory_space<vmem>>) target_semaphore(%arg15 : memref<!tpu.dma_semaphore, #tpu.memory_space<semaphore_mem>>)
      %dma_start3A_503 = arith.constant 2 : i32
      %dma_start3A_504 = arith.constant 0 : i32
      %dma_start3A_505 = tpu.memref_slice %arg8[%dma_start3A_503, %dma_start3A_504] : memref<4x128xi32, #tpu.memory_space<vmem>> -> memref<1x128xi32, #tpu.memory_space<vmem>>
      %dma_start3A_506 = tpu.memref_squeeze %dma_start3A_505 : memref<1x128xi32, #tpu.memory_space<vmem>> -> memref<128xi32, #tpu.memory_space<vmem>>
      %dma_start3A_507 = arith.constant 0 : i32
      %dma_start3A_508 = tpu.memref_slice %arg4[%add3A, %min3A_489, %dma_start3A_507] : memref<32x80x128xi32, #tpu.memory_space<hbm>> -> memref<1x1x128xi32, #tpu.memory_space<hbm>>
      %dma_start3A_509 = tpu.memref_squeeze %dma_start3A_508 : memref<1x1x128xi32, #tpu.memory_space<hbm>> -> memref<128xi32, #tpu.memory_space<hbm>>
      %dma_start3A_510 = arith.constant 0 : i32
      %dma_start3A_511 = tpu.memref_slice %arg8[%dma_start3A_503, %dma_start3A_510] : memref<4x128xi32, #tpu.memory_space<vmem>> -> memref<1x128xi32, #tpu.memory_space<vmem>>
      %dma_start3A_512 = tpu.memref_squeeze %dma_start3A_511 : memref<1x128xi32, #tpu.memory_space<vmem>> -> memref<128xi32, #tpu.memory_space<vmem>>
      %dma_start3A_513 = arith.constant 0 : i32
      %dma_start3A_514 = tpu.memref_slice %arg4[%add3A, %min3A_489, %dma_start3A_513] : memref<32x80x128xi32, #tpu.memory_space<hbm>> -> memref<1x1x128xi32, #tpu.memory_space<hbm>>
      %dma_start3A_515 = tpu.memref_squeeze %dma_start3A_514 : memref<1x1x128xi32, #tpu.memory_space<hbm>> -> memref<128xi32, #tpu.memory_space<hbm>>
      tpu.enqueue_dma source(%dma_start3A_515 : memref<128xi32, #tpu.memory_space<hbm>>) target(%dma_start3A_512 : memref<128xi32, #tpu.memory_space<vmem>>) target_semaphore(%arg15 : memref<!tpu.dma_semaphore, #tpu.memory_space<semaphore_mem>>)
      %dma_wait3A_516 = arith.constant 0 : i32
      %dma_wait3A_517 = arith.constant 0 : i32
      %dma_wait3A_518 = arith.constant 0 : i32
      %dma_wait3A_519 = arith.constant 0 : i32
      %dma_wait3A_520 = tpu.memref_slice %arg7[%dma_wait3A_518, %dma_wait3A_519] : memref<4x128xi32, #tpu.memory_space<vmem>> -> memref<1x128xi32, #tpu.memory_space<vmem>>
      %dma_wait3A_521 = tpu.memref_squeeze %dma_wait3A_520 : memref<1x128xi32, #tpu.memory_space<vmem>> -> memref<128xi32, #tpu.memory_space<vmem>>
      %dma_wait3A_522 = arith.constant 0 : i32
      %dma_wait3A_523 = tpu.memref_slice %arg3[%dma_wait3A_516, %dma_wait3A_517, %dma_wait3A_522] : memref<32x80x128xi32, #tpu.memory_space<hbm>> -> memref<1x1x128xi32, #tpu.memory_space<hbm>>
      %dma_wait3A_524 = tpu.memref_squeeze %dma_wait3A_523 : memref<1x1x128xi32, #tpu.memory_space<hbm>> -> memref<128xi32, #tpu.memory_space<hbm>>
      %dma_wait3A_525 = arith.constant 0 : i32
      %dma_wait3A_526 = tpu.memref_slice %arg7[%dma_wait3A_518, %dma_wait3A_525] : memref<4x128xi32, #tpu.memory_space<vmem>> -> memref<1x128xi32, #tpu.memory_space<vmem>>
      %dma_wait3A_527 = tpu.memref_squeeze %dma_wait3A_526 : memref<1x128xi32, #tpu.memory_space<vmem>> -> memref<128xi32, #tpu.memory_space<vmem>>
      %dma_wait3A_528 = arith.constant 0 : i32
      %dma_wait3A_529 = tpu.memref_slice %arg3[%dma_wait3A_516, %dma_wait3A_517, %dma_wait3A_528] : memref<32x80x128xi32, #tpu.memory_space<hbm>> -> memref<1x1x128xi32, #tpu.memory_space<hbm>>
      %dma_wait3A_530 = tpu.memref_squeeze %dma_wait3A_529 : memref<1x1x128xi32, #tpu.memory_space<hbm>> -> memref<128xi32, #tpu.memory_space<hbm>>
      tpu.wait_dma2 semaphore(%arg13 : memref<!tpu.dma_semaphore, #tpu.memory_space<semaphore_mem>>) src(%dma_wait3A_530 : memref<128xi32, #tpu.memory_space<hbm>>) dst(%dma_wait3A_527 : memref<128xi32, #tpu.memory_space<vmem>>)
      %dma_wait3A_531 = arith.constant 0 : i32
      %dma_wait3A_532 = arith.constant 0 : i32
      %dma_wait3A_533 = arith.constant 0 : i32
      %dma_wait3A_534 = arith.constant 0 : i32
      %dma_wait3A_535 = tpu.memref_slice %arg8[%dma_wait3A_533, %dma_wait3A_534] : memref<4x128xi32, #tpu.memory_space<vmem>> -> memref<1x128xi32, #tpu.memory_space<vmem>>
      %dma_wait3A_536 = tpu.memref_squeeze %dma_wait3A_535 : memref<1x128xi32, #tpu.memory_space<vmem>> -> memref<128xi32, #tpu.memory_space<vmem>>
      %dma_wait3A_537 = arith.constant 0 : i32
      %dma_wait3A_538 = tpu.memref_slice %arg4[%dma_wait3A_531, %dma_wait3A_532, %dma_wait3A_537] : memref<32x80x128xi32, #tpu.memory_space<hbm>> -> memref<1x1x128xi32, #tpu.memory_space<hbm>>
      %dma_wait3A_539 = tpu.memref_squeeze %dma_wait3A_538 : memref<1x1x128xi32, #tpu.memory_space<hbm>> -> memref<128xi32, #tpu.memory_space<hbm>>
      %dma_wait3A_540 = arith.constant 0 : i32
      %dma_wait3A_541 = tpu.memref_slice %arg8[%dma_wait3A_533, %dma_wait3A_540] : memref<4x128xi32, #tpu.memory_space<vmem>> -> memref<1x128xi32, #tpu.memory_space<vmem>>
      %dma_wait3A_542 = tpu.memref_squeeze %dma_wait3A_541 : memref<1x128xi32, #tpu.memory_space<vmem>> -> memref<128xi32, #tpu.memory_space<vmem>>
      %dma_wait3A_543 = arith.constant 0 : i32
      %dma_wait3A_544 = tpu.memref_slice %arg4[%dma_wait3A_531, %dma_wait3A_532, %dma_wait3A_543] : memref<32x80x128xi32, #tpu.memory_space<hbm>> -> memref<1x1x128xi32, #tpu.memory_space<hbm>>
      %dma_wait3A_545 = tpu.memref_squeeze %dma_wait3A_544 : memref<1x1x128xi32, #tpu.memory_space<hbm>> -> memref<128xi32, #tpu.memory_space<hbm>>
      tpu.wait_dma2 semaphore(%arg13 : memref<!tpu.dma_semaphore, #tpu.memory_space<semaphore_mem>>) src(%dma_wait3A_545 : memref<128xi32, #tpu.memory_space<hbm>>) dst(%dma_wait3A_542 : memref<128xi32, #tpu.memory_space<vmem>>)
      %dma_start3A_546 = arith.constant 0 : i32
      %dma_start3A_547 = arith.constant 0 : i32
      %dma_start3A_548 = arith.constant 0 : i32
      %dma_start3A_549 = arith.constant 0 : i32
      %dma_start3A_550 = tpu.memref_slice %arg9[%dma_start3A_547, %dma_start3A_548, %dma_start3A_549] : memref<2x128x128xf32, #tpu.memory_space<vmem>> -> memref<1x128x128xf32, #tpu.memory_space<vmem>>
      %dma_start3A_551 = tpu.memref_squeeze %dma_start3A_550 : memref<1x128x128xf32, #tpu.memory_space<vmem>> -> memref<128x128xf32, #tpu.memory_space<vmem>>
      %dma_start3A_552 = arith.constant 0 : i32
      %dma_start3A_553 = tpu.memref_slice %arg7[%dma_start3A_546, %dma_start3A_552] : memref<4x128xi32, #tpu.memory_space<vmem>> -> memref<1x128xi32, #tpu.memory_space<vmem>>
      %dma_start3A_554 = tpu.memref_squeeze %dma_start3A_553 : memref<1x128xi32, #tpu.memory_space<vmem>> -> memref<128xi32, #tpu.memory_space<vmem>>
      %dma_start3A_555 = arith.constant 0 : i32
      %dma_start3A_556 = arith.constant 0 : i32
      %dma_start3A_557 = tpu.memref_slice %arg2[%dma_start3A_555, %dma_start3A_556] : memref<10016x128xf32, #tpu.memory_space<hbm>> -> memref<10016x128xf32, #tpu.memory_space<hbm>>
      tpu.enqueue_indirect_dma source(%dma_start3A_557 : memref<10016x128xf32, #tpu.memory_space<hbm>>) target(%dma_start3A_551 : memref<128x128xf32, #tpu.memory_space<vmem>>) offsets(%dma_start3A_554 : memref<128xi32, #tpu.memory_space<vmem>>) semaphore(%arg11 : memref<!tpu.dma_semaphore, #tpu.memory_space<semaphore_mem>>)
      %mul3A_558 = arith.constant 4 : i32
      %mul3A_559 = arith.muli %mul3A_558, %scan3A_289 : i32
      %add3A_560 = arith.constant 3 : i32
      %add3A_561 = arith.addi %mul3A_559, %add3A_560 : i32
      %dma_wait3A_562 = arith.constant 0 : i32
      %dma_wait3A_563 = arith.constant 1 : i32
      %dma_wait3A_564 = arith.constant 0 : i32
      %dma_wait3A_565 = arith.constant 0 : i32
      %dma_wait3A_566 = tpu.memref_slice %arg9[%dma_wait3A_563, %dma_wait3A_564, %dma_wait3A_565] : memref<2x128x128xf32, #tpu.memory_space<vmem>> -> memref<1x128x128xf32, #tpu.memory_space<vmem>>
      %dma_wait3A_567 = tpu.memref_squeeze %dma_wait3A_566 : memref<1x128x128xf32, #tpu.memory_space<vmem>> -> memref<128x128xf32, #tpu.memory_space<vmem>>
      %dma_wait3A_568 = arith.constant 0 : i32
      %dma_wait3A_569 = tpu.memref_slice %arg7[%dma_wait3A_562, %dma_wait3A_568] : memref<4x128xi32, #tpu.memory_space<vmem>> -> memref<1x128xi32, #tpu.memory_space<vmem>>
      %dma_wait3A_570 = tpu.memref_squeeze %dma_wait3A_569 : memref<1x128xi32, #tpu.memory_space<vmem>> -> memref<128xi32, #tpu.memory_space<vmem>>
      %dma_wait3A_571 = arith.constant 0 : i32
      %dma_wait3A_572 = arith.constant 0 : i32
      %dma_wait3A_573 = tpu.memref_slice %arg2[%dma_wait3A_571, %dma_wait3A_572] : memref<10016x128xf32, #tpu.memory_space<hbm>> -> memref<10016x128xf32, #tpu.memory_space<hbm>>
      tpu.wait_indirect_dma semaphore(%arg12 : memref<!tpu.dma_semaphore, #tpu.memory_space<semaphore_mem>>) src(%dma_wait3A_573 : memref<10016x128xf32, #tpu.memory_space<hbm>>) dst(%dma_wait3A_567 : memref<128x128xf32, #tpu.memory_space<vmem>>)
      %run_scoped3A_574 = arith.constant 1 : i32
      %run_scoped3A_575 = arith.constant 3 : i32
      "tpu.region"() ({
        %run_scoped3A_648 = tpu.sem_alloc : memref<!tpu.dma_semaphore, #tpu.memory_space<semaphore_mem>>
        %dma_start3A_649 = arith.constant 0 : i32
        %dma_start3A_650 = arith.constant 0 : i32
        %dma_start3A_651 = tpu.memref_slice %arg9[%run_scoped3A_574, %dma_start3A_649, %dma_start3A_650] : memref<2x128x128xf32, #tpu.memory_space<vmem>> -> memref<1x128x128xf32, #tpu.memory_space<vmem>>
        %dma_start3A_652 = tpu.memref_squeeze %dma_start3A_651 : memref<1x128x128xf32, #tpu.memory_space<vmem>> -> memref<128x128xf32, #tpu.memory_space<vmem>>
        %dma_start3A_653 = arith.constant 0 : i32
        %dma_start3A_654 = tpu.memref_slice %arg8[%run_scoped3A_575, %dma_start3A_653] : memref<4x128xi32, #tpu.memory_space<vmem>> -> memref<1x128xi32, #tpu.memory_space<vmem>>
        %dma_start3A_655 = tpu.memref_squeeze %dma_start3A_654 : memref<1x128xi32, #tpu.memory_space<vmem>> -> memref<128xi32, #tpu.memory_space<vmem>>
        %dma_start3A_656 = arith.constant 0 : i32
        %dma_start3A_657 = arith.constant 0 : i32
        %dma_start3A_658 = tpu.memref_slice %arg10[%dma_start3A_656, %dma_start3A_657] : memref<10016x128xf32, #tpu.memory_space<vmem_shared>> -> memref<10016x128xf32, #tpu.memory_space<vmem_shared>>
        tpu.enqueue_indirect_dma source(%dma_start3A_652 : memref<128x128xf32, #tpu.memory_space<vmem>>) target(%dma_start3A_658 : memref<10016x128xf32, #tpu.memory_space<vmem_shared>>) offsets(%dma_start3A_655 : memref<128xi32, #tpu.memory_space<vmem>>) semaphore(%run_scoped3A_648 : memref<!tpu.dma_semaphore, #tpu.memory_space<semaphore_mem>>) {add = true}
        %dma_wait3A_659 = arith.constant 0 : i32
        %dma_wait3A_660 = arith.constant 0 : i32
        %dma_wait3A_661 = tpu.memref_slice %arg9[%run_scoped3A_574, %dma_wait3A_659, %dma_wait3A_660] : memref<2x128x128xf32, #tpu.memory_space<vmem>> -> memref<1x128x128xf32, #tpu.memory_space<vmem>>
        %dma_wait3A_662 = tpu.memref_squeeze %dma_wait3A_661 : memref<1x128x128xf32, #tpu.memory_space<vmem>> -> memref<128x128xf32, #tpu.memory_space<vmem>>
        %dma_wait3A_663 = arith.constant 0 : i32
        %dma_wait3A_664 = tpu.memref_slice %arg8[%run_scoped3A_575, %dma_wait3A_663] : memref<4x128xi32, #tpu.memory_space<vmem>> -> memref<1x128xi32, #tpu.memory_space<vmem>>
        %dma_wait3A_665 = tpu.memref_squeeze %dma_wait3A_664 : memref<1x128xi32, #tpu.memory_space<vmem>> -> memref<128xi32, #tpu.memory_space<vmem>>
        %dma_wait3A_666 = arith.constant 0 : i32
        %dma_wait3A_667 = arith.constant 0 : i32
        %dma_wait3A_668 = tpu.memref_slice %arg10[%dma_wait3A_666, %dma_wait3A_667] : memref<10016x128xf32, #tpu.memory_space<vmem_shared>> -> memref<10016x128xf32, #tpu.memory_space<vmem_shared>>
        tpu.wait_indirect_dma semaphore(%run_scoped3A_648 : memref<!tpu.dma_semaphore, #tpu.memory_space<semaphore_mem>>) src(%dma_wait3A_662 : memref<128x128xf32, #tpu.memory_space<vmem>>) dst(%dma_wait3A_668 : memref<10016x128xf32, #tpu.memory_space<vmem_shared>>)
        tpu.yield
      }) : () -> ()
      %add3A_576 = arith.constant 4 : i32
      %add3A_577 = arith.addi %add3A_561, %add3A_576 : i32
      %min3A_578 = arith.constant 79 : i32
      %min3A_579 = arith.minsi %add3A_577, %min3A_578 : i32
      %dma_start3A_580 = arith.constant 3 : i32
      %dma_start3A_581 = arith.constant 0 : i32
      %dma_start3A_582 = tpu.memref_slice %arg7[%dma_start3A_580, %dma_start3A_581] : memref<4x128xi32, #tpu.memory_space<vmem>> -> memref<1x128xi32, #tpu.memory_space<vmem>>
      %dma_start3A_583 = tpu.memref_squeeze %dma_start3A_582 : memref<1x128xi32, #tpu.memory_space<vmem>> -> memref<128xi32, #tpu.memory_space<vmem>>
      %dma_start3A_584 = arith.constant 0 : i32
      %dma_start3A_585 = tpu.memref_slice %arg3[%add3A, %min3A_579, %dma_start3A_584] : memref<32x80x128xi32, #tpu.memory_space<hbm>> -> memref<1x1x128xi32, #tpu.memory_space<hbm>>
      %dma_start3A_586 = tpu.memref_squeeze %dma_start3A_585 : memref<1x1x128xi32, #tpu.memory_space<hbm>> -> memref<128xi32, #tpu.memory_space<hbm>>
      %dma_start3A_587 = arith.constant 0 : i32
      %dma_start3A_588 = tpu.memref_slice %arg7[%dma_start3A_580, %dma_start3A_587] : memref<4x128xi32, #tpu.memory_space<vmem>> -> memref<1x128xi32, #tpu.memory_space<vmem>>
      %dma_start3A_589 = tpu.memref_squeeze %dma_start3A_588 : memref<1x128xi32, #tpu.memory_space<vmem>> -> memref<128xi32, #tpu.memory_space<vmem>>
      %dma_start3A_590 = arith.constant 0 : i32
      %dma_start3A_591 = tpu.memref_slice %arg3[%add3A, %min3A_579, %dma_start3A_590] : memref<32x80x128xi32, #tpu.memory_space<hbm>> -> memref<1x1x128xi32, #tpu.memory_space<hbm>>
      %dma_start3A_592 = tpu.memref_squeeze %dma_start3A_591 : memref<1x1x128xi32, #tpu.memory_space<hbm>> -> memref<128xi32, #tpu.memory_space<hbm>>
      tpu.enqueue_dma source(%dma_start3A_592 : memref<128xi32, #tpu.memory_space<hbm>>) target(%dma_start3A_589 : memref<128xi32, #tpu.memory_space<vmem>>) target_semaphore(%arg16 : memref<!tpu.dma_semaphore, #tpu.memory_space<semaphore_mem>>)
      %dma_start3A_593 = arith.constant 3 : i32
      %dma_start3A_594 = arith.constant 0 : i32
      %dma_start3A_595 = tpu.memref_slice %arg8[%dma_start3A_593, %dma_start3A_594] : memref<4x128xi32, #tpu.memory_space<vmem>> -> memref<1x128xi32, #tpu.memory_space<vmem>>
      %dma_start3A_596 = tpu.memref_squeeze %dma_start3A_595 : memref<1x128xi32, #tpu.memory_space<vmem>> -> memref<128xi32, #tpu.memory_space<vmem>>
      %dma_start3A_597 = arith.constant 0 : i32
      %dma_start3A_598 = tpu.memref_slice %arg4[%add3A, %min3A_579, %dma_start3A_597] : memref<32x80x128xi32, #tpu.memory_space<hbm>> -> memref<1x1x128xi32, #tpu.memory_space<hbm>>
      %dma_start3A_599 = tpu.memref_squeeze %dma_start3A_598 : memref<1x1x128xi32, #tpu.memory_space<hbm>> -> memref<128xi32, #tpu.memory_space<hbm>>
      %dma_start3A_600 = arith.constant 0 : i32
      %dma_start3A_601 = tpu.memref_slice %arg8[%dma_start3A_593, %dma_start3A_600] : memref<4x128xi32, #tpu.memory_space<vmem>> -> memref<1x128xi32, #tpu.memory_space<vmem>>
      %dma_start3A_602 = tpu.memref_squeeze %dma_start3A_601 : memref<1x128xi32, #tpu.memory_space<vmem>> -> memref<128xi32, #tpu.memory_space<vmem>>
      %dma_start3A_603 = arith.constant 0 : i32
      %dma_start3A_604 = tpu.memref_slice %arg4[%add3A, %min3A_579, %dma_start3A_603] : memref<32x80x128xi32, #tpu.memory_space<hbm>> -> memref<1x1x128xi32, #tpu.memory_space<hbm>>
      %dma_start3A_605 = tpu.memref_squeeze %dma_start3A_604 : memref<1x1x128xi32, #tpu.memory_space<hbm>> -> memref<128xi32, #tpu.memory_space<hbm>>
      tpu.enqueue_dma source(%dma_start3A_605 : memref<128xi32, #tpu.memory_space<hbm>>) target(%dma_start3A_602 : memref<128xi32, #tpu.memory_space<vmem>>) target_semaphore(%arg16 : memref<!tpu.dma_semaphore, #tpu.memory_space<semaphore_mem>>)
      %dma_wait3A_606 = arith.constant 0 : i32
      %dma_wait3A_607 = arith.constant 0 : i32
      %dma_wait3A_608 = arith.constant 1 : i32
      %dma_wait3A_609 = arith.constant 0 : i32
      %dma_wait3A_610 = tpu.memref_slice %arg7[%dma_wait3A_608, %dma_wait3A_609] : memref<4x128xi32, #tpu.memory_space<vmem>> -> memref<1x128xi32, #tpu.memory_space<vmem>>
      %dma_wait3A_611 = tpu.memref_squeeze %dma_wait3A_610 : memref<1x128xi32, #tpu.memory_space<vmem>> -> memref<128xi32, #tpu.memory_space<vmem>>
      %dma_wait3A_612 = arith.constant 0 : i32
      %dma_wait3A_613 = tpu.memref_slice %arg3[%dma_wait3A_606, %dma_wait3A_607, %dma_wait3A_612] : memref<32x80x128xi32, #tpu.memory_space<hbm>> -> memref<1x1x128xi32, #tpu.memory_space<hbm>>
      %dma_wait3A_614 = tpu.memref_squeeze %dma_wait3A_613 : memref<1x1x128xi32, #tpu.memory_space<hbm>> -> memref<128xi32, #tpu.memory_space<hbm>>
      %dma_wait3A_615 = arith.constant 0 : i32
      %dma_wait3A_616 = tpu.memref_slice %arg7[%dma_wait3A_608, %dma_wait3A_615] : memref<4x128xi32, #tpu.memory_space<vmem>> -> memref<1x128xi32, #tpu.memory_space<vmem>>
      %dma_wait3A_617 = tpu.memref_squeeze %dma_wait3A_616 : memref<1x128xi32, #tpu.memory_space<vmem>> -> memref<128xi32, #tpu.memory_space<vmem>>
      %dma_wait3A_618 = arith.constant 0 : i32
      %dma_wait3A_619 = tpu.memref_slice %arg3[%dma_wait3A_606, %dma_wait3A_607, %dma_wait3A_618] : memref<32x80x128xi32, #tpu.memory_space<hbm>> -> memref<1x1x128xi32, #tpu.memory_space<hbm>>
      %dma_wait3A_620 = tpu.memref_squeeze %dma_wait3A_619 : memref<1x1x128xi32, #tpu.memory_space<hbm>> -> memref<128xi32, #tpu.memory_space<hbm>>
      tpu.wait_dma2 semaphore(%arg14 : memref<!tpu.dma_semaphore, #tpu.memory_space<semaphore_mem>>) src(%dma_wait3A_620 : memref<128xi32, #tpu.memory_space<hbm>>) dst(%dma_wait3A_617 : memref<128xi32, #tpu.memory_space<vmem>>)
      %dma_wait3A_621 = arith.constant 0 : i32
      %dma_wait3A_622 = arith.constant 0 : i32
      %dma_wait3A_623 = arith.constant 1 : i32
      %dma_wait3A_624 = arith.constant 0 : i32
      %dma_wait3A_625 = tpu.memref_slice %arg8[%dma_wait3A_623, %dma_wait3A_624] : memref<4x128xi32, #tpu.memory_space<vmem>> -> memref<1x128xi32, #tpu.memory_space<vmem>>
      %dma_wait3A_626 = tpu.memref_squeeze %dma_wait3A_625 : memref<1x128xi32, #tpu.memory_space<vmem>> -> memref<128xi32, #tpu.memory_space<vmem>>
      %dma_wait3A_627 = arith.constant 0 : i32
      %dma_wait3A_628 = tpu.memref_slice %arg4[%dma_wait3A_621, %dma_wait3A_622, %dma_wait3A_627] : memref<32x80x128xi32, #tpu.memory_space<hbm>> -> memref<1x1x128xi32, #tpu.memory_space<hbm>>
      %dma_wait3A_629 = tpu.memref_squeeze %dma_wait3A_628 : memref<1x1x128xi32, #tpu.memory_space<hbm>> -> memref<128xi32, #tpu.memory_space<hbm>>
      %dma_wait3A_630 = arith.constant 0 : i32
      %dma_wait3A_631 = tpu.memref_slice %arg8[%dma_wait3A_623, %dma_wait3A_630] : memref<4x128xi32, #tpu.memory_space<vmem>> -> memref<1x128xi32, #tpu.memory_space<vmem>>
      %dma_wait3A_632 = tpu.memref_squeeze %dma_wait3A_631 : memref<1x128xi32, #tpu.memory_space<vmem>> -> memref<128xi32, #tpu.memory_space<vmem>>
      %dma_wait3A_633 = arith.constant 0 : i32
      %dma_wait3A_634 = tpu.memref_slice %arg4[%dma_wait3A_621, %dma_wait3A_622, %dma_wait3A_633] : memref<32x80x128xi32, #tpu.memory_space<hbm>> -> memref<1x1x128xi32, #tpu.memory_space<hbm>>
      %dma_wait3A_635 = tpu.memref_squeeze %dma_wait3A_634 : memref<1x1x128xi32, #tpu.memory_space<hbm>> -> memref<128xi32, #tpu.memory_space<hbm>>
      tpu.wait_dma2 semaphore(%arg14 : memref<!tpu.dma_semaphore, #tpu.memory_space<semaphore_mem>>) src(%dma_wait3A_635 : memref<128xi32, #tpu.memory_space<hbm>>) dst(%dma_wait3A_632 : memref<128xi32, #tpu.memory_space<vmem>>)
      %dma_start3A_636 = arith.constant 1 : i32
      %dma_start3A_637 = arith.constant 1 : i32
      %dma_start3A_638 = arith.constant 0 : i32
      %dma_start3A_639 = arith.constant 0 : i32
      %dma_start3A_640 = tpu.memref_slice %arg9[%dma_start3A_637, %dma_start3A_638, %dma_start3A_639] : memref<2x128x128xf32, #tpu.memory_space<vmem>> -> memref<1x128x128xf32, #tpu.memory_space<vmem>>
      %dma_start3A_641 = tpu.memref_squeeze %dma_start3A_640 : memref<1x128x128xf32, #tpu.memory_space<vmem>> -> memref<128x128xf32, #tpu.memory_space<vmem>>
      %dma_start3A_642 = arith.constant 0 : i32
      %dma_start3A_643 = tpu.memref_slice %arg7[%dma_start3A_636, %dma_start3A_642] : memref<4x128xi32, #tpu.memory_space<vmem>> -> memref<1x128xi32, #tpu.memory_space<vmem>>
      %dma_start3A_644 = tpu.memref_squeeze %dma_start3A_643 : memref<1x128xi32, #tpu.memory_space<vmem>> -> memref<128xi32, #tpu.memory_space<vmem>>
      %dma_start3A_645 = arith.constant 0 : i32
      %dma_start3A_646 = arith.constant 0 : i32
      %dma_start3A_647 = tpu.memref_slice %arg2[%dma_start3A_645, %dma_start3A_646] : memref<10016x128xf32, #tpu.memory_space<hbm>> -> memref<10016x128xf32, #tpu.memory_space<hbm>>
      tpu.enqueue_indirect_dma source(%dma_start3A_647 : memref<10016x128xf32, #tpu.memory_space<hbm>>) target(%dma_start3A_641 : memref<128x128xf32, #tpu.memory_space<vmem>>) offsets(%dma_start3A_644 : memref<128xi32, #tpu.memory_space<vmem>>) semaphore(%arg12 : memref<!tpu.dma_semaphore, #tpu.memory_space<semaphore_mem>>)
    }
    %scan3A_201 = arith.constant 20 : i32
    %dma_wait3A_202 = arith.constant 0 : i32
    %dma_wait3A_203 = arith.constant 0 : i32
    %dma_wait3A_204 = arith.constant 2 : i32
    %dma_wait3A_205 = arith.constant 0 : i32
    %dma_wait3A_206 = tpu.memref_slice %arg7[%dma_wait3A_204, %dma_wait3A_205] : memref<4x128xi32, #tpu.memory_space<vmem>> -> memref<1x128xi32, #tpu.memory_space<vmem>>
    %dma_wait3A_207 = tpu.memref_squeeze %dma_wait3A_206 : memref<1x128xi32, #tpu.memory_space<vmem>> -> memref<128xi32, #tpu.memory_space<vmem>>
    %dma_wait3A_208 = arith.constant 0 : i32
    %dma_wait3A_209 = tpu.memref_slice %arg3[%dma_wait3A_202, %dma_wait3A_203, %dma_wait3A_208] : memref<32x80x128xi32, #tpu.memory_space<hbm>> -> memref<1x1x128xi32, #tpu.memory_space<hbm>>
    %dma_wait3A_210 = tpu.memref_squeeze %dma_wait3A_209 : memref<1x1x128xi32, #tpu.memory_space<hbm>> -> memref<128xi32, #tpu.memory_space<hbm>>
    %dma_wait3A_211 = arith.constant 0 : i32
    %dma_wait3A_212 = tpu.memref_slice %arg7[%dma_wait3A_204, %dma_wait3A_211] : memref<4x128xi32, #tpu.memory_space<vmem>> -> memref<1x128xi32, #tpu.memory_space<vmem>>
    %dma_wait3A_213 = tpu.memref_squeeze %dma_wait3A_212 : memref<1x128xi32, #tpu.memory_space<vmem>> -> memref<128xi32, #tpu.memory_space<vmem>>
    %dma_wait3A_214 = arith.constant 0 : i32
    %dma_wait3A_215 = tpu.memref_slice %arg3[%dma_wait3A_202, %dma_wait3A_203, %dma_wait3A_214] : memref<32x80x128xi32, #tpu.memory_space<hbm>> -> memref<1x1x128xi32, #tpu.memory_space<hbm>>
    %dma_wait3A_216 = tpu.memref_squeeze %dma_wait3A_215 : memref<1x1x128xi32, #tpu.memory_space<hbm>> -> memref<128xi32, #tpu.memory_space<hbm>>
    tpu.wait_dma2 semaphore(%arg15 : memref<!tpu.dma_semaphore, #tpu.memory_space<semaphore_mem>>) src(%dma_wait3A_216 : memref<128xi32, #tpu.memory_space<hbm>>) dst(%dma_wait3A_213 : memref<128xi32, #tpu.memory_space<vmem>>)
    %dma_wait3A_217 = arith.constant 0 : i32
    %dma_wait3A_218 = arith.constant 0 : i32
    %dma_wait3A_219 = arith.constant 2 : i32
    %dma_wait3A_220 = arith.constant 0 : i32
    %dma_wait3A_221 = tpu.memref_slice %arg8[%dma_wait3A_219, %dma_wait3A_220] : memref<4x128xi32, #tpu.memory_space<vmem>> -> memref<1x128xi32, #tpu.memory_space<vmem>>
    %dma_wait3A_222 = tpu.memref_squeeze %dma_wait3A_221 : memref<1x128xi32, #tpu.memory_space<vmem>> -> memref<128xi32, #tpu.memory_space<vmem>>
    %dma_wait3A_223 = arith.constant 0 : i32
    %dma_wait3A_224 = tpu.memref_slice %arg4[%dma_wait3A_217, %dma_wait3A_218, %dma_wait3A_223] : memref<32x80x128xi32, #tpu.memory_space<hbm>> -> memref<1x1x128xi32, #tpu.memory_space<hbm>>
    %dma_wait3A_225 = tpu.memref_squeeze %dma_wait3A_224 : memref<1x1x128xi32, #tpu.memory_space<hbm>> -> memref<128xi32, #tpu.memory_space<hbm>>
    %dma_wait3A_226 = arith.constant 0 : i32
    %dma_wait3A_227 = tpu.memref_slice %arg8[%dma_wait3A_219, %dma_wait3A_226] : memref<4x128xi32, #tpu.memory_space<vmem>> -> memref<1x128xi32, #tpu.memory_space<vmem>>
    %dma_wait3A_228 = tpu.memref_squeeze %dma_wait3A_227 : memref<1x128xi32, #tpu.memory_space<vmem>> -> memref<128xi32, #tpu.memory_space<vmem>>
    %dma_wait3A_229 = arith.constant 0 : i32
    %dma_wait3A_230 = tpu.memref_slice %arg4[%dma_wait3A_217, %dma_wait3A_218, %dma_wait3A_229] : memref<32x80x128xi32, #tpu.memory_space<hbm>> -> memref<1x1x128xi32, #tpu.memory_space<hbm>>
    %dma_wait3A_231 = tpu.memref_squeeze %dma_wait3A_230 : memref<1x1x128xi32, #tpu.memory_space<hbm>> -> memref<128xi32, #tpu.memory_space<hbm>>
    tpu.wait_dma2 semaphore(%arg15 : memref<!tpu.dma_semaphore, #tpu.memory_space<semaphore_mem>>) src(%dma_wait3A_231 : memref<128xi32, #tpu.memory_space<hbm>>) dst(%dma_wait3A_228 : memref<128xi32, #tpu.memory_space<vmem>>)
    %dma_wait3A_232 = arith.constant 0 : i32
    %dma_wait3A_233 = arith.constant 0 : i32
    %dma_wait3A_234 = arith.constant 3 : i32
    %dma_wait3A_235 = arith.constant 0 : i32
    %dma_wait3A_236 = tpu.memref_slice %arg7[%dma_wait3A_234, %dma_wait3A_235] : memref<4x128xi32, #tpu.memory_space<vmem>> -> memref<1x128xi32, #tpu.memory_space<vmem>>
    %dma_wait3A_237 = tpu.memref_squeeze %dma_wait3A_236 : memref<1x128xi32, #tpu.memory_space<vmem>> -> memref<128xi32, #tpu.memory_space<vmem>>
    %dma_wait3A_238 = arith.constant 0 : i32
    %dma_wait3A_239 = tpu.memref_slice %arg3[%dma_wait3A_232, %dma_wait3A_233, %dma_wait3A_238] : memref<32x80x128xi32, #tpu.memory_space<hbm>> -> memref<1x1x128xi32, #tpu.memory_space<hbm>>
    %dma_wait3A_240 = tpu.memref_squeeze %dma_wait3A_239 : memref<1x1x128xi32, #tpu.memory_space<hbm>> -> memref<128xi32, #tpu.memory_space<hbm>>
    %dma_wait3A_241 = arith.constant 0 : i32
    %dma_wait3A_242 = tpu.memref_slice %arg7[%dma_wait3A_234, %dma_wait3A_241] : memref<4x128xi32, #tpu.memory_space<vmem>> -> memref<1x128xi32, #tpu.memory_space<vmem>>
    %dma_wait3A_243 = tpu.memref_squeeze %dma_wait3A_242 : memref<1x128xi32, #tpu.memory_space<vmem>> -> memref<128xi32, #tpu.memory_space<vmem>>
    %dma_wait3A_244 = arith.constant 0 : i32
    %dma_wait3A_245 = tpu.memref_slice %arg3[%dma_wait3A_232, %dma_wait3A_233, %dma_wait3A_244] : memref<32x80x128xi32, #tpu.memory_space<hbm>> -> memref<1x1x128xi32, #tpu.memory_space<hbm>>
    %dma_wait3A_246 = tpu.memref_squeeze %dma_wait3A_245 : memref<1x1x128xi32, #tpu.memory_space<hbm>> -> memref<128xi32, #tpu.memory_space<hbm>>
    tpu.wait_dma2 semaphore(%arg16 : memref<!tpu.dma_semaphore, #tpu.memory_space<semaphore_mem>>) src(%dma_wait3A_246 : memref<128xi32, #tpu.memory_space<hbm>>) dst(%dma_wait3A_243 : memref<128xi32, #tpu.memory_space<vmem>>)
    %dma_wait3A_247 = arith.constant 0 : i32
    %dma_wait3A_248 = arith.constant 0 : i32
    %dma_wait3A_249 = arith.constant 3 : i32
    %dma_wait3A_250 = arith.constant 0 : i32
    %dma_wait3A_251 = tpu.memref_slice %arg8[%dma_wait3A_249, %dma_wait3A_250] : memref<4x128xi32, #tpu.memory_space<vmem>> -> memref<1x128xi32, #tpu.memory_space<vmem>>
    %dma_wait3A_252 = tpu.memref_squeeze %dma_wait3A_251 : memref<1x128xi32, #tpu.memory_space<vmem>> -> memref<128xi32, #tpu.memory_space<vmem>>
    %dma_wait3A_253 = arith.constant 0 : i32
    %dma_wait3A_254 = tpu.memref_slice %arg4[%dma_wait3A_247, %dma_wait3A_248, %dma_wait3A_253] : memref<32x80x128xi32, #tpu.memory_space<hbm>> -> memref<1x1x128xi32, #tpu.memory_space<hbm>>
    %dma_wait3A_255 = tpu.memref_squeeze %dma_wait3A_254 : memref<1x1x128xi32, #tpu.memory_space<hbm>> -> memref<128xi32, #tpu.memory_space<hbm>>
    %dma_wait3A_256 = arith.constant 0 : i32
    %dma_wait3A_257 = tpu.memref_slice %arg8[%dma_wait3A_249, %dma_wait3A_256] : memref<4x128xi32, #tpu.memory_space<vmem>> -> memref<1x128xi32, #tpu.memory_space<vmem>>
    %dma_wait3A_258 = tpu.memref_squeeze %dma_wait3A_257 : memref<1x128xi32, #tpu.memory_space<vmem>> -> memref<128xi32, #tpu.memory_space<vmem>>
    %dma_wait3A_259 = arith.constant 0 : i32
    %dma_wait3A_260 = tpu.memref_slice %arg4[%dma_wait3A_247, %dma_wait3A_248, %dma_wait3A_259] : memref<32x80x128xi32, #tpu.memory_space<hbm>> -> memref<1x1x128xi32, #tpu.memory_space<hbm>>
    %dma_wait3A_261 = tpu.memref_squeeze %dma_wait3A_260 : memref<1x1x128xi32, #tpu.memory_space<hbm>> -> memref<128xi32, #tpu.memory_space<hbm>>
    tpu.wait_dma2 semaphore(%arg16 : memref<!tpu.dma_semaphore, #tpu.memory_space<semaphore_mem>>) src(%dma_wait3A_261 : memref<128xi32, #tpu.memory_space<hbm>>) dst(%dma_wait3A_258 : memref<128xi32, #tpu.memory_space<vmem>>)
    %dma_wait3A_262 = arith.constant 0 : i32
    %dma_wait3A_263 = arith.constant 0 : i32
    %dma_wait3A_264 = arith.constant 0 : i32
    %dma_wait3A_265 = arith.constant 0 : i32
    %dma_wait3A_266 = tpu.memref_slice %arg9[%dma_wait3A_263, %dma_wait3A_264, %dma_wait3A_265] : memref<2x128x128xf32, #tpu.memory_space<vmem>> -> memref<1x128x128xf32, #tpu.memory_space<vmem>>
    %dma_wait3A_267 = tpu.memref_squeeze %dma_wait3A_266 : memref<1x128x128xf32, #tpu.memory_space<vmem>> -> memref<128x128xf32, #tpu.memory_space<vmem>>
    %dma_wait3A_268 = arith.constant 0 : i32
    %dma_wait3A_269 = tpu.memref_slice %arg7[%dma_wait3A_262, %dma_wait3A_268] : memref<4x128xi32, #tpu.memory_space<vmem>> -> memref<1x128xi32, #tpu.memory_space<vmem>>
    %dma_wait3A_270 = tpu.memref_squeeze %dma_wait3A_269 : memref<1x128xi32, #tpu.memory_space<vmem>> -> memref<128xi32, #tpu.memory_space<vmem>>
    %dma_wait3A_271 = arith.constant 0 : i32
    %dma_wait3A_272 = arith.constant 0 : i32
    %dma_wait3A_273 = tpu.memref_slice %arg2[%dma_wait3A_271, %dma_wait3A_272] : memref<10016x128xf32, #tpu.memory_space<hbm>> -> memref<10016x128xf32, #tpu.memory_space<hbm>>
    tpu.wait_indirect_dma semaphore(%arg11 : memref<!tpu.dma_semaphore, #tpu.memory_space<semaphore_mem>>) src(%dma_wait3A_273 : memref<10016x128xf32, #tpu.memory_space<hbm>>) dst(%dma_wait3A_267 : memref<128x128xf32, #tpu.memory_space<vmem>>)
    %dma_wait3A_274 = arith.constant 0 : i32
    %dma_wait3A_275 = arith.constant 1 : i32
    %dma_wait3A_276 = arith.constant 0 : i32
    %dma_wait3A_277 = arith.constant 0 : i32
    %dma_wait3A_278 = tpu.memref_slice %arg9[%dma_wait3A_275, %dma_wait3A_276, %dma_wait3A_277] : memref<2x128x128xf32, #tpu.memory_space<vmem>> -> memref<1x128x128xf32, #tpu.memory_space<vmem>>
    %dma_wait3A_279 = tpu.memref_squeeze %dma_wait3A_278 : memref<1x128x128xf32, #tpu.memory_space<vmem>> -> memref<128x128xf32, #tpu.memory_space<vmem>>
    %dma_wait3A_280 = arith.constant 0 : i32
    %dma_wait3A_281 = tpu.memref_slice %arg7[%dma_wait3A_274, %dma_wait3A_280] : memref<4x128xi32, #tpu.memory_space<vmem>> -> memref<1x128xi32, #tpu.memory_space<vmem>>
    %dma_wait3A_282 = tpu.memref_squeeze %dma_wait3A_281 : memref<1x128xi32, #tpu.memory_space<vmem>> -> memref<128xi32, #tpu.memory_space<vmem>>
    %dma_wait3A_283 = arith.constant 0 : i32
    %dma_wait3A_284 = arith.constant 0 : i32
    %dma_wait3A_285 = tpu.memref_slice %arg2[%dma_wait3A_283, %dma_wait3A_284] : memref<10016x128xf32, #tpu.memory_space<hbm>> -> memref<10016x128xf32, #tpu.memory_space<hbm>>
    tpu.wait_indirect_dma semaphore(%arg12 : memref<!tpu.dma_semaphore, #tpu.memory_space<semaphore_mem>>) src(%dma_wait3A_285 : memref<10016x128xf32, #tpu.memory_space<hbm>>) dst(%dma_wait3A_279 : memref<128x128xf32, #tpu.memory_space<vmem>>)
    %barrier3A_286 = arith.constant 0 : index
    tpu.barrier barrier_id(%barrier3A_286)
    %mul3A_287 = arith.constant 626 : i32
    %mul3A_288 = arith.muli %arg1, %mul3A_287 : i32
    "tpu.region"() ({
      %run_scoped3A = tpu.sem_alloc : memref<!tpu.dma_semaphore, #tpu.memory_space<semaphore_mem>>
      %dma_start3A_289 = arith.constant 0 : i32
      %dma_start3A_290 = arith.constant 0 : i32
      %dma_start3A_291 = tpu.memref_slice %arg6[%arg0, %arg1, %dma_start3A_289, %dma_start3A_290] : memref<2x16x626x128xf32, #tpu.memory_space<hbm>> -> memref<1x1x626x128xf32, #tpu.memory_space<hbm>>
      %dma_start3A_292 = tpu.memref_squeeze %dma_start3A_291 : memref<1x1x626x128xf32, #tpu.memory_space<hbm>> -> memref<626x128xf32, #tpu.memory_space<hbm>>
      %dma_start3A_293 = arith.constant 0 : i32
      %dma_start3A_294 = tpu.memref_slice %arg10[%mul3A_288, %dma_start3A_293] : memref<10016x128xf32, #tpu.memory_space<vmem_shared>> -> memref<626x128xf32, #tpu.memory_space<vmem_shared>>
      tpu.enqueue_dma source(%dma_start3A_294 : memref<626x128xf32, #tpu.memory_space<vmem_shared>>) target(%dma_start3A_292 : memref<626x128xf32, #tpu.memory_space<hbm>>) target_semaphore(%run_scoped3A : memref<!tpu.dma_semaphore, #tpu.memory_space<semaphore_mem>>)
      %dma_wait3A_295 = arith.constant 0 : i32
      %dma_wait3A_296 = arith.constant 0 : i32
      %dma_wait3A_297 = tpu.memref_slice %arg6[%arg0, %arg1, %dma_wait3A_295, %dma_wait3A_296] : memref<2x16x626x128xf32, #tpu.memory_space<hbm>> -> memref<1x1x626x128xf32, #tpu.memory_space<hbm>>
      %dma_wait3A_298 = tpu.memref_squeeze %dma_wait3A_297 : memref<1x1x626x128xf32, #tpu.memory_space<hbm>> -> memref<626x128xf32, #tpu.memory_space<hbm>>
      %dma_wait3A_299 = arith.constant 0 : i32
      %dma_wait3A_300 = tpu.memref_slice %arg10[%mul3A_288, %dma_wait3A_299] : memref<10016x128xf32, #tpu.memory_space<vmem_shared>> -> memref<626x128xf32, #tpu.memory_space<vmem_shared>>
      tpu.wait_dma2 semaphore(%run_scoped3A : memref<!tpu.dma_semaphore, #tpu.memory_space<semaphore_mem>>) src(%dma_wait3A_300 : memref<626x128xf32, #tpu.memory_space<vmem_shared>>) dst(%dma_wait3A_298 : memref<626x128xf32, #tpu.memory_space<hbm>>)
      tpu.yield
    }) : () -> ()
    return
  }
}

module attributes {stable_mosaic.version = 14 : i64} {
  func.func @_b_body(%arg0: i32, %arg1: memref<2x2504x1xf32, #tpu.memory_space<vmem>>, %arg2: memref<2504x128xf32, #tpu.memory_space<vmem>>, %arg3: memref<128x128xf32, #tpu.memory_space<vmem>>, %arg4: memref<2504x128xf32, #tpu.memory_space<vmem>>, %arg5: memref<2504x1xf32, #tpu.memory_space<vmem>>) attributes {dimension_semantics = [#tpu.dimension_semantics<arbitrary>], iteration_bounds = array<i64: 4>, scalar_prefetch = 0 : i64, scratch_operands = 0 : i64, tpu.core_type = #tpu.core_type<tc>, window_params = [{transform_indices = @transform_0, window_bounds = array<i64: 2, 2504, 1>}, {transform_indices = @transform_1, window_bounds = array<i64: 2504, 128>}, {pipeline_mode = #tpu.pipeline_mode<synchronous>, transform_indices = @transform_2, window_bounds = array<i64: 128, 128>}, {transform_indices = @transform_3, window_bounds = array<i64: 2504, 128>}, {transform_indices = @transform_4, window_bounds = array<i64: 2504, 1>}]} {
    %get3A = arith.constant 0 : index
    %get3A_0 = arith.constant 0 : index
    %get3A_1 = arith.constant 0 : index
    %get3A_2 = vector.load %arg1[%get3A, %get3A_0, %get3A_1] : memref<2x2504x1xf32, #tpu.memory_space<vmem>>, vector<1x2504x1xf32>
    %get3A_3 = vector.shape_cast %get3A_2 : vector<1x2504x1xf32> to vector<2504x1xf32>
    %get3A_4 = arith.constant 1 : index
    %get3A_5 = arith.constant 0 : index
    %get3A_6 = arith.constant 0 : index
    %get3A_7 = vector.load %arg1[%get3A_4, %get3A_5, %get3A_6] : memref<2x2504x1xf32, #tpu.memory_space<vmem>>, vector<1x2504x1xf32>
    %get3A_8 = vector.shape_cast %get3A_7 : vector<1x2504x1xf32> to vector<2504x1xf32>
    %add3A = arith.addf %get3A_3, %get3A_8 : vector<2504x1xf32>
    %add3A_9 = arith.constant 1.000000e+00 : f32
    %add3A_10 = vector.broadcast %add3A_9 : f32 to vector<2504x1xf32>
    %add3A_11 = arith.addf %add3A, %add3A_10 : vector<2504x1xf32>
    %rsqrt3A = math.rsqrt %add3A_11 : vector<2504x1xf32>
    %get3A_12 = arith.constant 0 : index
    %get3A_13 = arith.constant 0 : index
    %get3A_14 = vector.load %arg2[%get3A_12, %get3A_13] : memref<2504x128xf32, #tpu.memory_space<vmem>>, vector<2504x128xf32>
    %get3A_15 = arith.constant 0 : index
    %get3A_16 = arith.constant 0 : index
    %get3A_17 = vector.load %arg3[%get3A_15, %get3A_16] : memref<128x128xf32, #tpu.memory_space<vmem>>, vector<128x128xf32>
    %dot_general3A = arith.constant dense<0.000000e+00> : vector<2504x128xf32>
    %dot_general3A_18 = tpu.matmul %get3A_14, %get3A_17, %dot_general3A {dimension_numbers = #tpu.dot_dimension_numbers<[1], [0], [0], [1], [0, 0, 1, 1], [], []>, transpose_lhs_hint = false} : vector<2504x128xf32>, vector<128x128xf32>, vector<2504x128xf32> -> vector<2504x128xf32>
    %mul3A = vector.broadcast %rsqrt3A : vector<2504x1xf32> to vector<2504x128xf32>
    %mul3A_19 = arith.mulf %dot_general3A_18, %mul3A : vector<2504x128xf32>
    %swap3A = arith.constant 0 : index
    %swap3A_20 = arith.constant 0 : index
    %swap3A_21 = vector.load %arg4[%swap3A, %swap3A_20] : memref<2504x128xf32, #tpu.memory_space<vmem>>, vector<2504x128xf32>
    tpu.vector_store %arg4[%swap3A, %swap3A_20], %mul3A_19 {strides = array<i32>} : memref<2504x128xf32, #tpu.memory_space<vmem>>, vector<2504x128xf32>,
    %swap3A_22 = arith.constant 0 : index
    %swap3A_23 = arith.constant 0 : index
    %swap3A_24 = vector.load %arg5[%swap3A_22, %swap3A_23] : memref<2504x1xf32, #tpu.memory_space<vmem>>, vector<2504x1xf32>
    tpu.vector_store %arg5[%swap3A_22, %swap3A_23], %rsqrt3A {strides = array<i32>} : memref<2504x1xf32, #tpu.memory_space<vmem>>, vector<2504x1xf32>,
    return
  }
  func.func @transform_0(%arg0: i32) -> (i32, i32, i32) {
    %c0_i32 = arith.constant 0 : i32
    %c0_i32_0 = arith.constant 0 : i32
    %c0_i32_1 = arith.constant 0 : i32
    return %c0_i32, %arg0, %c0_i32_0 : i32, i32, i32
  }
  func.func @transform_1(%arg0: i32) -> (i32, i32) {
    %c0_i32 = arith.constant 0 : i32
    %c0_i32_0 = arith.constant 0 : i32
    return %arg0, %c0_i32 : i32, i32
  }
  func.func @transform_2(%arg0: i32) -> (i32, i32) {
    %c0_i32 = arith.constant 0 : i32
    %c0_i32_0 = arith.constant 0 : i32
    %c0_i32_1 = arith.constant 0 : i32
    return %c0_i32, %c0_i32_0 : i32, i32
  }
  func.func @transform_3(%arg0: i32) -> (i32, i32) {
    %c0_i32 = arith.constant 0 : i32
    %c0_i32_0 = arith.constant 0 : i32
    return %arg0, %c0_i32 : i32, i32
  }
  func.func @transform_4(%arg0: i32) -> (i32, i32) {
    %c0_i32 = arith.constant 0 : i32
    %c0_i32_0 = arith.constant 0 : i32
    return %arg0, %c0_i32 : i32, i32
  }
}

module attributes {stable_mosaic.version = 14 : i64} {
  func.func @_d_body(%arg0: i32, %arg1: memref<2x2504x128xf32, #tpu.memory_space<vmem>>, %arg2: memref<2504x128xf32, #tpu.memory_space<vmem>>, %arg3: memref<2504x1xf32, #tpu.memory_space<vmem>>, %arg4: memref<1x128xf32, #tpu.memory_space<vmem>>, %arg5: memref<128x128xf32, #tpu.memory_space<vmem>>, %arg6: memref<2504x128xf32, #tpu.memory_space<vmem>>) attributes {dimension_semantics = [#tpu.dimension_semantics<arbitrary>], iteration_bounds = array<i64: 4>, scalar_prefetch = 0 : i64, scratch_operands = 0 : i64, tpu.core_type = #tpu.core_type<tc>, window_params = [{transform_indices = @transform_0, window_bounds = array<i64: 2, 2504, 128>}, {transform_indices = @transform_1, window_bounds = array<i64: 2504, 128>}, {transform_indices = @transform_2, window_bounds = array<i64: 2504, 1>}, {pipeline_mode = #tpu.pipeline_mode<synchronous>, transform_indices = @transform_3, window_bounds = array<i64: 1, 128>}, {pipeline_mode = #tpu.pipeline_mode<synchronous>, transform_indices = @transform_4, window_bounds = array<i64: 128, 128>}, {transform_indices = @transform_5, window_bounds = array<i64: 2504, 128>}]} {
    %get3A = arith.constant 0 : index
    %get3A_0 = arith.constant 0 : index
    %get3A_1 = arith.constant 0 : index
    %get3A_2 = vector.load %arg1[%get3A, %get3A_0, %get3A_1] : memref<2x2504x128xf32, #tpu.memory_space<vmem>>, vector<1x2504x128xf32>
    %get3A_3 = vector.shape_cast %get3A_2 : vector<1x2504x128xf32> to vector<2504x128xf32>
    %get3A_4 = arith.constant 1 : index
    %get3A_5 = arith.constant 0 : index
    %get3A_6 = arith.constant 0 : index
    %get3A_7 = vector.load %arg1[%get3A_4, %get3A_5, %get3A_6] : memref<2x2504x128xf32, #tpu.memory_space<vmem>>, vector<1x2504x128xf32>
    %get3A_8 = vector.shape_cast %get3A_7 : vector<1x2504x128xf32> to vector<2504x128xf32>
    %add3A = arith.addf %get3A_3, %get3A_8 : vector<2504x128xf32>
    %get3A_9 = arith.constant 0 : index
    %get3A_10 = arith.constant 0 : index
    %get3A_11 = vector.load %arg2[%get3A_9, %get3A_10] : memref<2504x128xf32, #tpu.memory_space<vmem>>, vector<2504x128xf32>
    %add3A_12 = arith.addf %add3A, %get3A_11 : vector<2504x128xf32>
    %get3A_13 = arith.constant 0 : index
    %get3A_14 = arith.constant 0 : index
    %get3A_15 = vector.load %arg3[%get3A_13, %get3A_14] : memref<2504x1xf32, #tpu.memory_space<vmem>>, vector<2504x1xf32>
    %mul3A = vector.broadcast %get3A_15 : vector<2504x1xf32> to vector<2504x128xf32>
    %mul3A_16 = arith.mulf %add3A_12, %mul3A : vector<2504x128xf32>
    %get3A_17 = arith.constant 0 : index
    %get3A_18 = arith.constant 0 : index
    %get3A_19 = vector.load %arg4[%get3A_17, %get3A_18] : memref<1x128xf32, #tpu.memory_space<vmem>>, vector<1x128xf32>
    %add3A_20 = vector.broadcast %get3A_19 : vector<1x128xf32> to vector<2504x128xf32>
    %add3A_21 = arith.addf %mul3A_16, %add3A_20 : vector<2504x128xf32>
    %max3A = arith.constant 0.000000e+00 : f32
    %max3A_22 = vector.broadcast %max3A : f32 to vector<2504x128xf32>
    %max3A_23 = arith.maximumf %add3A_21, %max3A_22 : vector<2504x128xf32>
    %get3A_24 = arith.constant 0 : index
    %get3A_25 = arith.constant 0 : index
    %get3A_26 = vector.load %arg5[%get3A_24, %get3A_25] : memref<128x128xf32, #tpu.memory_space<vmem>>, vector<128x128xf32>
    %dot_general3A = arith.constant dense<0.000000e+00> : vector<2504x128xf32>
    %dot_general3A_27 = tpu.matmul %max3A_23, %get3A_26, %dot_general3A {dimension_numbers = #tpu.dot_dimension_numbers<[1], [0], [0], [1], [0, 0, 1, 1], [], []>, transpose_lhs_hint = false} : vector<2504x128xf32>, vector<128x128xf32>, vector<2504x128xf32> -> vector<2504x128xf32>
    %mul3A_28 = vector.broadcast %get3A_15 : vector<2504x1xf32> to vector<2504x128xf32>
    %mul3A_29 = arith.mulf %dot_general3A_27, %mul3A_28 : vector<2504x128xf32>
    %swap3A = arith.constant 0 : index
    %swap3A_30 = arith.constant 0 : index
    %swap3A_31 = vector.load %arg6[%swap3A, %swap3A_30] : memref<2504x128xf32, #tpu.memory_space<vmem>>, vector<2504x128xf32>
    tpu.vector_store %arg6[%swap3A, %swap3A_30], %mul3A_29 {strides = array<i32>} : memref<2504x128xf32, #tpu.memory_space<vmem>>, vector<2504x128xf32>,
    return
  }
  func.func @transform_0(%arg0: i32) -> (i32, i32, i32) {
    %c0_i32 = arith.constant 0 : i32
    %c0_i32_0 = arith.constant 0 : i32
    %c0_i32_1 = arith.constant 0 : i32
    return %c0_i32, %arg0, %c0_i32_0 : i32, i32, i32
  }
  func.func @transform_1(%arg0: i32) -> (i32, i32) {
    %c0_i32 = arith.constant 0 : i32
    %c0_i32_0 = arith.constant 0 : i32
    return %arg0, %c0_i32 : i32, i32
  }
  func.func @transform_2(%arg0: i32) -> (i32, i32) {
    %c0_i32 = arith.constant 0 : i32
    %c0_i32_0 = arith.constant 0 : i32
    return %arg0, %c0_i32 : i32, i32
  }
  func.func @transform_3(%arg0: i32) -> (i32, i32) {
    %c0_i32 = arith.constant 0 : i32
    %c0_i32_0 = arith.constant 0 : i32
    %c0_i32_1 = arith.constant 0 : i32
    return %c0_i32, %c0_i32_0 : i32, i32
  }
  func.func @transform_4(%arg0: i32) -> (i32, i32) {
    %c0_i32 = arith.constant 0 : i32
    %c0_i32_0 = arith.constant 0 : i32
    %c0_i32_1 = arith.constant 0 : i32
    return %c0_i32, %c0_i32_0 : i32, i32
  }
  func.func @transform_5(%arg0: i32) -> (i32, i32) {
    %c0_i32 = arith.constant 0 : i32
    %c0_i32_0 = arith.constant 0 : i32
    return %arg0, %c0_i32 : i32, i32
  }
}

module attributes {stable_mosaic.version = 14 : i64} {
  func.func @_e_body(%arg0: i32, %arg1: memref<2x2504x128xf32, #tpu.memory_space<vmem>>, %arg2: memref<2504x128xf32, #tpu.memory_space<vmem>>, %arg3: memref<2504x1xf32, #tpu.memory_space<vmem>>, %arg4: memref<1x128xf32, #tpu.memory_space<vmem>>, %arg5: memref<1x1x2504xi32, #tpu.memory_space<vmem>>, %arg6: memref<128x1xf32, #tpu.memory_space<vmem>>, %arg7: memref<1x1xf32, #tpu.memory_space<vmem>>, %arg8: memref<256x1xf32, #tpu.memory_space<vmem>>, %arg9: memref<256x128xf32, #tpu.memory_space<vmem>>, %arg10: memref<256x1xf32, #tpu.memory_space<vmem>>) attributes {dimension_semantics = [#tpu.dimension_semantics<arbitrary>], iteration_bounds = array<i64: 4>, scalar_prefetch = 0 : i64, scratch_operands = 2 : i64, tpu.core_type = #tpu.core_type<tc>, window_params = [{transform_indices = @transform_0, window_bounds = array<i64: 2, 2504, 128>}, {transform_indices = @transform_1, window_bounds = array<i64: 2504, 128>}, {transform_indices = @transform_2, window_bounds = array<i64: 2504, 1>}, {pipeline_mode = #tpu.pipeline_mode<synchronous>, transform_indices = @transform_3, window_bounds = array<i64: 1, 128>}, {transform_indices = @transform_4, window_bounds = array<i64: 1, 1, 2504>}, {pipeline_mode = #tpu.pipeline_mode<synchronous>, transform_indices = @transform_5, window_bounds = array<i64: 128, 1>}, {pipeline_mode = #tpu.pipeline_mode<synchronous>, transform_indices = @transform_6, window_bounds = array<i64: 1, 1>}, {pipeline_mode = #tpu.pipeline_mode<synchronous>, transform_indices = @transform_7, window_bounds = array<i64: 256, 1>}]} {
    %eq3A = arith.constant 0 : i32
    %eq3A_0 = arith.cmpi eq, %arg0, %eq3A : i32
    %convert_element_type3A = arith.extui %eq3A_0 : i1 to i32
    %cond3A = arith.constant 0 : i32
    %cond3A_1 = arith.cmpi ne, %convert_element_type3A, %cond3A : i32
    scf.if %cond3A_1 {
      %broadcast_in_dim3A_55 = arith.constant 0.000000e+00 : f32
      %broadcast_in_dim3A_56 = vector.broadcast %broadcast_in_dim3A_55 : f32 to vector<256x128xf32>
      %swap3A_57 = arith.constant 0 : index
      %swap3A_58 = arith.constant 0 : index
      %swap3A_59 = vector.load %arg9[%swap3A_57, %swap3A_58] : memref<256x128xf32, #tpu.memory_space<vmem>>, vector<256x128xf32>
      tpu.vector_store %arg9[%swap3A_57, %swap3A_58], %broadcast_in_dim3A_56 {strides = array<i32>} : memref<256x128xf32, #tpu.memory_space<vmem>>, vector<256x128xf32>,
      %broadcast_in_dim3A_60 = arith.constant 0.000000e+00 : f32
      %broadcast_in_dim3A_61 = vector.broadcast %broadcast_in_dim3A_60 : f32 to vector<256x1xf32>
      %swap3A_62 = arith.constant 0 : index
      %swap3A_63 = arith.constant 0 : index
      %swap3A_64 = vector.load %arg10[%swap3A_62, %swap3A_63] : memref<256x1xf32, #tpu.memory_space<vmem>>, vector<256x1xf32>
      tpu.vector_store %arg10[%swap3A_62, %swap3A_63], %broadcast_in_dim3A_61 {strides = array<i32>} : memref<256x1xf32, #tpu.memory_space<vmem>>, vector<256x1xf32>,
    } else {
    }
    %get3A = arith.constant 0 : index
    %get3A_2 = arith.constant 0 : index
    %get3A_3 = arith.constant 0 : index
    %get3A_4 = vector.load %arg1[%get3A, %get3A_2, %get3A_3] : memref<2x2504x128xf32, #tpu.memory_space<vmem>>, vector<1x2504x128xf32>
    %get3A_5 = vector.shape_cast %get3A_4 : vector<1x2504x128xf32> to vector<2504x128xf32>
    %get3A_6 = arith.constant 1 : index
    %get3A_7 = arith.constant 0 : index
    %get3A_8 = arith.constant 0 : index
    %get3A_9 = vector.load %arg1[%get3A_6, %get3A_7, %get3A_8] : memref<2x2504x128xf32, #tpu.memory_space<vmem>>, vector<1x2504x128xf32>
    %get3A_10 = vector.shape_cast %get3A_9 : vector<1x2504x128xf32> to vector<2504x128xf32>
    %add3A = arith.addf %get3A_5, %get3A_10 : vector<2504x128xf32>
    %get3A_11 = arith.constant 0 : index
    %get3A_12 = arith.constant 0 : index
    %get3A_13 = vector.load %arg2[%get3A_11, %get3A_12] : memref<2504x128xf32, #tpu.memory_space<vmem>>, vector<2504x128xf32>
    %add3A_14 = arith.addf %add3A, %get3A_13 : vector<2504x128xf32>
    %get3A_15 = arith.constant 0 : index
    %get3A_16 = arith.constant 0 : index
    %get3A_17 = vector.load %arg3[%get3A_15, %get3A_16] : memref<2504x1xf32, #tpu.memory_space<vmem>>, vector<2504x1xf32>
    %mul3A = vector.broadcast %get3A_17 : vector<2504x1xf32> to vector<2504x128xf32>
    %mul3A_18 = arith.mulf %add3A_14, %mul3A : vector<2504x128xf32>
    %get3A_19 = arith.constant 0 : index
    %get3A_20 = arith.constant 0 : index
    %get3A_21 = vector.load %arg4[%get3A_19, %get3A_20] : memref<1x128xf32, #tpu.memory_space<vmem>>, vector<1x128xf32>
    %add3A_22 = vector.broadcast %get3A_21 : vector<1x128xf32> to vector<2504x128xf32>
    %add3A_23 = arith.addf %mul3A_18, %add3A_22 : vector<2504x128xf32>
    %max3A = arith.constant 0.000000e+00 : f32
    %max3A_24 = vector.broadcast %max3A : f32 to vector<2504x128xf32>
    %max3A_25 = arith.maximumf %add3A_23, %max3A_24 : vector<2504x128xf32>
    %get3A_26 = arith.constant 0 : index
    %get3A_27 = arith.constant 0 : index
    %get3A_28 = arith.constant 0 : index
    %get3A_29 = vector.load %arg5[%get3A_26, %get3A_27, %get3A_28] : memref<1x1x2504xi32, #tpu.memory_space<vmem>>, vector<1x1x2504xi32>
    %get3A_30 = vector.shape_cast %get3A_29 : vector<1x1x2504xi32> to vector<1x2504xi32>
    %iota3A = tpu.iota {dimensions = array<i32: 0>} : vector<256x2504xi32>
    %eq3A_31 = vector.broadcast %get3A_30 : vector<1x2504xi32> to vector<256x2504xi32>
    %eq3A_32 = arith.cmpi eq, %iota3A, %eq3A_31 : vector<256x2504xi32>
    %convert_element_type3A_33 = arith.extui %eq3A_32 : vector<256x2504xi1> to vector<256x2504xi32>
    %convert_element_type3A_34 = arith.sitofp %convert_element_type3A_33 : vector<256x2504xi32> to vector<256x2504xf32>
    %get3A_35 = arith.constant 0 : index
    %get3A_36 = arith.constant 0 : index
    %get3A_37 = vector.load %arg9[%get3A_35, %get3A_36] : memref<256x128xf32, #tpu.memory_space<vmem>>, vector<256x128xf32>
    %dot_general3A = arith.constant dense<0.000000e+00> : vector<256x128xf32>
    %dot_general3A_38 = tpu.matmul %convert_element_type3A_34, %max3A_25, %dot_general3A {dimension_numbers = #tpu.dot_dimension_numbers<[1], [0], [0], [1], [0, 0, 1, 1], [], []>, transpose_lhs_hint = false} : vector<256x2504xf32>, vector<2504x128xf32>, vector<256x128xf32> -> vector<256x128xf32>
    %add3A_39 = arith.addf %get3A_37, %dot_general3A_38 : vector<256x128xf32>
    %swap3A = arith.constant 0 : index
    %swap3A_40 = arith.constant 0 : index
    %swap3A_41 = vector.load %arg9[%swap3A, %swap3A_40] : memref<256x128xf32, #tpu.memory_space<vmem>>, vector<256x128xf32>
    tpu.vector_store %arg9[%swap3A, %swap3A_40], %add3A_39 {strides = array<i32>} : memref<256x128xf32, #tpu.memory_space<vmem>>, vector<256x128xf32>,
    %get3A_42 = arith.constant 0 : index
    %get3A_43 = arith.constant 0 : index
    %get3A_44 = vector.load %arg10[%get3A_42, %get3A_43] : memref<256x1xf32, #tpu.memory_space<vmem>>, vector<256x1xf32>
    %reduce_sum3A = arith.constant dense<0.000000e+00> : vector<256xf32>
    %reduce_sum3A_45 = vector.multi_reduction <add>, %convert_element_type3A_34, %reduce_sum3A [1] : vector<256x2504xf32> to vector<256xf32>
    %broadcast_in_dim3A = vector.shape_cast %reduce_sum3A_45 : vector<256xf32> to vector<256x1xf32>
    %add3A_46 = arith.addf %get3A_44, %broadcast_in_dim3A : vector<256x1xf32>
    %swap3A_47 = arith.constant 0 : index
    %swap3A_48 = arith.constant 0 : index
    %swap3A_49 = vector.load %arg10[%swap3A_47, %swap3A_48] : memref<256x1xf32, #tpu.memory_space<vmem>>, vector<256x1xf32>
    tpu.vector_store %arg10[%swap3A_47, %swap3A_48], %add3A_46 {strides = array<i32>} : memref<256x1xf32, #tpu.memory_space<vmem>>, vector<256x1xf32>,
    %eq3A_50 = arith.constant 3 : i32
    %eq3A_51 = arith.cmpi eq, %arg0, %eq3A_50 : i32
    %convert_element_type3A_52 = arith.extui %eq3A_51 : i1 to i32
    %cond3A_53 = arith.constant 0 : i32
    %cond3A_54 = arith.cmpi ne, %convert_element_type3A_52, %cond3A_53 : i32
    scf.if %cond3A_54 {
      %get3A_55 = arith.constant 0 : index
      %get3A_56 = arith.constant 0 : index
      %get3A_57 = vector.load %arg9[%get3A_55, %get3A_56] : memref<256x128xf32, #tpu.memory_space<vmem>>, vector<256x128xf32>
      %get3A_58 = arith.constant 0 : index
      %get3A_59 = arith.constant 0 : index
      %get3A_60 = vector.load %arg10[%get3A_58, %get3A_59] : memref<256x1xf32, #tpu.memory_space<vmem>>, vector<256x1xf32>
      %max3A_61 = arith.constant 1.000000e+00 : f32
      %max3A_62 = vector.broadcast %max3A_61 : f32 to vector<256x1xf32>
      %max3A_63 = arith.maximumf %get3A_60, %max3A_62 : vector<256x1xf32>
      %div3A = vector.broadcast %max3A_63 : vector<256x1xf32> to vector<256x128xf32>
      %div3A_64 = arith.divf %get3A_57, %div3A : vector<256x128xf32>
      %get3A_65 = arith.constant 0 : index
      %get3A_66 = arith.constant 0 : index
      %get3A_67 = vector.load %arg6[%get3A_65, %get3A_66] : memref<128x1xf32, #tpu.memory_space<vmem>>, vector<128x1xf32>
      %dot_general3A_68 = arith.constant dense<0.000000e+00> : vector<256x1xf32>
      %dot_general3A_69 = tpu.matmul %div3A_64, %get3A_67, %dot_general3A_68 {dimension_numbers = #tpu.dot_dimension_numbers<[1], [0], [0], [1], [0, 0, 1, 1], [], []>, transpose_lhs_hint = false} : vector<256x128xf32>, vector<128x1xf32>, vector<256x1xf32> -> vector<256x1xf32>
      %get3A_70 = arith.constant 0 : index
      %get3A_71 = arith.constant 0 : index
      %get3A_72 = vector.load %arg7[%get3A_70, %get3A_71] : memref<1x1xf32, #tpu.memory_space<vmem>>, vector<1x1xf32>
      %add3A_73 = vector.broadcast %get3A_72 : vector<1x1xf32> to vector<256x1xf32>
      %add3A_74 = arith.addf %dot_general3A_69, %add3A_73 : vector<256x1xf32>
      %logistic3A = arith.negf %add3A_74 : vector<256x1xf32>
      %logistic3A_75 = math.exp %logistic3A : vector<256x1xf32>
      %logistic3A_76 = arith.constant 1.000000e+00 : f32
      %logistic3A_77 = vector.broadcast %logistic3A_76 : f32 to vector<256x1xf32>
      %logistic3A_78 = arith.addf %logistic3A_77, %logistic3A_75 : vector<256x1xf32>
      %logistic3A_79 = arith.divf %logistic3A_77, %logistic3A_78 : vector<256x1xf32>
      %swap3A_80 = arith.constant 0 : index
      %swap3A_81 = arith.constant 0 : index
      %swap3A_82 = vector.load %arg8[%swap3A_80, %swap3A_81] : memref<256x1xf32, #tpu.memory_space<vmem>>, vector<256x1xf32>
      tpu.vector_store %arg8[%swap3A_80, %swap3A_81], %logistic3A_79 {strides = array<i32>} : memref<256x1xf32, #tpu.memory_space<vmem>>, vector<256x1xf32>,
    } else {
    }
    return
  }
  func.func @transform_0(%arg0: i32) -> (i32, i32, i32) {
    %c0_i32 = arith.constant 0 : i32
    %c0_i32_0 = arith.constant 0 : i32
    %c0_i32_1 = arith.constant 0 : i32
    return %c0_i32, %arg0, %c0_i32_0 : i32, i32, i32
  }
  func.func @transform_1(%arg0: i32) -> (i32, i32) {
    %c0_i32 = arith.constant 0 : i32
    %c0_i32_0 = arith.constant 0 : i32
    return %arg0, %c0_i32 : i32, i32
  }
  func.func @transform_2(%arg0: i32) -> (i32, i32) {
    %c0_i32 = arith.constant 0 : i32
    %c0_i32_0 = arith.constant 0 : i32
    return %arg0, %c0_i32 : i32, i32
  }
  func.func @transform_3(%arg0: i32) -> (i32, i32) {
    %c0_i32 = arith.constant 0 : i32
    %c0_i32_0 = arith.constant 0 : i32
    %c0_i32_1 = arith.constant 0 : i32
    return %c0_i32, %c0_i32_0 : i32, i32
  }
  func.func @transform_4(%arg0: i32) -> (i32, i32, i32) {
    %c0_i32 = arith.constant 0 : i32
    %c0_i32_0 = arith.constant 0 : i32
    %c0_i32_1 = arith.constant 0 : i32
    return %arg0, %c0_i32, %c0_i32_0 : i32, i32, i32
  }
  func.func @transform_5(%arg0: i32) -> (i32, i32) {
    %c0_i32 = arith.constant 0 : i32
    %c0_i32_0 = arith.constant 0 : i32
    %c0_i32_1 = arith.constant 0 : i32
    return %c0_i32, %c0_i32_0 : i32, i32
  }
  func.func @transform_6(%arg0: i32) -> (i32, i32) {
    %c0_i32 = arith.constant 0 : i32
    %c0_i32_0 = arith.constant 0 : i32
    %c0_i32_1 = arith.constant 0 : i32
    return %c0_i32, %c0_i32_0 : i32, i32
  }
  func.func @transform_7(%arg0: i32) -> (i32, i32) {
    %c0_i32 = arith.constant 0 : i32
    %c0_i32_0 = arith.constant 0 : i32
    %c0_i32_1 = arith.constant 0 : i32
    return %c0_i32, %c0_i32_0 : i32, i32
  }
}

</mosaic_0001>

<sc_bundles>
// kernel: kernel.11.cloned.1.call-start
scs
__scs_entry_jumppad:
0x0: {  	(pc) =	sbr.rel $0x88, $3  }
0x1: {  	(tag) =	ssettag $0x0;
	lr =	simm.s32 $0x1  }
0x2: {  	[smem:$0x3F98] =	sst lr;
	_ =	strace $0xD0000000  }
0x3: {  	_ = 	snop  }
0x4: {  	_ = 	snop  }
0x5: {  	_ = 	snop  }
0x6: {  	_ = 	snop  }
0x7: {  	_ = 	snop  }
__scs_overlays_trampoline_lowered:
0x8: {  	[smem:$0x3FA7] =	sst s0  }
0x9: {  	[smem:$0x3FA8] =	sst s1  }
0xa: {  	[smem:$0x3FA9] =	sst s2  }
0xb: {  	[smem:$0x3FAA] =	sst s3  }
0xc: {  	[smem:$0x3FAB] =	sst s4  }
0xd: {  	[smem:$0x3FAC] =	sst s5  }
0xe: {  	[smem:$0x3FAD] =	sst s6  }
0xf: {  	[smem:$0x3FAE] =	sst s7  }
0x10: {  	[smem:$0x3FAF] =	sst s8  }
0x11: {  	[smem:$0x3FB0] =	sst s9;
	s0 =	simm.s32 @!p0 $0x0  }
0x12: {  	s1 =	sld [smem:$0x3F96];
	s0 =	simm.s32 @p0 $0x1  }
0x13: {  	[smem:$0x3FB1] =	sst s0;
	s0 =	simm.s32 @!p1 $0x0  }
0x14: {  	s2 =	sld [smem:$0x3F95];
	s0 =	simm.s32 @p1 $0x1  }
0x15: {  	[smem:$0x3FB2] =	sst s0;
	s0 =	simm.s32 @!p2 $0x0  }
0x16: {  	s3 =	sld [smem:$0x3FDB];
	s0 =	simm.s32 @p2 $0x1  }
0x17: {  	s4 =	simm.s32 $0x1BF5;
	[smem:$0x3FB4] =	sst s0  }
0x18: {  	s0 =	sld [smem:$0x3F97];
	_ =	swait.ge [sflag:s4], $0x0  }
0x19: {  	s7 =	sld [smem:$0x3F98]  }
0x1a: {  	s8 =	sadd.s32 $0xFFFFE003, lr  }
0x1b: {  	s9 =	sadd.s32 $0xFFFFFEF7, lr;
	s5 =	simm.s32 $0xFFFFFFFF;
	p2 =	slt.u32 s8, $0xFFFFF086  }
0x1c: {  	p1 =	slt.u32 s9, $0xF7A;
	s5 =	simm.s32 @!p2 $0x0  }
0x1d: {  	s5 =	simm.s32 @p1 $0x1;
	p0 =	seq.s32 s7, s2  }
0x1e: {  	s7 =	smul.u32 @!p0 $0xF7A, s2;
	p2 =	seq.s32 @!p0 s5, $0x0  }
0x1f: {  	s9 =	smul.u32 $0xF7A, s1;
	s8 =	simm.s32 @!p0 $0x1BF5;
	p2 =	por !p2, p0  }
0x20: {  	[sflag:s8] =	ssyncset.s32 @!p0 $0xFFFFF086;
	s6 =	sadd.s32 @!p0 s3, s7;
	s7 =	simm.s32 @!p0 $0x108  }
0x21: {  	s3 =	sadd.s32 s3, s9;
	s6 =	sadd.s32 @!p0 $0x88, s6;
	s7 =	simm.s32 @p2 $0x1082  }
0x22: {  	[simem:s7], [sflag:s8] =	dma.local @!p0 [hbm:s6], $0xF7A  }
0x23: {  	s9 =	sor.u32 $0xD0000000, s2;
	s6 =	simm.s32 $0x108;
	_ =	swait.ge @!p0 [sflag:s8], $0x0  }
0x24: {  	s3 =	sadd.s32 $0x88, s3;
	s6 =	simm.s32 @!p1 $0x1082;
	[sflag:s4] =	ssyncset.s32 $0xFFFFF086  }
0x25: {  	[simem:s6], [sflag:s4] =	dma.local [hbm:s3], $0xF7A  }
0x26: {  	[smem:$0x3F98] =	sst s1;
	(tag) =	ssettag s2;
	_ =	strace s9  }
0x27: {  	s1 =	sld [smem:$0x3FA8]  }
0x28: {  	s2 =	sld [smem:$0x3FA9]  }
0x29: {  	s4 =	sld [smem:$0x3FAB]  }
0x2a: {  	p0 =	seq.s32 s5, $0x0;
	s5 =	sld [smem:$0x3FAC]  }
0x2b: {  	s6 =	sld [smem:$0x3FAD]  }
0x2c: {  	s7 =	sld [smem:$0x3FAE]  }
0x2d: {  	s3 =	simm.s32 $0x108;
	s8 =	sld [smem:$0x3FAF]  }
0x2e: {  	s3 =	simm.s32 @!p0 $0x1082;
	s9 =	sld [smem:$0x3FB0]  }
0x2f: {  	lr =	sadd.s32 s0, s3;
	s0 =	sld [smem:$0x3FA7]  }
0x30: {  	s3 =	sld [smem:$0x3FAA]  }
0x31: {  	[smem:$0x3FB3] =	sst s10  }
0x32: {  	s10 =	sld [smem:$0x3FB1];
	_ =	sdelay $0x3  }
0x33: {  	p0 =	seq.s32 s10, $0x1;
	s10 =	sld [smem:$0x3FB3];
	_ =	sdelay $0x3  }
0x34: {  	[smem:$0x3FB3] =	sst s10  }
0x35: {  	s10 =	sld [smem:$0x3FB2];
	_ =	sdelay $0x3  }
0x36: {  	p1 =	seq.s32 s10, $0x1;
	s10 =	sld [smem:$0x3FB3];
	_ =	sdelay $0x3  }
0x37: {  	[smem:$0x3FB3] =	sst s10  }
0x38: {  	s10 =	sld [smem:$0x3FB4]  }
0x39: {  	_ = 	snop;
	(pc) =	sbr.ind lr, $3  }
0x3a: {  	_ = 	snop  }
0x3b: {  	_ = 	snop  }
0x3c: {  	p2 =	seq.s32 s10, $0x1;
	s10 =	sld [smem:$0x3FB3]  }
0x3d: {  	_ =	shalt  }
0x3e: {  	_ =	shalt  }
0x3f: {  	_ =	shalt  }
0x40: {  	_ =	shalt  }
0x41: {  	_ =	shalt  }
0x42: {  	_ =	shalt  }
0x43: {  	_ =	shalt  }
0x44: {  	_ =	shalt  }
0x45: {  	_ =	shalt  }
0x46: {  	_ =	shalt  }
0x47: {  	_ =	shalt  }
0x48: {  	_ =	shalt  }
0x49: {  	_ =	shalt  }
0x4a: {  	_ =	shalt  }
0x4b: {  	_ =	shalt  }
0x4c: {  	_ =	shalt  }
0x4d: {  	_ =	shalt  }
0x4e: {  	_ =	shalt  }
0x4f: {  	_ =	shalt  }
0x50: {  	_ =	shalt  }
0x51: {  	_ =	shalt  }
0x52: {  	_ =	shalt  }
0x53: {  	_ =	shalt  }
0x54: {  	_ =	shalt  }
0x55: {  	_ =	shalt  }
0x56: {  	_ =	shalt  }
0x57: {  	_ =	shalt  }
0x58: {  	_ =	shalt  }
0x59: {  	_ =	shalt  }
0x5a: {  	_ =	shalt  }
0x5b: {  	_ =	shalt  }
0x5c: {  	_ =	shalt  }
0x5d: {  	_ =	shalt  }
0x5e: {  	_ =	shalt  }
0x5f: {  	_ =	shalt  }
0x60: {  	_ =	shalt  }
0x61: {  	_ =	shalt  }
0x62: {  	_ =	shalt  }
0x63: {  	_ =	shalt  }
0x64: {  	_ =	shalt  }
0x65: {  	_ =	shalt  }
0x66: {  	_ =	shalt  }
0x67: {  	_ =	shalt  }
0x68: {  	_ =	shalt  }
0x69: {  	_ =	shalt  }
0x6a: {  	_ =	shalt  }
0x6b: {  	_ =	shalt  }
0x6c: {  	_ =	shalt  }
0x6d: {  	_ =	shalt  }
0x6e: {  	_ =	shalt  }
0x6f: {  	_ =	shalt  }
0x70: {  	_ =	shalt  }
0x71: {  	_ =	shalt  }
0x72: {  	_ =	shalt  }
0x73: {  	_ =	shalt  }
0x74: {  	_ =	shalt  }
0x75: {  	_ =	shalt  }
0x76: {  	_ =	shalt  }
0x77: {  	_ =	shalt  }
0x78: {  	_ =	shalt  }
0x79: {  	_ =	shalt  }
0x7a: {  	_ =	shalt  }
0x7b: {  	_ =	shalt  }
0x7c: {  	_ =	shalt  }
0x7d: {  	_ =	shalt  }
0x7e: {  	_ =	shalt  }
0x7f: {  	_ =	shalt  }
0x80: {  	_ =	shalt  }
0x81: {  	_ =	shalt  }
0x82: {  	_ =	shalt  }
0x83: {  	_ =	shalt  }
0x84: {  	_ =	shalt  }
0x85: {  	_ =	shalt  }
0x86: {  	_ =	shalt  }
0x87: {  	_ =	shalt  }
.Lfunc_end0:
.L_simem_size_0:
called_computation.1_lowered:
.L_overlay_start_0:
0x88: {  	s2 =	sld [smem:$0x3FD9]  }
0x89: {  	s3 =	sld [smem:$0x3FFE];
	_ =	sdelay $0x1  }
0x8a: {  	s1 =	srdreg.scid  }
0x8b: {  	s0 =	sand.u32 $0x1, s1  }
0x8c: {  	s16 =	sshll.u32 s0, $0xA;
	s2 =	sadd.s32 s3, s2  }
0x8d: {  	s2 =	sadd.s32 s2, s16  }
0x8e: {  	[smem:$0x3FBF] =	sst s2  }
0x8f: {  	_ = 	snop  }
0x90: {  	(tm) =	ssettm $0x1  }
0x91: {  	s17 =	sld [smem:$0x3FFB];
	_ =	sdelay $0x3  }
0x92: {  	_ =	strace s17  }
0x93: {  	s2 =	sld [smem:$0x3FFC];
	_ =	sdelay $0x3  }
0x94: {  	_ =	strace s2  }
0x95: {  	s2 =	sld [smem:$0x3FFD];
	_ =	sdelay $0x3  }
0x96: {  	_ =	strace s2  }
0x97: {  	_ =	strace $0x8FFFFFFF  }
0x98: {  	s18 =	sld [smem:$0x3FDB];
	_ =	sdelay $0x1  }
0x99: {  	s19 =	simm.s32 $_scs_section_size  }
0x9a: {  	s4 =	simm.s32 $_size__tile_overlayer_lowered;
	s5 =	simm.s32 $_tile_overlayer_lowered  }
0x9b: {  	s22 =	simm.s32 $0x1BFF;
	s21 =	sshll.u32 s5, $0x1;
	s2 =	sadd.s32 s19, s18  }
0x9c: {  	s6 =	simm.s32 $0x0;
	s20 =	sshll.u32 s4, $0x1;
	s4 =	sadd.s32 s21, s2  }
0x9d: {  	[timem:s6], [sflag:s22] =	dma.local [hbm:s4], s20  }
0x9e: {  	_ =	swait.ge [sflag:s22], s20  }
0x9f: {  	s3 =	ssub.s32 $0x0, s20;
	[sflag:s22] =	ssyncset.done $0x0  }
0xa0: {  	[sflag:s22] =	ssyncadd.s32 s3;
	_ =	sdelay $0x1  }
0xa1: {  	s23 =	simm.s32 $0x1B8B  }
0xa2: {  	_ =	swait.ge [sflag:s23], $0x1  }
0xa3: {  	[sflag:s23] =	ssyncset.done $0x0  }
0xa4: {  	s25 =	simm.s32 $0x1B8E;
	s24 =	sld [smem:$0x3FFE];
	[sflag:s23] =	ssyncadd.s32 $0xFFFFFFFF  }
0xa5: {  	s26 =	simm.s32 $execute0_lowered;
	[smem:$0x3FD2] =	sst s25  }
0xa6: {  	s4 =	sshll.u32 s26, $0x1;
	_ =	strace $0x80000049;
	[dreg:$0x1] =	wrdreg $0xFFFFFFFF  }
0xa7: {  	s28 =	simm.s32 $_size_execute0_lowered;
	s2 =	sadd.s32 s2, s4;
	[dreg:$0x0] =	wrdreg $0x0  }
0xa8: {  	s4 =	sshll.u32 s28, $0x1;
	[dreg:$0x2] =	wrdreg s2  }
0xa9: {  	[dreg:$0x3] =	wrdreg s4  }
0xaa: {  	[dreg:$0x4] =	wrdreg $0xC0  }
0xab: {  	_ =	task [dreg:s6], $0x5FFFF  }
0xac: {  	[dreg:$0x1] =	wrdreg $0xFFFFFFFF  }
0xad: {  	[dreg:$0x0] =	wrdreg $0x60  }
0xae: {  	[dreg:$0x2] =	wrdreg s24  }
0xaf: {  	[dreg:$0x3] =	wrdreg $0x84000  }
0xb0: {  	[dreg:$0x4] =	wrdreg $0x9  }
0xb1: {  	_ =	task.clear_ibuf [dreg:s6], $0x5FFFF;
	_ =	strace $0x90000049  }
0xb2: {  	s29 =	simm.s32 $0x9;
	_ =	strace $0x8000004B  }
0xb3: {  	_ =	swait.ge [sflag:s29], $0x1  }
0xb4: {  	[sflag:s29] =	ssyncadd.s32 $0xFFFFFFFF  }
0xb5: {  	_ =	strace $0x9000004B  }
0xb6: {  	_ =	sfence  }
0xb7: {  	s30 =	sld [smem:$0x0];
	_ =	sdelay $0x2  }
0xb8: {  	s31 =	sshll.u32 s1, $0xD;
	s1 =	sshrl.u32 s1, $0x2  }
0xb9: {  	s3 =	sand.u32 $0x4000, s31;
	s1 =	sadd.s32 s1, s30  }
0xba: {  	s0 =	sor.u32 s3, s0;
	s1 =	sshll.u32 s1, $0x11  }
0xbb: {  	s0 =	sor.u32 s1, s0  }
0xbc: {  	s0 =	sadd.s32 $0x8F2B, s0  }
0xbd: {  	[sflag:s0] =	ssyncadd.remote.s32 $0x1  }
0xbe: {  	_ =	sfence.sel $0xFFFF  }
0xbf: {  	[dreg:$0x0] =	wrdreg $0xFFFFFFFF;
	(pc) =	sbr.abs _section_cstart, $3  }
0xc0: {  	[dreg:$0x1] =	wrdreg $0xFFFFFFFF  }
0xc1: {  	_ =	task.clear_ibuf [dreg:s6], $0x2FFFF;
	_ =	strace $0x9FFFFFFF  }
0xc2: {  	(tm) =	ssettm $0x7FFFFFFF  }
0xc3: {  	_ =	shalt  }
tec
execute0_lowered:
.L_overlay_start_1:
0x0: {  	(tag) =	ssettag $0x1  }
0x1: {  	s0 =	rddreg [dreg:$0x0]  }
0x2: {  	s1 =	rddreg [dreg:$0x1];
	s2 =	srdreg.scid  }
0x3: {  	s3 =	simm.s32 $0x0;
	s12 =	stileid.u32;
	s28 =	simm.s32 $0x180  }
0x4: {  	s29 =	simm.s32 $0x380;
	s30 =	simm.s32 $0x3;
	s31 =	simm.s32 $0x400  }
0x5: {  	s13 =	simm.s32 $0x0;
	s2 =	sand.u32 $0x1, s2;
	[smem:$0x7FF] =	sst s3  }
0x6: {  	s8 =	smul.u32 $0x13C00, s12;
	s4 =	sadd.s32 $0x16400, s0;
	s5 =	sadd.s32 $0xC400, s0  }
0x7: {  	s6 =	sadd.s32 $0x2400, s0;
	s14 =	sshll.u32 s12, $0x1;
	s15 =	smul.u32 $0x4E400, s12  }
0x8: {  	s16 =	sadd.s32 $0x3D600, s0;
	s18 =	sshll.u32 s12, $0x6;
	s12 =	simm.s32 $0x6  }
0x9: {  	s7 =	smul.u32 $0x13C000, s2;
	_ =	strace $0x8000004A;
	s9 =	ssub.s32 $0x2, s2  }
0xa: {  	s2 =	sor.u32 s2, s14;
	[dreg:$0x3] =	wrdreg s16;
	s11 =	sshrl.u32 s9, $0x1  }
0xb: {  	s7 =	sadd.s32 s8, s7;
	s17 =	ssub.s32 s9, s11;
	s8 =	sshrl.u32 s15, $0x2  }
0xc: {  	s9 =	sor.u32 $0x1C07, s18;
	s10 =	sshrl.u32 s7, $0x3;
	s7 =	smul.u32 $0x2800, s2  }
0xd: {  	s8 =	sadd.s32 s8, s1;
	s2 =	simm.s32 $0x4400;
	s0 =	sadd.s32 s10, s0  }
0xe: {  	s19 =	sshrl.u32 s7, $0x3;
	s18 =	sadd.s32 $0x3FE00, s0;
	s0 =	simm.s32 $0x4  }
0xf: {  	s20 =	sor.u32 $0x10, s19;
	s21 =	sadd.s32 s5, s19;
	s22 =	sadd.s32 s6, s19  }
0x10: {  	s24 =	sor.u32 $0x20, s19;
	s10 =	sor.u32 $0x30, s19;
	[dreg:$0x4] =	wrdreg s21  }
0x11: {  	s19 =	smax.u32 s17, $0x1;
	[dreg:$0x5] =	wrdreg s22;
	s23 =	sadd.s32 s5, s20  }
0x12: {  	s11 =	sadd.s32 s6, s20;
	s25 =	sadd.s32 s5, s24;
	[dreg:$0x6] =	wrdreg s23  }
0x13: {  	s26 =	sadd.s32 s5, s10;
	s10 =	sadd.s32 s6, s10;
	[dreg:$0x7] =	wrdreg s11  }
0x14: {  	s20 =	sshrl.u32 s8, $0x3;
	s21 =	simm.s32 $0x7;
	[dreg:$0x8] =	wrdreg s25  }
0x15: {  	s22 =	simm.s32 $0x200;
	s8 =	simm.s32 $0x1;
	[dreg:$0xa] =	wrdreg s26  }
0x16: {  	s11 =	sadd.s32 s6, s24;
	[dreg:$0xb] =	wrdreg s10;
	s23 =	simm.s32 $0x80  }
0x17: {  	s24 =	simm.s32 $0x280;
	s25 =	simm.s32 $0x100;
	s26 =	simm.s32 $0x300  }
0x18: {  	s10 =	simm.s32 $0x5;
	[dreg:$0x9] =	wrdreg s11;
	s11 =	simm.s32 $0x2  }
.LBB2_1:
0x19: {  	s14 =	rddreg [dreg:$0x3]  }
0x1a: {  	[spmem:s20], [sflag:s9] =	dma.local [hbm:s14], $0x2720  }
0x1b: {  	_ =	swait.ge [sflag:s21], $0x2720  }
0x1c: {  	[sflag:s21] =	ssyncset.done $0x0  }
0x1d: {  	[sflag:s21] =	ssyncadd.s32 $0xFFFFD8E0  }
0x1e: {  	[bflag:$0x0] =	sbarrier.arrive $0xFFFF  }
0x1f: {  	s17 =	rddreg [dreg:$0x4]  }
0x20: {  	[tilespmem:s3], [sflag:$0x3] =	stream.linear.gather [hbm4b:s17+s3], $0x80, $0x38;
	[tilespmem:$0x1BD00] =	vst v63  }
0x21: {  	s15 =	rddreg [dreg:$0x5]  }
0x22: {  	[tilespmem:s22], [sflag:$0x3] =	stream.linear.gather [hbm4b:s15+s3], $0x80, $0x38;
	[tilespmem:$0x1BD00] =	vst v63  }
0x23: {  	s16 =	rddreg [dreg:$0x6]  }
0x24: {  	[tilespmem:s23], [sflag:$0x4] =	stream.linear.gather [hbm4b:s16+s3], $0x80, $0x38;
	[tilespmem:$0x1BD00] =	vst v63  }
0x25: {  	s17 =	rddreg [dreg:$0x7]  }
0x26: {  	[tilespmem:s24], [sflag:$0x4] =	stream.linear.gather [hbm4b:s17+s3], $0x80, $0x38;
	[tilespmem:$0x1BD00] =	vst v63  }
0x27: {  	s15 =	rddreg [dreg:$0x8]  }
0x28: {  	[tilespmem:s25], [sflag:$0x5] =	stream.linear.gather [hbm4b:s15+s3], $0x80, $0x38;
	[tilespmem:$0x1BD00] =	vst v63  }
0x29: {  	s16 =	rddreg [dreg:$0x9]  }
0x2a: {  	[tilespmem:s26], [sflag:$0x5] =	stream.linear.gather [hbm4b:s16+s3], $0x80, $0x38;
	[tilespmem:$0x1BD00] =	vst v63  }
0x2b: {  	s17 =	rddreg [dreg:$0xa]  }
0x2c: {  	[tilespmem:s28], [sflag:$0x6] =	stream.linear.gather [hbm4b:s17+s3], $0x80, $0x38;
	[tilespmem:$0x1BD00] =	vst v63  }
0x2d: {  	s15 =	rddreg [dreg:$0xb]  }
0x2e: {  	[tilespmem:s29], [sflag:$0x6] =	stream.linear.gather [hbm4b:s15+s3], $0x80, $0x38;
	[tilespmem:$0x1BD00] =	vst v63  }
0x2f: {  	_ =	swait.ge [sflag:s30], $0x80  }
0x30: {  	[sflag:s30] =	ssyncset.done $0x0  }
0x31: {  	[sflag:s30] =	ssyncadd.s32 $0xFFFFFF80  }
0x32: {  	_ =	swait.ge [sflag:s30], $0x80  }
0x33: {  	[sflag:s30] =	ssyncset.done $0x0  }
0x34: {  	[sflag:s30] =	ssyncadd.s32 $0xFFFFFF80  }
0x35: {  	[tilespmem:s31], [sflag:$0x1] =	stream.indirect.gather [hbm4b:s4+s23], $0x80, s3, s23, $0xb8;
	[tilespmem:$0x1BD00] =	vst v63  }
0x36: {  	_ =	swait.ge [sflag:s0], $0x80  }
0x37: {  	[sflag:s0] =	ssyncset.done $0x0  }
0x38: {  	[sflag:s0] =	ssyncadd.s32 $0xFFFFFF80  }
0x39: {  	_ =	swait.ge [sflag:s0], $0x80  }
0x3a: {  	s16 =	smin.u32 s3, $0x4B;
	[sflag:s0] =	ssyncset.done $0x0  }
0x3b: {  	s14 =	sshll.u32 s16, $0x7;
	[sflag:s0] =	ssyncadd.s32 $0xFFFFFF80  }
0x3c: {  	[tilespmem:s2], [sflag:$0x2] =	stream.indirect.gather [hbm4b:s4+s23], $0x80, s23, s23, $0xb8;
	[tilespmem:$0x1BD00] =	vst v63  }
0x3d: {  	s14 =	sadd.s32 $0x200, s14;
	_ =	swait.ge [sflag:s8], $0x4000  }
0x3e: {  	s15 =	sand.u32 $0x7C00, s14;
	[sflag:s8] =	ssyncset.done $0x0  }
0x3f: {  	s14 =	sand.u32 $0x380, s14;
	s15 =	sadd.s32 s7, s15;
	[sflag:s8] =	ssyncadd.s32 $0xFFFFC000  }
0x40: {  	[spmem:s1] =	stream.indirect.scatter.add.f32 [tilespmem:s31], [sflag:$0x7], $0x80, s22, s23, $0xb8;
	[tilespmem:$0x1BD00] =	vst v63  }
0x41: {  	s14 =	sor.u32 s14, s15;
	_ =	swait.ge [sflag:s21], $0x4000  }
0x42: {  	s14 =	sshrl.u32 s14, $0x3;
	[sflag:s21] =	ssyncset.done $0x0  }
0x43: {  	s17 =	sadd.s32 s5, s14;
	[sflag:s21] =	ssyncadd.s32 $0xFFFFC000  }
0x44: {  	[tilespmem:s3], [sflag:$0x3] =	stream.linear.gather [hbm4b:s17+s3], $0x80, $0x38;
	[tilespmem:$0x1BD00] =	vst v63  }
0x45: {  	s14 =	sadd.s32 s6, s14  }
0x46: {  	[tilespmem:s22], [sflag:$0x3] =	stream.linear.gather [hbm4b:s14+s3], $0x80, $0x38;
	[tilespmem:$0x1BD00] =	vst v63  }
0x47: {  	_ =	swait.ge [sflag:s10], $0x80  }
0x48: {  	[sflag:s10] =	ssyncset.done $0x0  }
0x49: {  	[sflag:s10] =	ssyncadd.s32 $0xFFFFFF80  }
0x4a: {  	_ =	swait.ge [sflag:s10], $0x80  }
0x4b: {  	s15 =	smin.u32 s3, $0x4A;
	[sflag:s10] =	ssyncset.done $0x0  }
0x4c: {  	s14 =	sshll.u32 s15, $0x7;
	[sflag:s10] =	ssyncadd.s32 $0xFFFFFF80  }
0x4d: {  	[tilespmem:s31], [sflag:$0x1] =	stream.indirect.gather [hbm4b:s4+s23], $0x80, s25, s23, $0xb8;
	[tilespmem:$0x1BD00] =	vst v63  }
0x4e: {  	s14 =	sadd.s32 $0x280, s14;
	_ =	swait.ge [sflag:s11], $0x4000  }
0x4f: {  	s16 =	sand.u32 $0x7C00, s14;
	[sflag:s11] =	ssyncset.done $0x0  }
0x50: {  	s14 =	sand.u32 $0x380, s14;
	s15 =	sadd.s32 s7, s16;
	[sflag:s11] =	ssyncadd.s32 $0xFFFFC000  }
0x51: {  	[spmem:s1] =	stream.indirect.scatter.add.f32 [tilespmem:s2], [sflag:$0x7], $0x80, s24, s23, $0xb8;
	[tilespmem:$0x1BD00] =	vst v63  }
0x52: {  	s14 =	sor.u32 s14, s15;
	_ =	swait.ge [sflag:s21], $0x4000  }
0x53: {  	s14 =	sshrl.u32 s14, $0x3;
	[sflag:s21] =	ssyncset.done $0x0  }
0x54: {  	s17 =	sadd.s32 s5, s14;
	[sflag:s21] =	ssyncadd.s32 $0xFFFFC000  }
0x55: {  	[tilespmem:s23], [sflag:$0x4] =	stream.linear.gather [hbm4b:s17+s3], $0x80, $0x38;
	[tilespmem:$0x1BD00] =	vst v63  }
0x56: {  	s14 =	sadd.s32 s6, s14  }
0x57: {  	[tilespmem:s24], [sflag:$0x4] =	stream.linear.gather [hbm4b:s14+s3], $0x80, $0x38;
	[tilespmem:$0x1BD00] =	vst v63  }
0x58: {  	_ =	swait.ge [sflag:s12], $0x80  }
0x59: {  	[sflag:s12] =	ssyncset.done $0x0  }
0x5a: {  	[sflag:s12] =	ssyncadd.s32 $0xFFFFFF80  }
0x5b: {  	_ =	swait.ge [sflag:s12], $0x80  }
0x5c: {  	s15 =	smin.u32 s3, $0x49;
	[sflag:s12] =	ssyncset.done $0x0  }
0x5d: {  	s14 =	sshll.u32 s15, $0x7;
	[sflag:s12] =	ssyncadd.s32 $0xFFFFFF80  }
0x5e: {  	[tilespmem:s2], [sflag:$0x2] =	stream.indirect.gather [hbm4b:s4+s23], $0x80, s28, s23, $0xb8;
	[tilespmem:$0x1BD00] =	vst v63  }
0x5f: {  	s14 =	sadd.s32 $0x300, s14;
	_ =	swait.ge [sflag:s8], $0x4000  }
0x60: {  	s16 =	sand.u32 $0x7C00, s14;
	[sflag:s8] =	ssyncset.done $0x0  }
0x61: {  	s14 =	sand.u32 $0x380, s14;
	s15 =	sadd.s32 s7, s16;
	[sflag:s8] =	ssyncadd.s32 $0xFFFFC000  }
0x62: {  	[spmem:s1] =	stream.indirect.scatter.add.f32 [tilespmem:s31], [sflag:$0x7], $0x80, s26, s23, $0xb8;
	[tilespmem:$0x1BD00] =	vst v63  }
0x63: {  	s14 =	sor.u32 s14, s15;
	_ =	swait.ge [sflag:s21], $0x4000  }
0x64: {  	s14 =	sshrl.u32 s14, $0x3;
	[sflag:s21] =	ssyncset.done $0x0  }
0x65: {  	s17 =	sadd.s32 s5, s14;
	[sflag:s21] =	ssyncadd.s32 $0xFFFFC000  }
0x66: {  	[tilespmem:s25], [sflag:$0x5] =	stream.linear.gather [hbm4b:s17+s3], $0x80, $0x38;
	[tilespmem:$0x1BD00] =	vst v63  }
0x67: {  	s14 =	sadd.s32 s6, s14  }
0x68: {  	[tilespmem:s26], [sflag:$0x5] =	stream.linear.gather [hbm4b:s14+s3], $0x80, $0x38;
	[tilespmem:$0x1BD00] =	vst v63  }
0x69: {  	_ =	swait.ge [sflag:s30], $0x80  }
0x6a: {  	[sflag:s30] =	ssyncset.done $0x0  }
0x6b: {  	[sflag:s30] =	ssyncadd.s32 $0xFFFFFF80  }
0x6c: {  	_ =	swait.ge [sflag:s30], $0x80  }
0x6d: {  	s15 =	smin.u32 s3, $0x48;
	[sflag:s30] =	ssyncset.done $0x0  }
0x6e: {  	s14 =	sshll.u32 s15, $0x7;
	[sflag:s30] =	ssyncadd.s32 $0xFFFFFF80  }
0x6f: {  	[tilespmem:s31], [sflag:$0x1] =	stream.indirect.gather [hbm4b:s4+s23], $0x80, s3, s23, $0xb8;
	[tilespmem:$0x1BD00] =	vst v63  }
0x70: {  	s14 =	sadd.s32 $0x380, s14;
	_ =	swait.ge [sflag:s11], $0x4000  }
0x71: {  	s16 =	sand.u32 $0x7C00, s14;
	[sflag:s11] =	ssyncset.done $0x0  }
0x72: {  	s14 =	sand.u32 $0x380, s14;
	s15 =	sadd.s32 s7, s16;
	[sflag:s11] =	ssyncadd.s32 $0xFFFFC000  }
0x73: {  	[spmem:s1] =	stream.indirect.scatter.add.f32 [tilespmem:s2], [sflag:$0x7], $0x80, s29, s23, $0xb8;
	[tilespmem:$0x1BD00] =	vst v63  }
0x74: {  	s14 =	sor.u32 s14, s15;
	_ =	swait.ge [sflag:s21], $0x4000  }
0x75: {  	s14 =	sshrl.u32 s14, $0x3;
	[sflag:s21] =	ssyncset.done $0x0  }
0x76: {  	s17 =	sadd.s32 s5, s14;
	[sflag:s21] =	ssyncadd.s32 $0xFFFFC000  }
0x77: {  	[tilespmem:s28], [sflag:$0x6] =	stream.linear.gather [hbm4b:s17+s3], $0x80, $0x38;
	[tilespmem:$0x1BD00] =	vst v63  }
0x78: {  	s14 =	sadd.s32 s6, s14  }
0x79: {  	[tilespmem:s29], [sflag:$0x6] =	stream.linear.gather [hbm4b:s14+s3], $0x80, $0x38;
	[tilespmem:$0x1BD00] =	vst v63  }
0x7a: {  	s14 =	simm.s32 $0x4  }
.LBB2_2:
0x7b: {  	p0 =	sne.s32 s14, $0x4C  }
0x7c: {  	_ =	swait.ge [sflag:s0], $0x80;
	s15 =	smov.u32 s14;
	s14 =	sadd.s32 $0x4, s14  }
0x7d: {  	s16 =	smin.u32 s15, $0x4B;
	[sflag:s0] =	ssyncset.done $0x0  }
0x7e: {  	s16 =	sshll.u32 s16, $0x7;
	[sflag:s0] =	ssyncadd.s32 $0xFFFFFF80  }
0x7f: {  	s16 =	sadd.s32 $0x200, s16;
	_ =	swait.ge [sflag:s0], $0x80  }
0x80: {  	s17 =	sand.u32 $0x7C00, s16;
	[sflag:s0] =	ssyncset.done $0x0  }
0x81: {  	s16 =	sand.u32 $0x380, s16;
	s17 =	sadd.s32 s7, s17;
	[sflag:s0] =	ssyncadd.s32 $0xFFFFFF80  }
0x82: {  	[tilespmem:s2], [sflag:$0x2] =	stream.indirect.gather [hbm4b:s4+s23], $0x80, s23, s23, $0xb8;
	[tilespmem:$0x1BD00] =	vst v63  }
0x83: {  	s16 =	sor.u32 s16, s17;
	_ =	swait.ge [sflag:s8], $0x4000  }
0x84: {  	[sflag:s8] =	ssyncset.done $0x0  }
0x85: {  	s16 =	sshrl.u32 s16, $0x3;
	[sflag:s8] =	ssyncadd.s32 $0xFFFFC000  }
0x86: {  	[spmem:s1] =	stream.indirect.scatter.add.f32 [tilespmem:s31], [sflag:$0x7], $0x80, s22, s23, $0xb8;
	[tilespmem:$0x1BD00] =	vst v63  }
0x87: {  	s17 =	sadd.s32 s5, s16;
	_ =	swait.ge [sflag:s21], $0x4000  }
0x88: {  	[sflag:s21] =	ssyncset.done $0x0  }
0x89: {  	[sflag:s21] =	ssyncadd.s32 $0xFFFFC000  }
0x8a: {  	[tilespmem:s3], [sflag:$0x3] =	stream.linear.gather [hbm4b:s17+s3], $0x80, $0x38;
	[tilespmem:$0x1BD00] =	vst v63  }
0x8b: {  	s16 =	sadd.s32 s6, s16  }
0x8c: {  	[tilespmem:s22], [sflag:$0x3] =	stream.linear.gather [hbm4b:s16+s3], $0x80, $0x38;
	[tilespmem:$0x1BD00] =	vst v63  }
0x8d: {  	_ =	swait.ge [sflag:s10], $0x80  }
0x8e: {  	[sflag:s10] =	ssyncset.done $0x0  }
0x8f: {  	[sflag:s10] =	ssyncadd.s32 $0xFFFFFF80  }
0x90: {  	s16 =	smin.u32 s15, $0x4A;
	_ =	swait.ge [sflag:s10], $0x80  }
0x91: {  	s16 =	sshll.u32 s16, $0x7;
	[sflag:s10] =	ssyncset.done $0x0  }
0x92: {  	s16 =	sadd.s32 $0x280, s16;
	[sflag:s10] =	ssyncadd.s32 $0xFFFFFF80  }
0x93: {  	[tilespmem:s31], [sflag:$0x1] =	stream.indirect.gather [hbm4b:s4+s23], $0x80, s25, s23, $0xb8;
	[tilespmem:$0x1BD00] =	vst v63  }
0x94: {  	s17 =	sand.u32 $0x7C00, s16;
	_ =	swait.ge [sflag:s11], $0x4000  }
0x95: {  	s16 =	sand.u32 $0x380, s16;
	s17 =	sadd.s32 s7, s17;
	[sflag:s11] =	ssyncset.done $0x0  }
0x96: {  	s16 =	sor.u32 s16, s17;
	[sflag:s11] =	ssyncadd.s32 $0xFFFFC000  }
0x97: {  	[spmem:s1] =	stream.indirect.scatter.add.f32 [tilespmem:s2], [sflag:$0x7], $0x80, s24, s23, $0xb8;
	[tilespmem:$0x1BD00] =	vst v63  }
0x98: {  	s16 =	sshrl.u32 s16, $0x3;
	_ =	swait.ge [sflag:s21], $0x4000  }
0x99: {  	s17 =	sadd.s32 s5, s16;
	[sflag:s21] =	ssyncset.done $0x0  }
0x9a: {  	[sflag:s21] =	ssyncadd.s32 $0xFFFFC000  }
0x9b: {  	[tilespmem:s23], [sflag:$0x4] =	stream.linear.gather [hbm4b:s17+s3], $0x80, $0x38;
	[tilespmem:$0x1BD00] =	vst v63  }
0x9c: {  	s16 =	sadd.s32 s6, s16  }
0x9d: {  	[tilespmem:s24], [sflag:$0x4] =	stream.linear.gather [hbm4b:s16+s3], $0x80, $0x38;
	[tilespmem:$0x1BD00] =	vst v63  }
0x9e: {  	_ =	swait.ge [sflag:s12], $0x80  }
0x9f: {  	[sflag:s12] =	ssyncset.done $0x0  }
0xa0: {  	[sflag:s12] =	ssyncadd.s32 $0xFFFFFF80  }
0xa1: {  	_ =	swait.ge [sflag:s12], $0x80  }
0xa2: {  	s16 =	smin.u32 s15, $0x49;
	[sflag:s12] =	ssyncset.done $0x0  }
0xa3: {  	s16 =	sshll.u32 s16, $0x7;
	[sflag:s12] =	ssyncadd.s32 $0xFFFFFF80  }
0xa4: {  	[tilespmem:s2], [sflag:$0x2] =	stream.indirect.gather [hbm4b:s4+s23], $0x80, s28, s23, $0xb8;
	[tilespmem:$0x1BD00] =	vst v63  }
0xa5: {  	s16 =	sadd.s32 $0x300, s16;
	_ =	swait.ge [sflag:s8], $0x4000  }
0xa6: {  	s17 =	sand.u32 $0x7C00, s16;
	s16 =	sand.u32 $0x380, s16;
	[sflag:s8] =	ssyncset.done $0x0  }
0xa7: {  	s17 =	sadd.s32 s7, s17;
	[sflag:s8] =	ssyncadd.s32 $0xFFFFC000  }
0xa8: {  	[spmem:s1] =	stream.indirect.scatter.add.f32 [tilespmem:s31], [sflag:$0x7], $0x80, s26, s23, $0xb8;
	[tilespmem:$0x1BD00] =	vst v63  }
0xa9: {  	s16 =	sor.u32 s16, s17;
	_ =	swait.ge [sflag:s21], $0x4000  }
0xaa: {  	s16 =	sshrl.u32 s16, $0x3;
	[sflag:s21] =	ssyncset.done $0x0  }
0xab: {  	s17 =	sadd.s32 s5, s16;
	s16 =	sadd.s32 s6, s16;
	[sflag:s21] =	ssyncadd.s32 $0xFFFFC000  }
0xac: {  	[tilespmem:s25], [sflag:$0x5] =	stream.linear.gather [hbm4b:s17+s3], $0x80, $0x38;
	[tilespmem:$0x1BD00] =	vst v63  }
0xad: {  	_ = 	snop  }
0xae: {  	[tilespmem:s26], [sflag:$0x5] =	stream.linear.gather [hbm4b:s16+s3], $0x80, $0x38;
	[tilespmem:$0x1BD00] =	vst v63  }
0xaf: {  	_ =	swait.ge [sflag:s30], $0x80  }
0xb0: {  	[sflag:s30] =	ssyncset.done $0x0  }
0xb1: {  	[sflag:s30] =	ssyncadd.s32 $0xFFFFFF80  }
0xb2: {  	_ =	swait.ge [sflag:s30], $0x80  }
0xb3: {  	[sflag:s30] =	ssyncset.done $0x0  }
0xb4: {  	s15 =	smin.u32 s15, $0x48;
	[sflag:s30] =	ssyncadd.s32 $0xFFFFFF80  }
0xb5: {  	[tilespmem:s31], [sflag:$0x1] =	stream.indirect.gather [hbm4b:s4+s23], $0x80, s3, s23, $0xb8;
	[tilespmem:$0x1BD00] =	vst v63  }
0xb6: {  	s15 =	sshll.u32 s15, $0x7;
	_ =	swait.ge [sflag:s11], $0x4000  }
0xb7: {  	s15 =	sadd.s32 $0x380, s15;
	[sflag:s11] =	ssyncset.done $0x0  }
0xb8: {  	s16 =	sand.u32 $0x7C00, s15;
	s15 =	sand.u32 $0x380, s15;
	[sflag:s11] =	ssyncadd.s32 $0xFFFFC000  }
0xb9: {  	[spmem:s1] =	stream.indirect.scatter.add.f32 [tilespmem:s2], [sflag:$0x7], $0x80, s29, s23, $0xb8;
	[tilespmem:$0x1BD00] =	vst v63  }
0xba: {  	s16 =	sadd.s32 s7, s16;
	_ =	swait.ge [sflag:s21], $0x4000  }
0xbb: {  	s15 =	sor.u32 s15, s16;
	[sflag:s21] =	ssyncset.done $0x0  }
.Ltmp0:
0xbc: {  	s15 =	sshrl.u32 s15, $0x3;
	[sflag:s21] =	ssyncadd.s32 $0xFFFFC000;
	(pc) =	sbr.rel @p0 .LBB2_2-.Ltmp0, $4  }
0xbd: {  	s16 =	sadd.s32 s5, s15;
	s15 =	sadd.s32 s6, s15  }
0xbe: {  	[tilespmem:s28], [sflag:$0x6] =	stream.linear.gather [hbm4b:s16+s3], $0x80, $0x38;
	[tilespmem:$0x1BD00] =	vst v63  }
0xbf: {  	_ = 	snop  }
0xc0: {  	[tilespmem:s29], [sflag:$0x6] =	stream.linear.gather [hbm4b:s15+s3], $0x80, $0x38;
	[tilespmem:$0x1BD00] =	vst v63  }
0xc1: {  	_ =	swait.ge [sflag:s0], $0x80  }
0xc2: {  	[sflag:s0] =	ssyncset.done $0x0  }
0xc3: {  	[sflag:s0] =	ssyncadd.s32 $0xFFFFFF80  }
0xc4: {  	_ =	swait.ge [sflag:s0], $0x80  }
0xc5: {  	[sflag:s0] =	ssyncset.done $0x0  }
0xc6: {  	[sflag:s0] =	ssyncadd.s32 $0xFFFFFF80  }
0xc7: {  	[tilespmem:s2], [sflag:$0x2] =	stream.indirect.gather [hbm4b:s4+s23], $0x80, s23, s23, $0xb8;
	[tilespmem:$0x1BD00] =	vst v63  }
0xc8: {  	_ =	swait.ge [sflag:s10], $0x80  }
0xc9: {  	[sflag:s10] =	ssyncset.done $0x0  }
0xca: {  	[sflag:s10] =	ssyncadd.s32 $0xFFFFFF80  }
0xcb: {  	_ =	swait.ge [sflag:s10], $0x80  }
0xcc: {  	[sflag:s10] =	ssyncset.done $0x0  }
0xcd: {  	[sflag:s10] =	ssyncadd.s32 $0xFFFFFF80  }
0xce: {  	_ =	swait.ge [sflag:s12], $0x80  }
0xcf: {  	[sflag:s12] =	ssyncset.done $0x0  }
0xd0: {  	[sflag:s12] =	ssyncadd.s32 $0xFFFFFF80  }
0xd1: {  	_ =	swait.ge [sflag:s12], $0x80  }
0xd2: {  	[sflag:s12] =	ssyncset.done $0x0  }
0xd3: {  	[sflag:s12] =	ssyncadd.s32 $0xFFFFFF80  }
0xd4: {  	_ =	swait.ge [sflag:s8], $0x4000  }
0xd5: {  	[sflag:s8] =	ssyncset.done $0x0  }
0xd6: {  	[sflag:s8] =	ssyncadd.s32 $0xFFFFC000  }
0xd7: {  	_ =	swait.ge [sflag:s11], $0x4000  }
0xd8: {  	s13 =	sadd.s32 $0x1, s13;
	[sflag:s11] =	ssyncset.done $0x0  }
0xd9: {  	p0 =	sne.s32 s13, s19;
	[sflag:s11] =	ssyncadd.s32 $0xFFFFC000  }
.Ltmp1:
0xda: {  	[bflag:$0x0] =	sbarrier.arrive $0xFFFF;
	(pc) =	sbr.rel @p0 .LBB2_1-.Ltmp1, $4  }
0xdb: {  	[hbm:s18], [sflag:s9] =	dma.local [spmem:s20], $0x2720  }
0xdc: {  	_ =	swait.ge [sflag:s21], $0x2720  }
0xdd: {  	[sflag:s21] =	ssyncset.done $0x0  }
0xde: {  	[sflag:s21] =	ssyncadd.s32 $0xFFFFD8E0  }
0xdf: {  	_ =	sfence.sel $0x180000  }
0xe0: {  	[bflag:$0x0] =	sbarrier.arrive $0xFFFF  }
0xe1: {  	_ =	strace $0x9000004A  }
0xe2: {  	s0 =	stileid.u32;
	[bflag:$0x2] =	sbarrier.arrive $0xFFFF  }
0xe3: {  	p0 =	sne.s32 s0, $0x0;
	s0 =	rddreg [dreg:$0x2]  }
0xe4: {  	s0 =	sadd.s32 @!p0 $0x100000, s0  }
0xe5: {  	[sflag:s0] =	ssyncadd.tile.s32 @!p0 $0x1;
	_ =	shalt  }
.Lfunc_end2:
_tile_overlayer_lowered:
.L_overlay_start_2:
0xe6: {  	(tag) =	ssettag $0x2  }
0xe7: {  	s0 =	rddreg [dreg:$0x0];
	s2 =	stileid.u32  }
0xe8: {  	s1 =	rddreg [dreg:$0x1];
	p0 =	sne.s32 s2, $0x0  }
0xe9: {  	s3 =	rddreg [dreg:$0x2];
	[bflag:$0x3] =	sbarrier.arrive $0xFFFF;
	s2 =	simm.s32 @!p0 $0x1C07  }
0xea: {  	[timem:s3], [sflag:s2] =	dma.local @!p0 [hbm:s0], s1  }
0xeb: {  	s0 =	simm.s32 @!p0 $0x7  }
0xec: {  	_ =	swait.ge @!p0 [sflag:s0], s1  }
0xed: {  	s1 =	ssub.s32 @!p0 $0x0, s1;
	[sflag:s0] =	ssyncset.done @!p0 $0x0  }
0xee: {  	[sflag:s0] =	ssyncadd.s32 @!p0 s1  }
0xef: {  	[bflag:$0x3] =	sbarrier.arrive $0xFFFF  }
0xf0: {  	_ =	shalt  }

// kernel: kernel.14.cloned.1.call-start
scs
__scs_entry_jumppad:
0x0: {  	(pc) =	sbr.rel $0x88, $3  }
0x1: {  	(tag) =	ssettag $0x0;
	lr =	simm.s32 $0x1  }
0x2: {  	[smem:$0x3F98] =	sst lr;
	_ =	strace $0xD0000000  }
0x3: {  	_ = 	snop  }
0x4: {  	_ = 	snop  }
0x5: {  	_ = 	snop  }
0x6: {  	_ = 	snop  }
0x7: {  	_ = 	snop  }
__scs_overlays_trampoline_lowered:
0x8: {  	[smem:$0x3FA7] =	sst s0  }
0x9: {  	[smem:$0x3FA8] =	sst s1  }
0xa: {  	[smem:$0x3FA9] =	sst s2  }
0xb: {  	[smem:$0x3FAA] =	sst s3  }
0xc: {  	[smem:$0x3FAB] =	sst s4  }
0xd: {  	[smem:$0x3FAC] =	sst s5  }
0xe: {  	[smem:$0x3FAD] =	sst s6  }
0xf: {  	[smem:$0x3FAE] =	sst s7  }
0x10: {  	[smem:$0x3FAF] =	sst s8  }
0x11: {  	[smem:$0x3FB0] =	sst s9;
	s0 =	simm.s32 @!p0 $0x0  }
0x12: {  	s1 =	sld [smem:$0x3F96];
	s0 =	simm.s32 @p0 $0x1  }
0x13: {  	[smem:$0x3FB1] =	sst s0;
	s0 =	simm.s32 @!p1 $0x0  }
0x14: {  	s2 =	sld [smem:$0x3F95];
	s0 =	simm.s32 @p1 $0x1  }
0x15: {  	[smem:$0x3FB2] =	sst s0;
	s0 =	simm.s32 @!p2 $0x0  }
0x16: {  	s3 =	sld [smem:$0x3FDB];
	s0 =	simm.s32 @p2 $0x1  }
0x17: {  	s4 =	simm.s32 $0x1BF5;
	[smem:$0x3FB4] =	sst s0  }
0x18: {  	s0 =	sld [smem:$0x3F97];
	_ =	swait.ge [sflag:s4], $0x0  }
0x19: {  	s7 =	sld [smem:$0x3F98]  }
0x1a: {  	s8 =	sadd.s32 $0xFFFFE003, lr  }
0x1b: {  	s9 =	sadd.s32 $0xFFFFFEF7, lr;
	s5 =	simm.s32 $0xFFFFFFFF;
	p2 =	slt.u32 s8, $0xFFFFF086  }
0x1c: {  	p1 =	slt.u32 s9, $0xF7A;
	s5 =	simm.s32 @!p2 $0x0  }
0x1d: {  	s5 =	simm.s32 @p1 $0x1;
	p0 =	seq.s32 s7, s2  }
0x1e: {  	s7 =	smul.u32 @!p0 $0xF7A, s2;
	p2 =	seq.s32 @!p0 s5, $0x0  }
0x1f: {  	s9 =	smul.u32 $0xF7A, s1;
	s8 =	simm.s32 @!p0 $0x1BF5;
	p2 =	por !p2, p0  }
0x20: {  	[sflag:s8] =	ssyncset.s32 @!p0 $0xFFFFF086;
	s6 =	sadd.s32 @!p0 s3, s7;
	s7 =	simm.s32 @!p0 $0x108  }
0x21: {  	s3 =	sadd.s32 s3, s9;
	s6 =	sadd.s32 @!p0 $0x88, s6;
	s7 =	simm.s32 @p2 $0x1082  }
0x22: {  	[simem:s7], [sflag:s8] =	dma.local @!p0 [hbm:s6], $0xF7A  }
0x23: {  	s9 =	sor.u32 $0xD0000000, s2;
	s6 =	simm.s32 $0x108;
	_ =	swait.ge @!p0 [sflag:s8], $0x0  }
0x24: {  	s3 =	sadd.s32 $0x88, s3;
	s6 =	simm.s32 @!p1 $0x1082;
	[sflag:s4] =	ssyncset.s32 $0xFFFFF086  }
0x25: {  	[simem:s6], [sflag:s4] =	dma.local [hbm:s3], $0xF7A  }
0x26: {  	[smem:$0x3F98] =	sst s1;
	(tag) =	ssettag s2;
	_ =	strace s9  }
0x27: {  	s1 =	sld [smem:$0x3FA8]  }
0x28: {  	s2 =	sld [smem:$0x3FA9]  }
0x29: {  	s4 =	sld [smem:$0x3FAB]  }
0x2a: {  	p0 =	seq.s32 s5, $0x0;
	s5 =	sld [smem:$0x3FAC]  }
0x2b: {  	s6 =	sld [smem:$0x3FAD]  }
0x2c: {  	s7 =	sld [smem:$0x3FAE]  }
0x2d: {  	s3 =	simm.s32 $0x108;
	s8 =	sld [smem:$0x3FAF]  }
0x2e: {  	s3 =	simm.s32 @!p0 $0x1082;
	s9 =	sld [smem:$0x3FB0]  }
0x2f: {  	lr =	sadd.s32 s0, s3;
	s0 =	sld [smem:$0x3FA7]  }
0x30: {  	s3 =	sld [smem:$0x3FAA]  }
0x31: {  	[smem:$0x3FB3] =	sst s10  }
0x32: {  	s10 =	sld [smem:$0x3FB1];
	_ =	sdelay $0x3  }
0x33: {  	p0 =	seq.s32 s10, $0x1;
	s10 =	sld [smem:$0x3FB3];
	_ =	sdelay $0x3  }
0x34: {  	[smem:$0x3FB3] =	sst s10  }
0x35: {  	s10 =	sld [smem:$0x3FB2];
	_ =	sdelay $0x3  }
0x36: {  	p1 =	seq.s32 s10, $0x1;
	s10 =	sld [smem:$0x3FB3];
	_ =	sdelay $0x3  }
0x37: {  	[smem:$0x3FB3] =	sst s10  }
0x38: {  	s10 =	sld [smem:$0x3FB4]  }
0x39: {  	_ = 	snop;
	(pc) =	sbr.ind lr, $3  }
0x3a: {  	_ = 	snop  }
0x3b: {  	_ = 	snop  }
0x3c: {  	p2 =	seq.s32 s10, $0x1;
	s10 =	sld [smem:$0x3FB3]  }
0x3d: {  	_ =	shalt  }
0x3e: {  	_ =	shalt  }
0x3f: {  	_ =	shalt  }
0x40: {  	_ =	shalt  }
0x41: {  	_ =	shalt  }
0x42: {  	_ =	shalt  }
0x43: {  	_ =	shalt  }
0x44: {  	_ =	shalt  }
0x45: {  	_ =	shalt  }
0x46: {  	_ =	shalt  }
0x47: {  	_ =	shalt  }
0x48: {  	_ =	shalt  }
0x49: {  	_ =	shalt  }
0x4a: {  	_ =	shalt  }
0x4b: {  	_ =	shalt  }
0x4c: {  	_ =	shalt  }
0x4d: {  	_ =	shalt  }
0x4e: {  	_ =	shalt  }
0x4f: {  	_ =	shalt  }
0x50: {  	_ =	shalt  }
0x51: {  	_ =	shalt  }
0x52: {  	_ =	shalt  }
0x53: {  	_ =	shalt  }
0x54: {  	_ =	shalt  }
0x55: {  	_ =	shalt  }
0x56: {  	_ =	shalt  }
0x57: {  	_ =	shalt  }
0x58: {  	_ =	shalt  }
0x59: {  	_ =	shalt  }
0x5a: {  	_ =	shalt  }
0x5b: {  	_ =	shalt  }
0x5c: {  	_ =	shalt  }
0x5d: {  	_ =	shalt  }
0x5e: {  	_ =	shalt  }
0x5f: {  	_ =	shalt  }
0x60: {  	_ =	shalt  }
0x61: {  	_ =	shalt  }
0x62: {  	_ =	shalt  }
0x63: {  	_ =	shalt  }
0x64: {  	_ =	shalt  }
0x65: {  	_ =	shalt  }
0x66: {  	_ =	shalt  }
0x67: {  	_ =	shalt  }
0x68: {  	_ =	shalt  }
0x69: {  	_ =	shalt  }
0x6a: {  	_ =	shalt  }
0x6b: {  	_ =	shalt  }
0x6c: {  	_ =	shalt  }
0x6d: {  	_ =	shalt  }
0x6e: {  	_ =	shalt  }
0x6f: {  	_ =	shalt  }
0x70: {  	_ =	shalt  }
0x71: {  	_ =	shalt  }
0x72: {  	_ =	shalt  }
0x73: {  	_ =	shalt  }
0x74: {  	_ =	shalt  }
0x75: {  	_ =	shalt  }
0x76: {  	_ =	shalt  }
0x77: {  	_ =	shalt  }
0x78: {  	_ =	shalt  }
0x79: {  	_ =	shalt  }
0x7a: {  	_ =	shalt  }
0x7b: {  	_ =	shalt  }
0x7c: {  	_ =	shalt  }
0x7d: {  	_ =	shalt  }
0x7e: {  	_ =	shalt  }
0x7f: {  	_ =	shalt  }
0x80: {  	_ =	shalt  }
0x81: {  	_ =	shalt  }
0x82: {  	_ =	shalt  }
0x83: {  	_ =	shalt  }
0x84: {  	_ =	shalt  }
0x85: {  	_ =	shalt  }
0x86: {  	_ =	shalt  }
0x87: {  	_ =	shalt  }
.Lfunc_end0:
.L_simem_size_0:
called_computation.2_lowered:
.L_overlay_start_0:
0x88: {  	s2 =	sld [smem:$0x3FD9]  }
0x89: {  	s3 =	sld [smem:$0x3FFE];
	_ =	sdelay $0x1  }
0x8a: {  	s1 =	srdreg.scid  }
0x8b: {  	s0 =	sand.u32 $0x1, s1  }
0x8c: {  	s16 =	sshll.u32 s0, $0xA;
	s2 =	sadd.s32 s3, s2  }
0x8d: {  	s2 =	sadd.s32 s2, s16  }
0x8e: {  	[smem:$0x3FBF] =	sst s2  }
0x8f: {  	_ = 	snop  }
0x90: {  	(tm) =	ssettm $0x1  }
0x91: {  	s17 =	sld [smem:$0x3FFB];
	_ =	sdelay $0x3  }
0x92: {  	_ =	strace s17  }
0x93: {  	s2 =	sld [smem:$0x3FFC];
	_ =	sdelay $0x3  }
0x94: {  	_ =	strace s2  }
0x95: {  	s2 =	sld [smem:$0x3FFD];
	_ =	sdelay $0x3  }
0x96: {  	_ =	strace s2  }
0x97: {  	_ =	strace $0x8FFFFFFF  }
0x98: {  	s18 =	sld [smem:$0x3FDB];
	_ =	sdelay $0x1  }
0x99: {  	s19 =	simm.s32 $_scs_section_size  }
0x9a: {  	s4 =	simm.s32 $_size__tile_overlayer_lowered;
	s5 =	simm.s32 $_tile_overlayer_lowered  }
0x9b: {  	s22 =	simm.s32 $0x1BFF;
	s21 =	sshll.u32 s5, $0x1;
	s2 =	sadd.s32 s19, s18  }
0x9c: {  	s6 =	simm.s32 $0x0;
	s20 =	sshll.u32 s4, $0x1;
	s4 =	sadd.s32 s21, s2  }
0x9d: {  	[timem:s6], [sflag:s22] =	dma.local [hbm:s4], s20  }
0x9e: {  	_ =	swait.ge [sflag:s22], s20  }
0x9f: {  	s3 =	ssub.s32 $0x0, s20;
	[sflag:s22] =	ssyncset.done $0x0  }
0xa0: {  	[sflag:s22] =	ssyncadd.s32 s3;
	_ =	sdelay $0x1  }
0xa1: {  	s23 =	simm.s32 $0x1B8B  }
0xa2: {  	_ =	swait.ge [sflag:s23], $0x1  }
0xa3: {  	[sflag:s23] =	ssyncset.done $0x0  }
0xa4: {  	s25 =	simm.s32 $0x1B8E;
	s24 =	sld [smem:$0x3FFE];
	[sflag:s23] =	ssyncadd.s32 $0xFFFFFFFF  }
0xa5: {  	s26 =	simm.s32 $execute0_lowered;
	[smem:$0x3FD2] =	sst s25  }
0xa6: {  	s4 =	sshll.u32 s26, $0x1;
	_ =	strace $0x8000004C;
	[dreg:$0x1] =	wrdreg $0xFFFFFFFF  }
0xa7: {  	s28 =	simm.s32 $_size_execute0_lowered;
	s2 =	sadd.s32 s2, s4;
	[dreg:$0x0] =	wrdreg $0x0  }
0xa8: {  	s4 =	sshll.u32 s28, $0x1;
	[dreg:$0x2] =	wrdreg s2  }
0xa9: {  	[dreg:$0x3] =	wrdreg s4  }
0xaa: {  	[dreg:$0x4] =	wrdreg $0xC0  }
0xab: {  	_ =	task [dreg:s6], $0x5FFFF  }
0xac: {  	[dreg:$0x1] =	wrdreg $0xFFFFFFFF  }
0xad: {  	[dreg:$0x0] =	wrdreg $0x60  }
0xae: {  	[dreg:$0x2] =	wrdreg s24  }
0xaf: {  	[dreg:$0x3] =	wrdreg $0x84000  }
0xb0: {  	[dreg:$0x4] =	wrdreg $0x9  }
0xb1: {  	_ =	task.clear_ibuf [dreg:s6], $0x5FFFF;
	_ =	strace $0x9000004C  }
0xb2: {  	s29 =	simm.s32 $0x9;
	_ =	strace $0x8000004E  }
0xb3: {  	_ =	swait.ge [sflag:s29], $0x1  }
0xb4: {  	[sflag:s29] =	ssyncadd.s32 $0xFFFFFFFF  }
0xb5: {  	_ =	strace $0x9000004E  }
0xb6: {  	_ =	sfence  }
0xb7: {  	s30 =	sld [smem:$0x0];
	_ =	sdelay $0x2  }
0xb8: {  	s31 =	sshll.u32 s1, $0xD;
	s1 =	sshrl.u32 s1, $0x2  }
0xb9: {  	s3 =	sand.u32 $0x4000, s31;
	s1 =	sadd.s32 s1, s30  }
0xba: {  	s0 =	sor.u32 s3, s0;
	s1 =	sshll.u32 s1, $0x11  }
0xbb: {  	s0 =	sor.u32 s1, s0  }
0xbc: {  	s0 =	sadd.s32 $0x8F2B, s0  }
0xbd: {  	[sflag:s0] =	ssyncadd.remote.s32 $0x1  }
0xbe: {  	_ =	sfence.sel $0xFFFF  }
0xbf: {  	[dreg:$0x0] =	wrdreg $0xFFFFFFFF;
	(pc) =	sbr.abs _section_cstart, $3  }
0xc0: {  	[dreg:$0x1] =	wrdreg $0xFFFFFFFF  }
0xc1: {  	_ =	task.clear_ibuf [dreg:s6], $0x2FFFF;
	_ =	strace $0x9FFFFFFF  }
0xc2: {  	(tm) =	ssettm $0x7FFFFFFF  }
0xc3: {  	_ =	shalt  }
tec
execute0_lowered:
.L_overlay_start_1:
0x0: {  	(tag) =	ssettag $0x1  }
0x1: {  	s0 =	rddreg [dreg:$0x0]  }
0x2: {  	s1 =	rddreg [dreg:$0x1];
	s2 =	srdreg.scid  }
0x3: {  	s3 =	simm.s32 $0x0;
	s12 =	stileid.u32;
	s28 =	simm.s32 $0x180  }
0x4: {  	s29 =	simm.s32 $0x380;
	s30 =	simm.s32 $0x3;
	s31 =	simm.s32 $0x400  }
0x5: {  	s13 =	simm.s32 $0x0;
	s2 =	sand.u32 $0x1, s2;
	[smem:$0x7FF] =	sst s3  }
0x6: {  	s8 =	smul.u32 $0x13C00, s12;
	s4 =	sadd.s32 $0x16400, s0;
	s5 =	sadd.s32 $0xC400, s0  }
0x7: {  	s6 =	sadd.s32 $0x2400, s0;
	s14 =	sshll.u32 s12, $0x1;
	s15 =	smul.u32 $0x4E400, s12  }
0x8: {  	s16 =	sadd.s32 $0x3D600, s0;
	s18 =	sshll.u32 s12, $0x6;
	s12 =	simm.s32 $0x6  }
0x9: {  	s7 =	smul.u32 $0x13C000, s2;
	_ =	strace $0x8000004D;
	s9 =	ssub.s32 $0x2, s2  }
0xa: {  	s2 =	sor.u32 s2, s14;
	[dreg:$0x3] =	wrdreg s16;
	s11 =	sshrl.u32 s9, $0x1  }
0xb: {  	s7 =	sadd.s32 s8, s7;
	s17 =	ssub.s32 s9, s11;
	s8 =	sshrl.u32 s15, $0x2  }
0xc: {  	s9 =	sor.u32 $0x1C07, s18;
	s10 =	sshrl.u32 s7, $0x3;
	s7 =	smul.u32 $0x2800, s2  }
0xd: {  	s8 =	sadd.s32 s8, s1;
	s2 =	simm.s32 $0x4400;
	s0 =	sadd.s32 s10, s0  }
0xe: {  	s19 =	sshrl.u32 s7, $0x3;
	s18 =	sadd.s32 $0x3FE00, s0;
	s0 =	simm.s32 $0x4  }
0xf: {  	s20 =	sor.u32 $0x10, s19;
	s21 =	sadd.s32 s5, s19;
	s22 =	sadd.s32 s6, s19  }
0x10: {  	s24 =	sor.u32 $0x20, s19;
	s10 =	sor.u32 $0x30, s19;
	[dreg:$0x4] =	wrdreg s21  }
0x11: {  	s19 =	smax.u32 s17, $0x1;
	[dreg:$0x5] =	wrdreg s22;
	s23 =	sadd.s32 s5, s20  }
0x12: {  	s11 =	sadd.s32 s6, s20;
	s25 =	sadd.s32 s5, s24;
	[dreg:$0x6] =	wrdreg s23  }
0x13: {  	s26 =	sadd.s32 s5, s10;
	s10 =	sadd.s32 s6, s10;
	[dreg:$0x7] =	wrdreg s11  }
0x14: {  	s20 =	sshrl.u32 s8, $0x3;
	s21 =	simm.s32 $0x7;
	[dreg:$0x8] =	wrdreg s25  }
0x15: {  	s22 =	simm.s32 $0x200;
	s8 =	simm.s32 $0x1;
	[dreg:$0xa] =	wrdreg s26  }
0x16: {  	s11 =	sadd.s32 s6, s24;
	[dreg:$0xb] =	wrdreg s10;
	s23 =	simm.s32 $0x80  }
0x17: {  	s24 =	simm.s32 $0x280;
	s25 =	simm.s32 $0x100;
	s26 =	simm.s32 $0x300  }
0x18: {  	s10 =	simm.s32 $0x5;
	[dreg:$0x9] =	wrdreg s11;
	s11 =	simm.s32 $0x2  }
.LBB2_1:
0x19: {  	s14 =	rddreg [dreg:$0x3]  }
0x1a: {  	[spmem:s20], [sflag:s9] =	dma.local [hbm:s14], $0x2720  }
0x1b: {  	_ =	swait.ge [sflag:s21], $0x2720  }
0x1c: {  	[sflag:s21] =	ssyncset.done $0x0  }
0x1d: {  	[sflag:s21] =	ssyncadd.s32 $0xFFFFD8E0  }
0x1e: {  	[bflag:$0x0] =	sbarrier.arrive $0xFFFF  }
0x1f: {  	s17 =	rddreg [dreg:$0x4]  }
0x20: {  	[tilespmem:s3], [sflag:$0x3] =	stream.linear.gather [hbm4b:s17+s3], $0x80, $0x38;
	[tilespmem:$0x1BD00] =	vst v63  }
0x21: {  	s15 =	rddreg [dreg:$0x5]  }
0x22: {  	[tilespmem:s22], [sflag:$0x3] =	stream.linear.gather [hbm4b:s15+s3], $0x80, $0x38;
	[tilespmem:$0x1BD00] =	vst v63  }
0x23: {  	s16 =	rddreg [dreg:$0x6]  }
0x24: {  	[tilespmem:s23], [sflag:$0x4] =	stream.linear.gather [hbm4b:s16+s3], $0x80, $0x38;
	[tilespmem:$0x1BD00] =	vst v63  }
0x25: {  	s17 =	rddreg [dreg:$0x7]  }
0x26: {  	[tilespmem:s24], [sflag:$0x4] =	stream.linear.gather [hbm4b:s17+s3], $0x80, $0x38;
	[tilespmem:$0x1BD00] =	vst v63  }
0x27: {  	s15 =	rddreg [dreg:$0x8]  }
0x28: {  	[tilespmem:s25], [sflag:$0x5] =	stream.linear.gather [hbm4b:s15+s3], $0x80, $0x38;
	[tilespmem:$0x1BD00] =	vst v63  }
0x29: {  	s16 =	rddreg [dreg:$0x9]  }
0x2a: {  	[tilespmem:s26], [sflag:$0x5] =	stream.linear.gather [hbm4b:s16+s3], $0x80, $0x38;
	[tilespmem:$0x1BD00] =	vst v63  }
0x2b: {  	s17 =	rddreg [dreg:$0xa]  }
0x2c: {  	[tilespmem:s28], [sflag:$0x6] =	stream.linear.gather [hbm4b:s17+s3], $0x80, $0x38;
	[tilespmem:$0x1BD00] =	vst v63  }
0x2d: {  	s15 =	rddreg [dreg:$0xb]  }
0x2e: {  	[tilespmem:s29], [sflag:$0x6] =	stream.linear.gather [hbm4b:s15+s3], $0x80, $0x38;
	[tilespmem:$0x1BD00] =	vst v63  }
0x2f: {  	_ =	swait.ge [sflag:s30], $0x80  }
0x30: {  	[sflag:s30] =	ssyncset.done $0x0  }
0x31: {  	[sflag:s30] =	ssyncadd.s32 $0xFFFFFF80  }
0x32: {  	_ =	swait.ge [sflag:s30], $0x80  }
0x33: {  	[sflag:s30] =	ssyncset.done $0x0  }
0x34: {  	[sflag:s30] =	ssyncadd.s32 $0xFFFFFF80  }
0x35: {  	[tilespmem:s31], [sflag:$0x1] =	stream.indirect.gather [hbm4b:s4+s23], $0x80, s3, s23, $0xb8;
	[tilespmem:$0x1BD00] =	vst v63  }
0x36: {  	_ =	swait.ge [sflag:s0], $0x80  }
0x37: {  	[sflag:s0] =	ssyncset.done $0x0  }
0x38: {  	[sflag:s0] =	ssyncadd.s32 $0xFFFFFF80  }
0x39: {  	_ =	swait.ge [sflag:s0], $0x80  }
0x3a: {  	s16 =	smin.u32 s3, $0x4B;
	[sflag:s0] =	ssyncset.done $0x0  }
0x3b: {  	s14 =	sshll.u32 s16, $0x7;
	[sflag:s0] =	ssyncadd.s32 $0xFFFFFF80  }
0x3c: {  	[tilespmem:s2], [sflag:$0x2] =	stream.indirect.gather [hbm4b:s4+s23], $0x80, s23, s23, $0xb8;
	[tilespmem:$0x1BD00] =	vst v63  }
0x3d: {  	s14 =	sadd.s32 $0x200, s14;
	_ =	swait.ge [sflag:s8], $0x4000  }
0x3e: {  	s15 =	sand.u32 $0x7C00, s14;
	[sflag:s8] =	ssyncset.done $0x0  }
0x3f: {  	s14 =	sand.u32 $0x380, s14;
	s15 =	sadd.s32 s7, s15;
	[sflag:s8] =	ssyncadd.s32 $0xFFFFC000  }
0x40: {  	[spmem:s1] =	stream.indirect.scatter.add.f32 [tilespmem:s31], [sflag:$0x7], $0x80, s22, s23, $0xb8;
	[tilespmem:$0x1BD00] =	vst v63  }
0x41: {  	s14 =	sor.u32 s14, s15;
	_ =	swait.ge [sflag:s21], $0x4000  }
0x42: {  	s14 =	sshrl.u32 s14, $0x3;
	[sflag:s21] =	ssyncset.done $0x0  }
0x43: {  	s17 =	sadd.s32 s5, s14;
	[sflag:s21] =	ssyncadd.s32 $0xFFFFC000  }
0x44: {  	[tilespmem:s3], [sflag:$0x3] =	stream.linear.gather [hbm4b:s17+s3], $0x80, $0x38;
	[tilespmem:$0x1BD00] =	vst v63  }
0x45: {  	s14 =	sadd.s32 s6, s14  }
0x46: {  	[tilespmem:s22], [sflag:$0x3] =	stream.linear.gather [hbm4b:s14+s3], $0x80, $0x38;
	[tilespmem:$0x1BD00] =	vst v63  }
0x47: {  	_ =	swait.ge [sflag:s10], $0x80  }
0x48: {  	[sflag:s10] =	ssyncset.done $0x0  }
0x49: {  	[sflag:s10] =	ssyncadd.s32 $0xFFFFFF80  }
0x4a: {  	_ =	swait.ge [sflag:s10], $0x80  }
0x4b: {  	s15 =	smin.u32 s3, $0x4A;
	[sflag:s10] =	ssyncset.done $0x0  }
0x4c: {  	s14 =	sshll.u32 s15, $0x7;
	[sflag:s10] =	ssyncadd.s32 $0xFFFFFF80  }
0x4d: {  	[tilespmem:s31], [sflag:$0x1] =	stream.indirect.gather [hbm4b:s4+s23], $0x80, s25, s23, $0xb8;
	[tilespmem:$0x1BD00] =	vst v63  }
0x4e: {  	s14 =	sadd.s32 $0x280, s14;
	_ =	swait.ge [sflag:s11], $0x4000  }
0x4f: {  	s16 =	sand.u32 $0x7C00, s14;
	[sflag:s11] =	ssyncset.done $0x0  }
0x50: {  	s14 =	sand.u32 $0x380, s14;
	s15 =	sadd.s32 s7, s16;
	[sflag:s11] =	ssyncadd.s32 $0xFFFFC000  }
0x51: {  	[spmem:s1] =	stream.indirect.scatter.add.f32 [tilespmem:s2], [sflag:$0x7], $0x80, s24, s23, $0xb8;
	[tilespmem:$0x1BD00] =	vst v63  }
0x52: {  	s14 =	sor.u32 s14, s15;
	_ =	swait.ge [sflag:s21], $0x4000  }
0x53: {  	s14 =	sshrl.u32 s14, $0x3;
	[sflag:s21] =	ssyncset.done $0x0  }
0x54: {  	s17 =	sadd.s32 s5, s14;
	[sflag:s21] =	ssyncadd.s32 $0xFFFFC000  }
0x55: {  	[tilespmem:s23], [sflag:$0x4] =	stream.linear.gather [hbm4b:s17+s3], $0x80, $0x38;
	[tilespmem:$0x1BD00] =	vst v63  }
0x56: {  	s14 =	sadd.s32 s6, s14  }
0x57: {  	[tilespmem:s24], [sflag:$0x4] =	stream.linear.gather [hbm4b:s14+s3], $0x80, $0x38;
	[tilespmem:$0x1BD00] =	vst v63  }
0x58: {  	_ =	swait.ge [sflag:s12], $0x80  }
0x59: {  	[sflag:s12] =	ssyncset.done $0x0  }
0x5a: {  	[sflag:s12] =	ssyncadd.s32 $0xFFFFFF80  }
0x5b: {  	_ =	swait.ge [sflag:s12], $0x80  }
0x5c: {  	s15 =	smin.u32 s3, $0x49;
	[sflag:s12] =	ssyncset.done $0x0  }
0x5d: {  	s14 =	sshll.u32 s15, $0x7;
	[sflag:s12] =	ssyncadd.s32 $0xFFFFFF80  }
0x5e: {  	[tilespmem:s2], [sflag:$0x2] =	stream.indirect.gather [hbm4b:s4+s23], $0x80, s28, s23, $0xb8;
	[tilespmem:$0x1BD00] =	vst v63  }
0x5f: {  	s14 =	sadd.s32 $0x300, s14;
	_ =	swait.ge [sflag:s8], $0x4000  }
0x60: {  	s16 =	sand.u32 $0x7C00, s14;
	[sflag:s8] =	ssyncset.done $0x0  }
0x61: {  	s14 =	sand.u32 $0x380, s14;
	s15 =	sadd.s32 s7, s16;
	[sflag:s8] =	ssyncadd.s32 $0xFFFFC000  }
0x62: {  	[spmem:s1] =	stream.indirect.scatter.add.f32 [tilespmem:s31], [sflag:$0x7], $0x80, s26, s23, $0xb8;
	[tilespmem:$0x1BD00] =	vst v63  }
0x63: {  	s14 =	sor.u32 s14, s15;
	_ =	swait.ge [sflag:s21], $0x4000  }
0x64: {  	s14 =	sshrl.u32 s14, $0x3;
	[sflag:s21] =	ssyncset.done $0x0  }
0x65: {  	s17 =	sadd.s32 s5, s14;
	[sflag:s21] =	ssyncadd.s32 $0xFFFFC000  }
0x66: {  	[tilespmem:s25], [sflag:$0x5] =	stream.linear.gather [hbm4b:s17+s3], $0x80, $0x38;
	[tilespmem:$0x1BD00] =	vst v63  }
0x67: {  	s14 =	sadd.s32 s6, s14  }
0x68: {  	[tilespmem:s26], [sflag:$0x5] =	stream.linear.gather [hbm4b:s14+s3], $0x80, $0x38;
	[tilespmem:$0x1BD00] =	vst v63  }
0x69: {  	_ =	swait.ge [sflag:s30], $0x80  }
0x6a: {  	[sflag:s30] =	ssyncset.done $0x0  }
0x6b: {  	[sflag:s30] =	ssyncadd.s32 $0xFFFFFF80  }
0x6c: {  	_ =	swait.ge [sflag:s30], $0x80  }
0x6d: {  	s15 =	smin.u32 s3, $0x48;
	[sflag:s30] =	ssyncset.done $0x0  }
0x6e: {  	s14 =	sshll.u32 s15, $0x7;
	[sflag:s30] =	ssyncadd.s32 $0xFFFFFF80  }
0x6f: {  	[tilespmem:s31], [sflag:$0x1] =	stream.indirect.gather [hbm4b:s4+s23], $0x80, s3, s23, $0xb8;
	[tilespmem:$0x1BD00] =	vst v63  }
0x70: {  	s14 =	sadd.s32 $0x380, s14;
	_ =	swait.ge [sflag:s11], $0x4000  }
0x71: {  	s16 =	sand.u32 $0x7C00, s14;
	[sflag:s11] =	ssyncset.done $0x0  }
0x72: {  	s14 =	sand.u32 $0x380, s14;
	s15 =	sadd.s32 s7, s16;
	[sflag:s11] =	ssyncadd.s32 $0xFFFFC000  }
0x73: {  	[spmem:s1] =	stream.indirect.scatter.add.f32 [tilespmem:s2], [sflag:$0x7], $0x80, s29, s23, $0xb8;
	[tilespmem:$0x1BD00] =	vst v63  }
0x74: {  	s14 =	sor.u32 s14, s15;
	_ =	swait.ge [sflag:s21], $0x4000  }
0x75: {  	s14 =	sshrl.u32 s14, $0x3;
	[sflag:s21] =	ssyncset.done $0x0  }
0x76: {  	s17 =	sadd.s32 s5, s14;
	[sflag:s21] =	ssyncadd.s32 $0xFFFFC000  }
0x77: {  	[tilespmem:s28], [sflag:$0x6] =	stream.linear.gather [hbm4b:s17+s3], $0x80, $0x38;
	[tilespmem:$0x1BD00] =	vst v63  }
0x78: {  	s14 =	sadd.s32 s6, s14  }
0x79: {  	[tilespmem:s29], [sflag:$0x6] =	stream.linear.gather [hbm4b:s14+s3], $0x80, $0x38;
	[tilespmem:$0x1BD00] =	vst v63  }
0x7a: {  	s14 =	simm.s32 $0x4  }
.LBB2_2:
0x7b: {  	p0 =	sne.s32 s14, $0x4C  }
0x7c: {  	_ =	swait.ge [sflag:s0], $0x80;
	s15 =	smov.u32 s14;
	s14 =	sadd.s32 $0x4, s14  }
0x7d: {  	s16 =	smin.u32 s15, $0x4B;
	[sflag:s0] =	ssyncset.done $0x0  }
0x7e: {  	s16 =	sshll.u32 s16, $0x7;
	[sflag:s0] =	ssyncadd.s32 $0xFFFFFF80  }
0x7f: {  	s16 =	sadd.s32 $0x200, s16;
	_ =	swait.ge [sflag:s0], $0x80  }
0x80: {  	s17 =	sand.u32 $0x7C00, s16;
	[sflag:s0] =	ssyncset.done $0x0  }
0x81: {  	s16 =	sand.u32 $0x380, s16;
	s17 =	sadd.s32 s7, s17;
	[sflag:s0] =	ssyncadd.s32 $0xFFFFFF80  }
0x82: {  	[tilespmem:s2], [sflag:$0x2] =	stream.indirect.gather [hbm4b:s4+s23], $0x80, s23, s23, $0xb8;
	[tilespmem:$0x1BD00] =	vst v63  }
0x83: {  	s16 =	sor.u32 s16, s17;
	_ =	swait.ge [sflag:s8], $0x4000  }
0x84: {  	[sflag:s8] =	ssyncset.done $0x0  }
0x85: {  	s16 =	sshrl.u32 s16, $0x3;
	[sflag:s8] =	ssyncadd.s32 $0xFFFFC000  }
0x86: {  	[spmem:s1] =	stream.indirect.scatter.add.f32 [tilespmem:s31], [sflag:$0x7], $0x80, s22, s23, $0xb8;
	[tilespmem:$0x1BD00] =	vst v63  }
0x87: {  	s17 =	sadd.s32 s5, s16;
	_ =	swait.ge [sflag:s21], $0x4000  }
0x88: {  	[sflag:s21] =	ssyncset.done $0x0  }
0x89: {  	[sflag:s21] =	ssyncadd.s32 $0xFFFFC000  }
0x8a: {  	[tilespmem:s3], [sflag:$0x3] =	stream.linear.gather [hbm4b:s17+s3], $0x80, $0x38;
	[tilespmem:$0x1BD00] =	vst v63  }
0x8b: {  	s16 =	sadd.s32 s6, s16  }
0x8c: {  	[tilespmem:s22], [sflag:$0x3] =	stream.linear.gather [hbm4b:s16+s3], $0x80, $0x38;
	[tilespmem:$0x1BD00] =	vst v63  }
0x8d: {  	_ =	swait.ge [sflag:s10], $0x80  }
0x8e: {  	[sflag:s10] =	ssyncset.done $0x0  }
0x8f: {  	[sflag:s10] =	ssyncadd.s32 $0xFFFFFF80  }
0x90: {  	s16 =	smin.u32 s15, $0x4A;
	_ =	swait.ge [sflag:s10], $0x80  }
0x91: {  	s16 =	sshll.u32 s16, $0x7;
	[sflag:s10] =	ssyncset.done $0x0  }
0x92: {  	s16 =	sadd.s32 $0x280, s16;
	[sflag:s10] =	ssyncadd.s32 $0xFFFFFF80  }
0x93: {  	[tilespmem:s31], [sflag:$0x1] =	stream.indirect.gather [hbm4b:s4+s23], $0x80, s25, s23, $0xb8;
	[tilespmem:$0x1BD00] =	vst v63  }
0x94: {  	s17 =	sand.u32 $0x7C00, s16;
	_ =	swait.ge [sflag:s11], $0x4000  }
0x95: {  	s16 =	sand.u32 $0x380, s16;
	s17 =	sadd.s32 s7, s17;
	[sflag:s11] =	ssyncset.done $0x0  }
0x96: {  	s16 =	sor.u32 s16, s17;
	[sflag:s11] =	ssyncadd.s32 $0xFFFFC000  }
0x97: {  	[spmem:s1] =	stream.indirect.scatter.add.f32 [tilespmem:s2], [sflag:$0x7], $0x80, s24, s23, $0xb8;
	[tilespmem:$0x1BD00] =	vst v63  }
0x98: {  	s16 =	sshrl.u32 s16, $0x3;
	_ =	swait.ge [sflag:s21], $0x4000  }
0x99: {  	s17 =	sadd.s32 s5, s16;
	[sflag:s21] =	ssyncset.done $0x0  }
0x9a: {  	[sflag:s21] =	ssyncadd.s32 $0xFFFFC000  }
0x9b: {  	[tilespmem:s23], [sflag:$0x4] =	stream.linear.gather [hbm4b:s17+s3], $0x80, $0x38;
	[tilespmem:$0x1BD00] =	vst v63  }
0x9c: {  	s16 =	sadd.s32 s6, s16  }
0x9d: {  	[tilespmem:s24], [sflag:$0x4] =	stream.linear.gather [hbm4b:s16+s3], $0x80, $0x38;
	[tilespmem:$0x1BD00] =	vst v63  }
0x9e: {  	_ =	swait.ge [sflag:s12], $0x80  }
0x9f: {  	[sflag:s12] =	ssyncset.done $0x0  }
0xa0: {  	[sflag:s12] =	ssyncadd.s32 $0xFFFFFF80  }
0xa1: {  	_ =	swait.ge [sflag:s12], $0x80  }
0xa2: {  	s16 =	smin.u32 s15, $0x49;
	[sflag:s12] =	ssyncset.done $0x0  }
0xa3: {  	s16 =	sshll.u32 s16, $0x7;
	[sflag:s12] =	ssyncadd.s32 $0xFFFFFF80  }
0xa4: {  	[tilespmem:s2], [sflag:$0x2] =	stream.indirect.gather [hbm4b:s4+s23], $0x80, s28, s23, $0xb8;
	[tilespmem:$0x1BD00] =	vst v63  }
0xa5: {  	s16 =	sadd.s32 $0x300, s16;
	_ =	swait.ge [sflag:s8], $0x4000  }
0xa6: {  	s17 =	sand.u32 $0x7C00, s16;
	s16 =	sand.u32 $0x380, s16;
	[sflag:s8] =	ssyncset.done $0x0  }
0xa7: {  	s17 =	sadd.s32 s7, s17;
	[sflag:s8] =	ssyncadd.s32 $0xFFFFC000  }
0xa8: {  	[spmem:s1] =	stream.indirect.scatter.add.f32 [tilespmem:s31], [sflag:$0x7], $0x80, s26, s23, $0xb8;
	[tilespmem:$0x1BD00] =	vst v63  }
0xa9: {  	s16 =	sor.u32 s16, s17;
	_ =	swait.ge [sflag:s21], $0x4000  }
0xaa: {  	s16 =	sshrl.u32 s16, $0x3;
	[sflag:s21] =	ssyncset.done $0x0  }
0xab: {  	s17 =	sadd.s32 s5, s16;
	s16 =	sadd.s32 s6, s16;
	[sflag:s21] =	ssyncadd.s32 $0xFFFFC000  }
0xac: {  	[tilespmem:s25], [sflag:$0x5] =	stream.linear.gather [hbm4b:s17+s3], $0x80, $0x38;
	[tilespmem:$0x1BD00] =	vst v63  }
0xad: {  	_ = 	snop  }
0xae: {  	[tilespmem:s26], [sflag:$0x5] =	stream.linear.gather [hbm4b:s16+s3], $0x80, $0x38;
	[tilespmem:$0x1BD00] =	vst v63  }
0xaf: {  	_ =	swait.ge [sflag:s30], $0x80  }
0xb0: {  	[sflag:s30] =	ssyncset.done $0x0  }
0xb1: {  	[sflag:s30] =	ssyncadd.s32 $0xFFFFFF80  }
0xb2: {  	_ =	swait.ge [sflag:s30], $0x80  }
0xb3: {  	[sflag:s30] =	ssyncset.done $0x0  }
0xb4: {  	s15 =	smin.u32 s15, $0x48;
	[sflag:s30] =	ssyncadd.s32 $0xFFFFFF80  }
0xb5: {  	[tilespmem:s31], [sflag:$0x1] =	stream.indirect.gather [hbm4b:s4+s23], $0x80, s3, s23, $0xb8;
	[tilespmem:$0x1BD00] =	vst v63  }
0xb6: {  	s15 =	sshll.u32 s15, $0x7;
	_ =	swait.ge [sflag:s11], $0x4000  }
0xb7: {  	s15 =	sadd.s32 $0x380, s15;
	[sflag:s11] =	ssyncset.done $0x0  }
0xb8: {  	s16 =	sand.u32 $0x7C00, s15;
	s15 =	sand.u32 $0x380, s15;
	[sflag:s11] =	ssyncadd.s32 $0xFFFFC000  }
0xb9: {  	[spmem:s1] =	stream.indirect.scatter.add.f32 [tilespmem:s2], [sflag:$0x7], $0x80, s29, s23, $0xb8;
	[tilespmem:$0x1BD00] =	vst v63  }
0xba: {  	s16 =	sadd.s32 s7, s16;
	_ =	swait.ge [sflag:s21], $0x4000  }
0xbb: {  	s15 =	sor.u32 s15, s16;
	[sflag:s21] =	ssyncset.done $0x0  }
.Ltmp0:
0xbc: {  	s15 =	sshrl.u32 s15, $0x3;
	[sflag:s21] =	ssyncadd.s32 $0xFFFFC000;
	(pc) =	sbr.rel @p0 .LBB2_2-.Ltmp0, $4  }
0xbd: {  	s16 =	sadd.s32 s5, s15;
	s15 =	sadd.s32 s6, s15  }
0xbe: {  	[tilespmem:s28], [sflag:$0x6] =	stream.linear.gather [hbm4b:s16+s3], $0x80, $0x38;
	[tilespmem:$0x1BD00] =	vst v63  }
0xbf: {  	_ = 	snop  }
0xc0: {  	[tilespmem:s29], [sflag:$0x6] =	stream.linear.gather [hbm4b:s15+s3], $0x80, $0x38;
	[tilespmem:$0x1BD00] =	vst v63  }
0xc1: {  	_ =	swait.ge [sflag:s0], $0x80  }
0xc2: {  	[sflag:s0] =	ssyncset.done $0x0  }
0xc3: {  	[sflag:s0] =	ssyncadd.s32 $0xFFFFFF80  }
0xc4: {  	_ =	swait.ge [sflag:s0], $0x80  }
0xc5: {  	[sflag:s0] =	ssyncset.done $0x0  }
0xc6: {  	[sflag:s0] =	ssyncadd.s32 $0xFFFFFF80  }
0xc7: {  	[tilespmem:s2], [sflag:$0x2] =	stream.indirect.gather [hbm4b:s4+s23], $0x80, s23, s23, $0xb8;
	[tilespmem:$0x1BD00] =	vst v63  }
0xc8: {  	_ =	swait.ge [sflag:s10], $0x80  }
0xc9: {  	[sflag:s10] =	ssyncset.done $0x0  }
0xca: {  	[sflag:s10] =	ssyncadd.s32 $0xFFFFFF80  }
0xcb: {  	_ =	swait.ge [sflag:s10], $0x80  }
0xcc: {  	[sflag:s10] =	ssyncset.done $0x0  }
0xcd: {  	[sflag:s10] =	ssyncadd.s32 $0xFFFFFF80  }
0xce: {  	_ =	swait.ge [sflag:s12], $0x80  }
0xcf: {  	[sflag:s12] =	ssyncset.done $0x0  }
0xd0: {  	[sflag:s12] =	ssyncadd.s32 $0xFFFFFF80  }
0xd1: {  	_ =	swait.ge [sflag:s12], $0x80  }
0xd2: {  	[sflag:s12] =	ssyncset.done $0x0  }
0xd3: {  	[sflag:s12] =	ssyncadd.s32 $0xFFFFFF80  }
0xd4: {  	_ =	swait.ge [sflag:s8], $0x4000  }
0xd5: {  	[sflag:s8] =	ssyncset.done $0x0  }
0xd6: {  	[sflag:s8] =	ssyncadd.s32 $0xFFFFC000  }
0xd7: {  	_ =	swait.ge [sflag:s11], $0x4000  }
0xd8: {  	s13 =	sadd.s32 $0x1, s13;
	[sflag:s11] =	ssyncset.done $0x0  }
0xd9: {  	p0 =	sne.s32 s13, s19;
	[sflag:s11] =	ssyncadd.s32 $0xFFFFC000  }
.Ltmp1:
0xda: {  	[bflag:$0x0] =	sbarrier.arrive $0xFFFF;
	(pc) =	sbr.rel @p0 .LBB2_1-.Ltmp1, $4  }
0xdb: {  	[hbm:s18], [sflag:s9] =	dma.local [spmem:s20], $0x2720  }
0xdc: {  	_ =	swait.ge [sflag:s21], $0x2720  }
0xdd: {  	[sflag:s21] =	ssyncset.done $0x0  }
0xde: {  	[sflag:s21] =	ssyncadd.s32 $0xFFFFD8E0  }
0xdf: {  	_ =	sfence.sel $0x180000  }
0xe0: {  	[bflag:$0x0] =	sbarrier.arrive $0xFFFF  }
0xe1: {  	_ =	strace $0x9000004D  }
0xe2: {  	s0 =	stileid.u32;
	[bflag:$0x2] =	sbarrier.arrive $0xFFFF  }
0xe3: {  	p0 =	sne.s32 s0, $0x0;
	s0 =	rddreg [dreg:$0x2]  }
0xe4: {  	s0 =	sadd.s32 @!p0 $0x100000, s0  }
0xe5: {  	[sflag:s0] =	ssyncadd.tile.s32 @!p0 $0x1;
	_ =	shalt  }
.Lfunc_end2:
_tile_overlayer_lowered:
.L_overlay_start_2:
0xe6: {  	(tag) =	ssettag $0x2  }
0xe7: {  	s0 =	rddreg [dreg:$0x0];
	s2 =	stileid.u32  }
0xe8: {  	s1 =	rddreg [dreg:$0x1];
	p0 =	sne.s32 s2, $0x0  }
0xe9: {  	s3 =	rddreg [dreg:$0x2];
	[bflag:$0x3] =	sbarrier.arrive $0xFFFF;
	s2 =	simm.s32 @!p0 $0x1C07  }
0xea: {  	[timem:s3], [sflag:s2] =	dma.local @!p0 [hbm:s0], s1  }
0xeb: {  	s0 =	simm.s32 @!p0 $0x7  }
0xec: {  	_ =	swait.ge @!p0 [sflag:s0], s1  }
0xed: {  	s1 =	ssub.s32 @!p0 $0x0, s1;
	[sflag:s0] =	ssyncset.done @!p0 $0x0  }
0xee: {  	[sflag:s0] =	ssyncadd.s32 @!p0 s1  }
0xef: {  	[bflag:$0x3] =	sbarrier.arrive $0xFFFF  }
0xf0: {  	_ =	shalt  }

// kernel: kernel.8.cloned.1.call-start
scs
__scs_entry_jumppad:
0x0: {  	(pc) =	sbr.rel $0x88, $3  }
0x1: {  	(tag) =	ssettag $0x0;
	lr =	simm.s32 $0x1  }
0x2: {  	[smem:$0x3F98] =	sst lr;
	_ =	strace $0xD0000000  }
0x3: {  	_ = 	snop  }
0x4: {  	_ = 	snop  }
0x5: {  	_ = 	snop  }
0x6: {  	_ = 	snop  }
0x7: {  	_ = 	snop  }
__scs_overlays_trampoline_lowered:
0x8: {  	[smem:$0x3FA7] =	sst s0  }
0x9: {  	[smem:$0x3FA8] =	sst s1  }
0xa: {  	[smem:$0x3FA9] =	sst s2  }
0xb: {  	[smem:$0x3FAA] =	sst s3  }
0xc: {  	[smem:$0x3FAB] =	sst s4  }
0xd: {  	[smem:$0x3FAC] =	sst s5  }
0xe: {  	[smem:$0x3FAD] =	sst s6  }
0xf: {  	[smem:$0x3FAE] =	sst s7  }
0x10: {  	[smem:$0x3FAF] =	sst s8  }
0x11: {  	[smem:$0x3FB0] =	sst s9;
	s0 =	simm.s32 @!p0 $0x0  }
0x12: {  	s1 =	sld [smem:$0x3F96];
	s0 =	simm.s32 @p0 $0x1  }
0x13: {  	[smem:$0x3FB1] =	sst s0;
	s0 =	simm.s32 @!p1 $0x0  }
0x14: {  	s2 =	sld [smem:$0x3F95];
	s0 =	simm.s32 @p1 $0x1  }
0x15: {  	[smem:$0x3FB2] =	sst s0;
	s0 =	simm.s32 @!p2 $0x0  }
0x16: {  	s3 =	sld [smem:$0x3FDB];
	s0 =	simm.s32 @p2 $0x1  }
0x17: {  	s4 =	simm.s32 $0x1BF5;
	[smem:$0x3FB4] =	sst s0  }
0x18: {  	s0 =	sld [smem:$0x3F97];
	_ =	swait.ge [sflag:s4], $0x0  }
0x19: {  	s7 =	sld [smem:$0x3F98]  }
0x1a: {  	s8 =	sadd.s32 $0xFFFFE003, lr  }
0x1b: {  	s9 =	sadd.s32 $0xFFFFFEF7, lr;
	s5 =	simm.s32 $0xFFFFFFFF;
	p2 =	slt.u32 s8, $0xFFFFF086  }
0x1c: {  	p1 =	slt.u32 s9, $0xF7A;
	s5 =	simm.s32 @!p2 $0x0  }
0x1d: {  	s5 =	simm.s32 @p1 $0x1;
	p0 =	seq.s32 s7, s2  }
0x1e: {  	s7 =	smul.u32 @!p0 $0xF7A, s2;
	p2 =	seq.s32 @!p0 s5, $0x0  }
0x1f: {  	s9 =	smul.u32 $0xF7A, s1;
	s8 =	simm.s32 @!p0 $0x1BF5;
	p2 =	por !p2, p0  }
0x20: {  	[sflag:s8] =	ssyncset.s32 @!p0 $0xFFFFF086;
	s6 =	sadd.s32 @!p0 s3, s7;
	s7 =	simm.s32 @!p0 $0x108  }
0x21: {  	s3 =	sadd.s32 s3, s9;
	s6 =	sadd.s32 @!p0 $0x88, s6;
	s7 =	simm.s32 @p2 $0x1082  }
0x22: {  	[simem:s7], [sflag:s8] =	dma.local @!p0 [hbm:s6], $0xF7A  }
0x23: {  	s9 =	sor.u32 $0xD0000000, s2;
	s6 =	simm.s32 $0x108;
	_ =	swait.ge @!p0 [sflag:s8], $0x0  }
0x24: {  	s3 =	sadd.s32 $0x88, s3;
	s6 =	simm.s32 @!p1 $0x1082;
	[sflag:s4] =	ssyncset.s32 $0xFFFFF086  }
0x25: {  	[simem:s6], [sflag:s4] =	dma.local [hbm:s3], $0xF7A  }
0x26: {  	[smem:$0x3F98] =	sst s1;
	(tag) =	ssettag s2;
	_ =	strace s9  }
0x27: {  	s1 =	sld [smem:$0x3FA8]  }
0x28: {  	s2 =	sld [smem:$0x3FA9]  }
0x29: {  	s4 =	sld [smem:$0x3FAB]  }
0x2a: {  	p0 =	seq.s32 s5, $0x0;
	s5 =	sld [smem:$0x3FAC]  }
0x2b: {  	s6 =	sld [smem:$0x3FAD]  }
0x2c: {  	s7 =	sld [smem:$0x3FAE]  }
0x2d: {  	s3 =	simm.s32 $0x108;
	s8 =	sld [smem:$0x3FAF]  }
0x2e: {  	s3 =	simm.s32 @!p0 $0x1082;
	s9 =	sld [smem:$0x3FB0]  }
0x2f: {  	lr =	sadd.s32 s0, s3;
	s0 =	sld [smem:$0x3FA7]  }
0x30: {  	s3 =	sld [smem:$0x3FAA]  }
0x31: {  	[smem:$0x3FB3] =	sst s10  }
0x32: {  	s10 =	sld [smem:$0x3FB1];
	_ =	sdelay $0x3  }
0x33: {  	p0 =	seq.s32 s10, $0x1;
	s10 =	sld [smem:$0x3FB3];
	_ =	sdelay $0x3  }
0x34: {  	[smem:$0x3FB3] =	sst s10  }
0x35: {  	s10 =	sld [smem:$0x3FB2];
	_ =	sdelay $0x3  }
0x36: {  	p1 =	seq.s32 s10, $0x1;
	s10 =	sld [smem:$0x3FB3];
	_ =	sdelay $0x3  }
0x37: {  	[smem:$0x3FB3] =	sst s10  }
0x38: {  	s10 =	sld [smem:$0x3FB4]  }
0x39: {  	_ = 	snop;
	(pc) =	sbr.ind lr, $3  }
0x3a: {  	_ = 	snop  }
0x3b: {  	_ = 	snop  }
0x3c: {  	p2 =	seq.s32 s10, $0x1;
	s10 =	sld [smem:$0x3FB3]  }
0x3d: {  	_ =	shalt  }
0x3e: {  	_ =	shalt  }
0x3f: {  	_ =	shalt  }
0x40: {  	_ =	shalt  }
0x41: {  	_ =	shalt  }
0x42: {  	_ =	shalt  }
0x43: {  	_ =	shalt  }
0x44: {  	_ =	shalt  }
0x45: {  	_ =	shalt  }
0x46: {  	_ =	shalt  }
0x47: {  	_ =	shalt  }
0x48: {  	_ =	shalt  }
0x49: {  	_ =	shalt  }
0x4a: {  	_ =	shalt  }
0x4b: {  	_ =	shalt  }
0x4c: {  	_ =	shalt  }
0x4d: {  	_ =	shalt  }
0x4e: {  	_ =	shalt  }
0x4f: {  	_ =	shalt  }
0x50: {  	_ =	shalt  }
0x51: {  	_ =	shalt  }
0x52: {  	_ =	shalt  }
0x53: {  	_ =	shalt  }
0x54: {  	_ =	shalt  }
0x55: {  	_ =	shalt  }
0x56: {  	_ =	shalt  }
0x57: {  	_ =	shalt  }
0x58: {  	_ =	shalt  }
0x59: {  	_ =	shalt  }
0x5a: {  	_ =	shalt  }
0x5b: {  	_ =	shalt  }
0x5c: {  	_ =	shalt  }
0x5d: {  	_ =	shalt  }
0x5e: {  	_ =	shalt  }
0x5f: {  	_ =	shalt  }
0x60: {  	_ =	shalt  }
0x61: {  	_ =	shalt  }
0x62: {  	_ =	shalt  }
0x63: {  	_ =	shalt  }
0x64: {  	_ =	shalt  }
0x65: {  	_ =	shalt  }
0x66: {  	_ =	shalt  }
0x67: {  	_ =	shalt  }
0x68: {  	_ =	shalt  }
0x69: {  	_ =	shalt  }
0x6a: {  	_ =	shalt  }
0x6b: {  	_ =	shalt  }
0x6c: {  	_ =	shalt  }
0x6d: {  	_ =	shalt  }
0x6e: {  	_ =	shalt  }
0x6f: {  	_ =	shalt  }
0x70: {  	_ =	shalt  }
0x71: {  	_ =	shalt  }
0x72: {  	_ =	shalt  }
0x73: {  	_ =	shalt  }
0x74: {  	_ =	shalt  }
0x75: {  	_ =	shalt  }
0x76: {  	_ =	shalt  }
0x77: {  	_ =	shalt  }
0x78: {  	_ =	shalt  }
0x79: {  	_ =	shalt  }
0x7a: {  	_ =	shalt  }
0x7b: {  	_ =	shalt  }
0x7c: {  	_ =	shalt  }
0x7d: {  	_ =	shalt  }
0x7e: {  	_ =	shalt  }
0x7f: {  	_ =	shalt  }
0x80: {  	_ =	shalt  }
0x81: {  	_ =	shalt  }
0x82: {  	_ =	shalt  }
0x83: {  	_ =	shalt  }
0x84: {  	_ =	shalt  }
0x85: {  	_ =	shalt  }
0x86: {  	_ =	shalt  }
0x87: {  	_ =	shalt  }
.Lfunc_end0:
.L_simem_size_0:
called_computation_lowered:
.L_overlay_start_0:
0x88: {  	s2 =	sld [smem:$0x3FD9]  }
0x89: {  	s3 =	sld [smem:$0x3FFE];
	_ =	sdelay $0x1  }
0x8a: {  	s1 =	srdreg.scid  }
0x8b: {  	s0 =	sand.u32 $0x1, s1  }
0x8c: {  	s16 =	sshll.u32 s0, $0xA;
	s2 =	sadd.s32 s3, s2  }
0x8d: {  	s2 =	sadd.s32 s2, s16  }
0x8e: {  	[smem:$0x3FBF] =	sst s2  }
0x8f: {  	_ = 	snop  }
0x90: {  	(tm) =	ssettm $0x1  }
0x91: {  	s17 =	sld [smem:$0x3FFB];
	_ =	sdelay $0x3  }
0x92: {  	_ =	strace s17  }
0x93: {  	s2 =	sld [smem:$0x3FFC];
	_ =	sdelay $0x3  }
0x94: {  	_ =	strace s2  }
0x95: {  	s2 =	sld [smem:$0x3FFD];
	_ =	sdelay $0x3  }
0x96: {  	_ =	strace s2  }
0x97: {  	_ =	strace $0x8FFFFFFF  }
0x98: {  	s18 =	sld [smem:$0x3FDB];
	_ =	sdelay $0x1  }
0x99: {  	s19 =	simm.s32 $_scs_section_size  }
0x9a: {  	s4 =	simm.s32 $_size__tile_overlayer_lowered;
	s5 =	simm.s32 $_tile_overlayer_lowered  }
0x9b: {  	s22 =	simm.s32 $0x1BFF;
	s21 =	sshll.u32 s5, $0x1;
	s2 =	sadd.s32 s19, s18  }
0x9c: {  	s6 =	simm.s32 $0x0;
	s20 =	sshll.u32 s4, $0x1;
	s4 =	sadd.s32 s21, s2  }
0x9d: {  	[timem:s6], [sflag:s22] =	dma.local [hbm:s4], s20  }
0x9e: {  	_ =	swait.ge [sflag:s22], s20  }
0x9f: {  	s3 =	ssub.s32 $0x0, s20;
	[sflag:s22] =	ssyncset.done $0x0  }
0xa0: {  	[sflag:s22] =	ssyncadd.s32 s3;
	_ =	sdelay $0x1  }
0xa1: {  	s23 =	simm.s32 $0x1B8B  }
0xa2: {  	_ =	swait.ge [sflag:s23], $0x1  }
0xa3: {  	[sflag:s23] =	ssyncset.done $0x0  }
0xa4: {  	s25 =	simm.s32 $0x1B8E;
	s24 =	sld [smem:$0x3FFE];
	[sflag:s23] =	ssyncadd.s32 $0xFFFFFFFF  }
0xa5: {  	s26 =	simm.s32 $execute0_lowered;
	[smem:$0x3FD2] =	sst s25  }
0xa6: {  	s4 =	sshll.u32 s26, $0x1;
	_ =	strace $0x80000046;
	[dreg:$0x1] =	wrdreg $0xFFFFFFFF  }
0xa7: {  	s28 =	simm.s32 $_size_execute0_lowered;
	s2 =	sadd.s32 s2, s4;
	[dreg:$0x0] =	wrdreg $0x0  }
0xa8: {  	s4 =	sshll.u32 s28, $0x1;
	[dreg:$0x2] =	wrdreg s2  }
0xa9: {  	[dreg:$0x3] =	wrdreg s4  }
0xaa: {  	[dreg:$0x4] =	wrdreg $0xC0  }
0xab: {  	_ =	task [dreg:s6], $0x5FFFF  }
0xac: {  	[dreg:$0x1] =	wrdreg $0xFFFFFFFF  }
0xad: {  	[dreg:$0x0] =	wrdreg $0x60  }
0xae: {  	[dreg:$0x2] =	wrdreg s24  }
0xaf: {  	[dreg:$0x3] =	wrdreg $0x68000  }
0xb0: {  	[dreg:$0x4] =	wrdreg $0x9  }
0xb1: {  	_ =	task.clear_ibuf [dreg:s6], $0x5FFFF;
	_ =	strace $0x90000046  }
0xb2: {  	s29 =	simm.s32 $0x9;
	_ =	strace $0x80000048  }
0xb3: {  	_ =	swait.ge [sflag:s29], $0x1  }
0xb4: {  	[sflag:s29] =	ssyncadd.s32 $0xFFFFFFFF  }
0xb5: {  	_ =	strace $0x90000048  }
0xb6: {  	_ =	sfence  }
0xb7: {  	s30 =	sld [smem:$0x0];
	_ =	sdelay $0x2  }
0xb8: {  	s31 =	sshll.u32 s1, $0xD;
	s1 =	sshrl.u32 s1, $0x2  }
0xb9: {  	s3 =	sand.u32 $0x4000, s31;
	s1 =	sadd.s32 s1, s30  }
0xba: {  	s0 =	sor.u32 s3, s0;
	s1 =	sshll.u32 s1, $0x11  }
0xbb: {  	s0 =	sor.u32 s1, s0  }
0xbc: {  	s0 =	sadd.s32 $0x8F2B, s0  }
0xbd: {  	[sflag:s0] =	ssyncadd.remote.s32 $0x1  }
0xbe: {  	_ =	sfence.sel $0xFFFF  }
0xbf: {  	[dreg:$0x0] =	wrdreg $0xFFFFFFFF;
	(pc) =	sbr.abs _section_cstart, $3  }
0xc0: {  	[dreg:$0x1] =	wrdreg $0xFFFFFFFF  }
0xc1: {  	_ =	task.clear_ibuf [dreg:s6], $0x2FFFF;
	_ =	strace $0x9FFFFFFF  }
0xc2: {  	(tm) =	ssettm $0x7FFFFFFF  }
0xc3: {  	_ =	shalt  }
tec
execute0_lowered:
.L_overlay_start_1:
0x0: {  	(tag) =	ssettag $0x1  }
0x1: {  	s1 =	srdreg.scid  }
0x2: {  	s0 =	stileid.u32;
	s7 =	rddreg [dreg:$0x0]  }
0x3: {  	s2 =	rddreg [dreg:$0x1];
	s3 =	simm.s32 $0x0;
	s13 =	simm.s32 $0x80  }
0x4: {  	s14 =	simm.s32 $0x0;
	s6 =	sand.u32 $0x1, s1;
	s8 =	smul.u32 $0x14000, s0  }
0x5: {  	s30 =	sshll.u32 s0, $0x1;
	[smem:$0x7FF] =	sst s3;
	s10 =	smul.u32 $0x50000, s0  }
0x6: {  	s11 =	sshll.u32 s0, $0x6;
	s1 =	sor.u32 s6, s30;
	s5 =	smul.u32 $0x140000, s6  }
0x7: {  	s6 =	ssub.s32 $0x2, s6;
	s11 =	sor.u32 $0x1C01, s11;
	s4 =	smul.u32 $0x500, s1  }
0x8: {  	s1 =	rddreg [dreg:$0x2];
	_ =	strace $0x80000047;
	s31 =	sshrl.u32 s6, $0x1  }
0x9: {  	s10 =	sshrl.u32 s10, $0x2;
	s8 =	sadd.s32 s8, s5;
	s5 =	sadd.s32 $0x16400, s7  }
0xa: {  	s12 =	sadd.s32 s10, s2;
	s10 =	simm.s32 $0x2800;
	s9 =	sadd.s32 s4, s7  }
0xb: {  	s4 =	sadd.s32 $0x18C00, s7;
	s8 =	sshrl.u32 s8, $0x3;
	s12 =	sshrl.u32 s12, $0x3  }
0xc: {  	s7 =	sadd.s32 s8, s7;
	s8 =	ssub.s32 s6, s31;
	s6 =	sadd.s32 $0x2400, s9  }
0xd: {  	s9 =	simm.s32 $0x1;
	s7 =	sadd.s32 $0x19400, s7;
	s8 =	smax.u32 s8, $0x1  }
.LBB2_1:
0xe: {  	[tilespmem:s3], [sflag:$0x1] =	stream.linear.gather [hbm4b:s6+s3], $0x2800, $0x38;
	[tilespmem:$0x1A800] =	vst v63  }
0xf: {  	_ =	swait.ge [sflag:s9], $0x2800  }
0x10: {  	[sflag:s9] =	ssyncset.done $0x0  }
0x11: {  	[sflag:s9] =	ssyncadd.s32 $0xFFFFD800  }
0x12: {  	[tilespmem:s10], [sflag:$0x1] =	stream.linear.gather [hbm4b:s4+s3], $0x4000, $0x38;
	[tilespmem:$0x1A800] =	vst v63  }
0x13: {  	_ =	swait.ge [sflag:s9], $0x4000  }
0x14: {  	[sflag:s9] =	ssyncset.done $0x0  }
0x15: {  	[sflag:s9] =	ssyncadd.s32 $0xFFFFC000  }
0x16: {  	[spmem:s12], [sflag:s11] =	dma.local [hbm:s5], $0x2800  }
0x17: {  	_ =	swait.ge [sflag:s9], $0x2800  }
0x18: {  	[sflag:s9] =	ssyncset.done $0x0  }
0x19: {  	[sflag:s9] =	ssyncadd.s32 $0xFFFFD800  }
0x1a: {  	s15 =	simm.s32 $0x0;
	[bflag:$0x0] =	sbarrier.arrive $0xFFFF  }
0x1b: {  	[spmem:s2] =	stream.indirect.scatter.add.f32 [tilespmem:s10], [sflag:$0x1], $0x80, s15, s13, $0xb8;
	[tilespmem:$0x1A800] =	vst v63  }
0x1c: {  	_ =	swait.ge [sflag:s9], $0x4000  }
0x1d: {  	s15 =	simm.s32 $0x200;
	[sflag:s9] =	ssyncset.done $0x0  }
.LBB2_2:
0x1e: {  	s16 =	sshra.s32 s15, $0x2;
	[sflag:s9] =	ssyncadd.s32 $0xFFFFC000;
	p0 =	sne.s32 s15, $0x9E00  }
0x1f: {  	[spmem:s2] =	stream.indirect.scatter.add.f32 [tilespmem:s10], [sflag:$0x1], $0x80, s16, s13, $0xb8;
	[tilespmem:$0x1A800] =	vst v63  }
.Ltmp0:
0x20: {  	_ = 	snop;
	(pc) =	sbr.rel @p0 .LBB2_2-.Ltmp0, $4  }
0x21: {  	_ = 	snop  }
0x22: {  	s15 =	sadd.s32 $0x200, s15  }
0x23: {  	_ =	swait.ge [sflag:s9], $0x4000  }
0x24: {  	[sflag:s9] =	ssyncset.done $0x0  }
0x25: {  	s14 =	sadd.s32 $0x1, s14  }
0x26: {  	[sflag:s9] =	ssyncadd.s32 $0xFFFFC000;
	p0 =	sne.s32 s14, s8  }
.Ltmp1:
0x27: {  	[bflag:$0x0] =	sbarrier.arrive $0xFFFF;
	(pc) =	sbr.rel @p0 .LBB2_1-.Ltmp1, $4  }
0x28: {  	[hbm:s7], [sflag:s11] =	dma.local [spmem:s12], $0x2800  }
0x29: {  	_ =	swait.ge [sflag:s9], $0x2800  }
0x2a: {  	[sflag:s9] =	ssyncset.done $0x0  }
0x2b: {  	[sflag:s9] =	ssyncadd.s32 $0xFFFFD800  }
0x2c: {  	_ =	sfence.sel $0x180000  }
0x2d: {  	[bflag:$0x0] =	sbarrier.arrive $0xFFFF  }
0x2e: {  	p0 =	sne.s32 s0, $0x0;
	_ =	strace $0x90000047  }
0x2f: {  	s0 =	sadd.s32 @!p0 $0x100000, s1;
	[bflag:$0x2] =	sbarrier.arrive $0xFFFF  }
0x30: {  	[sflag:s0] =	ssyncadd.tile.s32 @!p0 $0x1;
	_ =	shalt  }
.Lfunc_end2:
_tile_overlayer_lowered:
.L_overlay_start_2:
0x31: {  	(tag) =	ssettag $0x2  }
0x32: {  	s0 =	rddreg [dreg:$0x0];
	s2 =	stileid.u32  }
0x33: {  	s1 =	rddreg [dreg:$0x1];
	p0 =	sne.s32 s2, $0x0  }
0x34: {  	s3 =	rddreg [dreg:$0x2];
	[bflag:$0x3] =	sbarrier.arrive $0xFFFF;
	s2 =	simm.s32 @!p0 $0x1C01  }
0x35: {  	[timem:s3], [sflag:s2] =	dma.local @!p0 [hbm:s0], s1  }
0x36: {  	s0 =	simm.s32 @!p0 $0x1  }
0x37: {  	_ =	swait.ge @!p0 [sflag:s0], s1  }
0x38: {  	s1 =	ssub.s32 @!p0 $0x0, s1;
	[sflag:s0] =	ssyncset.done @!p0 $0x0  }
0x39: {  	[sflag:s0] =	ssyncadd.s32 @!p0 s1  }
0x3a: {  	[bflag:$0x3] =	sbarrier.arrive $0xFFFF  }
0x3b: {  	_ =	shalt  }

</sc_bundles>
